<compile_context>
chip_gen: v7x
topology: tpu7x:2x2x1
jax: 0.10.2.dev20260603
libtpu: 0.0.44.dev20260713+nightly
codegen_flags: <defaults>
</compile_context>

<pallas_src>
import functools

import jax
import jax.numpy as jnp
from jax import lax
from jax.experimental import pallas as pl
from jax.experimental.pallas import tpu as pltpu
from jax.experimental.pallas import tpu_sc as plsc

N_NODES = 10000
N_EDGES = 320000
D_IN = 128
D_HID = 128
D_OUT = 64
DW = 32

NPAD = 10000
NT = 16
CHUNK = 128
CPW = 160
NBUF = 4
NCH = N_EDGES // CHUNK
LAST_CPW = NCH - 15 * CPW
ROWS_PER_TILE = NPAD // NT


@functools.lru_cache(maxsize=None)
def _sc_layer(npairs, with_deg):
    nblk = 2 * npairs
    mesh = plsc.VectorSubcoreMesh(core_axis_name="c", subcore_axis_name="s",
                                  num_cores=2, num_subcores=16)
    out_t = [jax.ShapeDtypeStruct((NPAD, DW), jnp.float32)] * nblk
    scratch = [
        pltpu.VMEM((CPW, CHUNK), jnp.int32),
        pltpu.VMEM((CPW, CHUNK), jnp.int32),
        [pltpu.VMEM((CHUNK, DW), jnp.float32) for _ in range(NBUF)],
        pltpu.VMEM_SHARED((NPAD, DW), jnp.float32),
        pltpu.VMEM_SHARED((NPAD, DW), jnp.float32),
        [pltpu.SemaphoreType.DMA for _ in range(NBUF)],
    ]
    if with_deg:
        out_t += [jax.ShapeDtypeStruct((NPAD, 16), jnp.float32)]
        scratch += [pltpu.VMEM((CHUNK, 16), jnp.float32),
                    pltpu.VMEM_SHARED((NPAD, 16), jnp.float32)]

    def agg(*refs):
        p_blocks = refs[:nblk]
        ei_hbm, zd_hbm, z16_hbm, ones_hbm = refs[nblk:nblk + 4]
        outs = refs[nblk + 4:2 * nblk + 4]
        rest = refs[2 * nblk + 4:]
        if with_deg:
            deg_out = rest[0]
            (src_v, dst_v, rows, tab, acc, sems, ones_v, dacc) = rest[1:]
        else:
            (src_v, dst_v, rows, tab, acc, sems) = rest
        c = lax.axis_index("c")
        s = lax.axis_index("s")
        rbase = s * ROWS_PER_TILE
        row_slice = pl.ds(rbase, ROWS_PER_TILE)

        @pl.when(s < NT - 1)
        def _():
            pltpu.sync_copy(ei_hbm.at[0, pl.ds(s * CPW, CPW)], src_v)
            pltpu.sync_copy(ei_hbm.at[1, pl.ds(s * CPW, CPW)], dst_v)

        @pl.when(s == NT - 1)
        def _():
            pltpu.sync_copy(ei_hbm.at[0, pl.ds((NT - 1) * CPW, LAST_CPW)],
                            src_v.at[pl.ds(0, LAST_CPW)])
            pltpu.sync_copy(ei_hbm.at[1, pl.ds((NT - 1) * CPW, LAST_CPW)],
                            dst_v.at[pl.ds(0, LAST_CPW)])

        nch_s = lax.select(s < NT - 1, CPW, LAST_CPW)
        if with_deg:
            pltpu.sync_copy(ones_hbm, ones_v)
            pltpu.sync_copy(z16_hbm, dacc.at[row_slice])

        for t in range(npairs):
            @pl.when(c == 0)
            def _():
                pltpu.sync_copy(p_blocks[2 * t].at[row_slice],
                                tab.at[row_slice])

            @pl.when(c == 1)
            def _():
                pltpu.sync_copy(p_blocks[2 * t + 1].at[row_slice],
                                tab.at[row_slice])

            pltpu.sync_copy(zd_hbm, acc.at[row_slice])
            plsc.subcore_barrier()

            for b in range(NBUF):
                pltpu.async_copy(tab.at[src_v.at[b]], rows[b], sems[b])

            count_deg = with_deg and t == 0

            def step(i, carry):
                j = i * NBUF
                for b in range(NBUF):
                    jj = j + b
                    pltpu.make_async_copy(tab.at[src_v.at[jj]], rows[b],
                                          sems[b]).wait()
                    pltpu.sync_copy(rows[b], acc.at[dst_v.at[jj]], add=True)
                    if count_deg:
                        pltpu.sync_copy(ones_v, dacc.at[dst_v.at[jj]],
                                        add=True)

                    @pl.when(jj + NBUF < nch_s)
                    def _():
                        pltpu.async_copy(tab.at[src_v.at[jj + NBUF]],
                                         rows[b], sems[b])
                return carry

            lax.fori_loop(0, nch_s // NBUF, step, 0)
            plsc.subcore_barrier()

            @pl.when(c == 0)
            def _():
                pltpu.sync_copy(acc.at[row_slice], outs[2 * t].at[row_slice])

            @pl.when(c == 1)
            def _():
                pltpu.sync_copy(acc.at[row_slice],
                                outs[2 * t + 1].at[row_slice])

        if with_deg:
            @pl.when(c == 0)
            def _():
                pltpu.sync_copy(dacc.at[row_slice], deg_out.at[row_slice])

    return pl.kernel(
        agg, mesh=mesh, out_type=out_t, scratch_types=scratch,
        compiler_params=pltpu.CompilerParams(use_tc_tiling_on_sc=False))


BLK = 1000


def _tc_matmul_blocks(x, w):
    k, d = w.shape
    nblk = d // DW

    def body(*refs):
        x_ref, w_ref = refs[:2]
        p = jnp.dot(x_ref[...], w_ref[...], preferred_element_type=jnp.float32)
        for i, o_ref in enumerate(refs[2:]):
            o_ref[...] = p[:, i * DW:(i + 1) * DW]

    return pl.pallas_call(
        body,
        grid=(NPAD // BLK,),
        in_specs=[pl.BlockSpec((BLK, k), lambda i: (i, 0)),
                  pl.BlockSpec((k, d), lambda i: (0, 0))],
        out_specs=[pl.BlockSpec((BLK, DW), lambda i: (i, 0))] * nblk,
        out_shape=[jax.ShapeDtypeStruct((NPAD, DW), jnp.float32)] * nblk,
    )(x, w)


def _tc_mid(aggs, pblks, deg, b1, w2):
    d_in, d_out = w2.shape
    nin = d_in // DW
    nout = d_out // DW

    def body(*refs):
        ins = refs[:nin]
        ps = refs[nin:2 * nin]
        dg, b_ref, w_ref = refs[2 * nin:2 * nin + 3]
        outs = refs[2 * nin + 3:]
        denom = dg[...][:, 0:1] + 1.0
        bb = b_ref[...]
        blocks = [(sa[...] + pk[...]) / denom + bb[:, k * DW:(k + 1) * DW]
                  for k, (sa, pk) in enumerate(zip(ins, ps))]
        h = jnp.maximum(jnp.concatenate(blocks, axis=1), 0.0)
        p2 = jnp.dot(h, w_ref[...], preferred_element_type=jnp.float32)
        for k, o_ref in enumerate(outs):
            o_ref[...] = p2[:, k * DW:(k + 1) * DW]

    nar = pl.BlockSpec((BLK, DW), lambda i: (i, 0))
    return pl.pallas_call(
        body,
        grid=(NPAD // BLK,),
        in_specs=[nar] * (2 * nin) + [
            pl.BlockSpec((BLK, 16), lambda i: (i, 0)),
            pl.BlockSpec((1, d_in), lambda i: (0, 0)),
            pl.BlockSpec((d_in, d_out), lambda i: (0, 0))],
        out_specs=[nar] * nout,
        out_shape=[jax.ShapeDtypeStruct((NPAD, DW), jnp.float32)] * nout,
    )(*aggs, *pblks, deg, b1, w2)


def _tc_final(aggs, pblks, deg, b2):
    d = D_OUT
    nin = d // DW

    def body(*refs):
        ins = refs[:nin]
        ps = refs[nin:2 * nin]
        dg, b_ref, o_ref = refs[2 * nin:]
        denom = dg[...][:, 0:1] + 1.0
        bb = b_ref[...]
        blocks = [(sa[...] + pk[...]) / denom + bb[:, k * DW:(k + 1) * DW]
                  for k, (sa, pk) in enumerate(zip(ins, ps))]
        o_ref[...] = jnp.concatenate(blocks, axis=1)

    nar = pl.BlockSpec((BLK, DW), lambda i: (i, 0))
    return pl.pallas_call(
        body,
        grid=(NPAD // BLK,),
        in_specs=[nar] * (2 * nin) + [
            pl.BlockSpec((BLK, 16), lambda i: (i, 0)),
            pl.BlockSpec((1, d), lambda i: (0, 0))],
        out_specs=pl.BlockSpec((BLK, d), lambda i: (i, 0)),
        out_shape=jax.ShapeDtypeStruct((NPAD, d), jnp.float32),
    )(*aggs, *pblks, deg, b2)


def kernel(x, edge_index, W1, b1, W2, b2):
    f32 = jnp.float32
    ei3 = edge_index.astype(jnp.int32).reshape(2, NCH, CHUNK)
    zd = jnp.zeros((ROWS_PER_TILE, DW), f32)
    z16 = jnp.zeros((ROWS_PER_TILE, 16), f32)
    ones16 = jnp.ones((CHUNK, 16), f32)
    b1r = b1.reshape(1, D_HID)
    b2r = b2.reshape(1, D_OUT)

    p1b = _tc_matmul_blocks(x, W1)
    *agg1, deg = _sc_layer(2, True)(*p1b, ei3, zd, z16, ones16)
    p2b = _tc_mid(agg1, p1b, deg, b1r, W2)

    agg2 = _sc_layer(1, False)(*p2b, ei3, zd, z16, ones16)
    return _tc_final(agg2, p2b, deg, b2r)

# --- scband reference (transcript-rebuilt; emitter-appended) ---
"""Pipeline reference for scband-cluster-net-70712341561941 (READ-ONLY COPY).

The authoritative reference and input builder live on the scoring server;
editing this copy changes nothing except your own understanding.
"""

import jax, jax.numpy as jnp
import numpy as np

N_NODES = 10000
N_EDGES = 320000
D_IN = 128
D_HID = 128
D_OUT = 64
N_CLUSTERS = 16

def setup_inputs(seed: int = 0) -> dict:
    key = jax.random.key(seed)
    k1, k2, k3, k4, k5, k6 = jax.random.split(key, 6)
    x = jax.random.normal(k1, (N_NODES, D_IN), dtype=jnp.float32)
    edge_index = jax.random.randint(k2, (2, N_EDGES), 0, N_NODES, dtype=jnp.int64)
    # Xavier-uniform style initialization for the encoder weights
    lim1 = float(np.sqrt(6.0 / (D_IN + D_HID)))
    W1 = jax.random.uniform(k3, (D_IN, D_HID), dtype=jnp.float32, minval=-lim1, maxval=lim1)
    b1 = jnp.zeros((D_HID,), dtype=jnp.float32)
    lim2 = float(np.sqrt(6.0 / (D_HID + D_OUT)))
    W2 = jax.random.uniform(k4, (D_HID, D_OUT), dtype=jnp.float32, minval=-lim2, maxval=lim2)
    b2 = jnp.zeros((D_OUT,), dtype=jnp.float32)
    return {"x": x, "edge_index": edge_index, "W1": W1, "b1": b1, "W2": W2, "b2": b2}

def reference(x, edge_index, W1, b1, W2, b2):
    # 2-layer GCN-style encoder (DGL SAGEConv, aggregator_type='gcn'):
    # h_agg[v] = (sum_{u in N(v)} h[u] + h[v]) / (deg(v) + 1); out = h_agg @ W + b
    # Dropout is identity in eval mode; activations: relu, none.
    src = edge_index[0]
    dst = edge_index[1]
    n = x.shape[0]
    deg = jnp.zeros((n,), dtype=x.dtype).at[dst].add(1.0)
    denom = (deg + 1.0)[:, None]

    def gcn_layer(h, W, b):
        msgs = jnp.take(h, src, axis=0)                      # gather (SparseCore)
        agg = jnp.zeros((n, h.shape[1]), dtype=h.dtype).at[dst].add(msgs)  # scatter-add
        agg = (agg + h) / denom
        return agg @ W + b

    h = jax.nn.relu(gcn_layer(x, W1, b1))
    x_en = gcn_layer(h, W2, b2)
    return x_en

if __name__ == "__main__":
    import jax
    _d = setup_inputs()
    print(jax.jit(kernel)(*tuple(_d.values())))

</pallas_src>

<mosaic_0001>
#map = affine_map<(d0, d1) -> (0, 0)>
#map1 = affine_map<(d0, d1) -> (0, 0, 0)>
module attributes {stable_mosaic.version = 14 : i64} {
  func.func @agg(%arg0: i32, %arg1: i32, %arg2: memref<10000x32xf32, #tpu.memory_space<hbm>>, %arg3: memref<10000x32xf32, #tpu.memory_space<hbm>>, %arg4: memref<10000x32xf32, #tpu.memory_space<hbm>>, %arg5: memref<10000x32xf32, #tpu.memory_space<hbm>>, %arg6: memref<2x2500x128xi32, #tpu.memory_space<hbm>>, %arg7: memref<625x32xf32, #tpu.memory_space<hbm>>, %arg8: memref<625x16xf32, #tpu.memory_space<hbm>>, %arg9: memref<128x16xf32, #tpu.memory_space<hbm>>, %arg10: memref<10000x32xf32, #tpu.memory_space<hbm>>, %arg11: memref<10000x32xf32, #tpu.memory_space<hbm>>, %arg12: memref<10000x32xf32, #tpu.memory_space<hbm>>, %arg13: memref<10000x32xf32, #tpu.memory_space<hbm>>, %arg14: memref<10000x16xf32, #tpu.memory_space<hbm>>, %arg15: memref<160x128xi32, #tpu.memory_space<vmem>>, %arg16: memref<160x128xi32, #tpu.memory_space<vmem>>, %arg17: memref<128x32xf32, #tpu.memory_space<vmem>>, %arg18: memref<128x32xf32, #tpu.memory_space<vmem>>, %arg19: memref<128x32xf32, #tpu.memory_space<vmem>>, %arg20: memref<128x32xf32, #tpu.memory_space<vmem>>, %arg21: memref<10000x32xf32, #tpu.memory_space<vmem_shared>>, %arg22: memref<10000x32xf32, #tpu.memory_space<vmem_shared>>, %arg23: memref<!tpu.dma_semaphore, #tpu.memory_space<semaphore_mem>>, %arg24: memref<!tpu.dma_semaphore, #tpu.memory_space<semaphore_mem>>, %arg25: memref<!tpu.dma_semaphore, #tpu.memory_space<semaphore_mem>>, %arg26: memref<!tpu.dma_semaphore, #tpu.memory_space<semaphore_mem>>, %arg27: memref<128x16xf32, #tpu.memory_space<vmem>>, %arg28: memref<10000x16xf32, #tpu.memory_space<vmem_shared>>) attributes {dimension_semantics = [#tpu.dimension_semantics<core_parallel>, #tpu.dimension_semantics<subcore_parallel>], iteration_bounds = array<i64: 2, 16>, scalar_prefetch = 0 : i64, scratch_operands = 14 : i64, tpu.core_type = #tpu.core_type<sc_vector_subcore>, window_params = [{transform_indices = #map}, {transform_indices = #map}, {transform_indices = #map}, {transform_indices = #map}, {transform_indices = #map1}, {transform_indices = #map}, {transform_indices = #map}, {transform_indices = #map}, {transform_indices = #map}, {transform_indices = #map}, {transform_indices = #map}, {transform_indices = #map}, {transform_indices = #map}]} {
    %mul3A = arith.constant 625 : i32
    %mul3A_0 = arith.muli %arg1, %mul3A : i32
    %lt3A = arith.constant 15 : i32
    %lt3A_1 = arith.cmpi slt, %arg1, %lt3A : i32
    %convert_element_type3A = arith.extui %lt3A_1 : i1 to i32
    %cond3A = arith.constant 0 : i32
    %cond3A_2 = arith.cmpi ne, %convert_element_type3A, %cond3A : i32
    scf.if %cond3A_2 {
      %mul3A_174 = arith.constant 160 : i32
      %mul3A_175 = arith.muli %arg1, %mul3A_174 : i32
      %run_scoped3A = arith.constant 0 : i32
      "tpu.region"() ({
        %run_scoped3A_179 = tpu.sem_alloc : memref<!tpu.dma_semaphore, #tpu.memory_space<semaphore_mem>>
        %dma_start3A_180 = arith.constant 0 : i32
        %dma_start3A_181 = tpu.memref_slice %arg6[%run_scoped3A, %mul3A_175, %dma_start3A_180] : memref<2x2500x128xi32, #tpu.memory_space<hbm>> -> memref<1x160x128xi32, #tpu.memory_space<hbm>>
        %dma_start3A_182 = tpu.memref_squeeze %dma_start3A_181 : memref<1x160x128xi32, #tpu.memory_space<hbm>> -> memref<160x128xi32, #tpu.memory_space<hbm>>
        %dma_start3A_183 = arith.constant 0 : i32
        %dma_start3A_184 = tpu.memref_slice %arg6[%run_scoped3A, %mul3A_175, %dma_start3A_183] : memref<2x2500x128xi32, #tpu.memory_space<hbm>> -> memref<1x160x128xi32, #tpu.memory_space<hbm>>
        %dma_start3A_185 = tpu.memref_squeeze %dma_start3A_184 : memref<1x160x128xi32, #tpu.memory_space<hbm>> -> memref<160x128xi32, #tpu.memory_space<hbm>>
        tpu.enqueue_dma source(%dma_start3A_185 : memref<160x128xi32, #tpu.memory_space<hbm>>) target(%arg15 : memref<160x128xi32, #tpu.memory_space<vmem>>) target_semaphore(%run_scoped3A_179 : memref<!tpu.dma_semaphore, #tpu.memory_space<semaphore_mem>>)
        %dma_wait3A = arith.constant 0 : i32
        %dma_wait3A_186 = tpu.memref_slice %arg6[%run_scoped3A, %mul3A_175, %dma_wait3A] : memref<2x2500x128xi32, #tpu.memory_space<hbm>> -> memref<1x160x128xi32, #tpu.memory_space<hbm>>
        %dma_wait3A_187 = tpu.memref_squeeze %dma_wait3A_186 : memref<1x160x128xi32, #tpu.memory_space<hbm>> -> memref<160x128xi32, #tpu.memory_space<hbm>>
        %dma_wait3A_188 = arith.constant 0 : i32
        %dma_wait3A_189 = tpu.memref_slice %arg6[%run_scoped3A, %mul3A_175, %dma_wait3A_188] : memref<2x2500x128xi32, #tpu.memory_space<hbm>> -> memref<1x160x128xi32, #tpu.memory_space<hbm>>
        %dma_wait3A_190 = tpu.memref_squeeze %dma_wait3A_189 : memref<1x160x128xi32, #tpu.memory_space<hbm>> -> memref<160x128xi32, #tpu.memory_space<hbm>>
        tpu.wait_dma2 semaphore(%run_scoped3A_179 : memref<!tpu.dma_semaphore, #tpu.memory_space<semaphore_mem>>) src(%dma_wait3A_190 : memref<160x128xi32, #tpu.memory_space<hbm>>) dst(%arg15 : memref<160x128xi32, #tpu.memory_space<vmem>>)
        tpu.yield
      }) : () -> ()
      %mul3A_176 = arith.constant 160 : i32
      %mul3A_177 = arith.muli %arg1, %mul3A_176 : i32
      %run_scoped3A_178 = arith.constant 1 : i32
      "tpu.region"() ({
        %run_scoped3A_179 = tpu.sem_alloc : memref<!tpu.dma_semaphore, #tpu.memory_space<semaphore_mem>>
        %dma_start3A_180 = arith.constant 0 : i32
        %dma_start3A_181 = tpu.memref_slice %arg6[%run_scoped3A_178, %mul3A_177, %dma_start3A_180] : memref<2x2500x128xi32, #tpu.memory_space<hbm>> -> memref<1x160x128xi32, #tpu.memory_space<hbm>>
        %dma_start3A_182 = tpu.memref_squeeze %dma_start3A_181 : memref<1x160x128xi32, #tpu.memory_space<hbm>> -> memref<160x128xi32, #tpu.memory_space<hbm>>
        %dma_start3A_183 = arith.constant 0 : i32
        %dma_start3A_184 = tpu.memref_slice %arg6[%run_scoped3A_178, %mul3A_177, %dma_start3A_183] : memref<2x2500x128xi32, #tpu.memory_space<hbm>> -> memref<1x160x128xi32, #tpu.memory_space<hbm>>
        %dma_start3A_185 = tpu.memref_squeeze %dma_start3A_184 : memref<1x160x128xi32, #tpu.memory_space<hbm>> -> memref<160x128xi32, #tpu.memory_space<hbm>>
        tpu.enqueue_dma source(%dma_start3A_185 : memref<160x128xi32, #tpu.memory_space<hbm>>) target(%arg16 : memref<160x128xi32, #tpu.memory_space<vmem>>) target_semaphore(%run_scoped3A_179 : memref<!tpu.dma_semaphore, #tpu.memory_space<semaphore_mem>>)
        %dma_wait3A = arith.constant 0 : i32
        %dma_wait3A_186 = tpu.memref_slice %arg6[%run_scoped3A_178, %mul3A_177, %dma_wait3A] : memref<2x2500x128xi32, #tpu.memory_space<hbm>> -> memref<1x160x128xi32, #tpu.memory_space<hbm>>
        %dma_wait3A_187 = tpu.memref_squeeze %dma_wait3A_186 : memref<1x160x128xi32, #tpu.memory_space<hbm>> -> memref<160x128xi32, #tpu.memory_space<hbm>>
        %dma_wait3A_188 = arith.constant 0 : i32
        %dma_wait3A_189 = tpu.memref_slice %arg6[%run_scoped3A_178, %mul3A_177, %dma_wait3A_188] : memref<2x2500x128xi32, #tpu.memory_space<hbm>> -> memref<1x160x128xi32, #tpu.memory_space<hbm>>
        %dma_wait3A_190 = tpu.memref_squeeze %dma_wait3A_189 : memref<1x160x128xi32, #tpu.memory_space<hbm>> -> memref<160x128xi32, #tpu.memory_space<hbm>>
        tpu.wait_dma2 semaphore(%run_scoped3A_179 : memref<!tpu.dma_semaphore, #tpu.memory_space<semaphore_mem>>) src(%dma_wait3A_190 : memref<160x128xi32, #tpu.memory_space<hbm>>) dst(%arg16 : memref<160x128xi32, #tpu.memory_space<vmem>>)
        tpu.yield
      }) : () -> ()
    } else {
    }
    %eq3A = arith.constant 15 : i32
    %eq3A_3 = arith.cmpi eq, %arg1, %eq3A : i32
    %convert_element_type3A_4 = arith.extui %eq3A_3 : i1 to i32
    %cond3A_5 = arith.constant 0 : i32
    %cond3A_6 = arith.cmpi ne, %convert_element_type3A_4, %cond3A_5 : i32
    scf.if %cond3A_6 {
      %run_scoped3A = arith.constant 0 : i32
      "tpu.region"() ({
        %run_scoped3A_175 = tpu.sem_alloc : memref<!tpu.dma_semaphore, #tpu.memory_space<semaphore_mem>>
        %dma_start3A_176 = arith.constant 0 : i32
        %dma_start3A_177 = arith.constant 0 : i32
        %dma_start3A_178 = tpu.memref_slice %arg15[%dma_start3A_176, %dma_start3A_177] : memref<160x128xi32, #tpu.memory_space<vmem>> -> memref<100x128xi32, #tpu.memory_space<vmem>>
        %dma_start3A_179 = arith.constant 2400 : i32
        %dma_start3A_180 = arith.constant 0 : i32
        %dma_start3A_181 = tpu.memref_slice %arg6[%run_scoped3A, %dma_start3A_179, %dma_start3A_180] : memref<2x2500x128xi32, #tpu.memory_space<hbm>> -> memref<1x100x128xi32, #tpu.memory_space<hbm>>
        %dma_start3A_182 = tpu.memref_squeeze %dma_start3A_181 : memref<1x100x128xi32, #tpu.memory_space<hbm>> -> memref<100x128xi32, #tpu.memory_space<hbm>>
        %dma_start3A_183 = arith.constant 0 : i32
        %dma_start3A_184 = arith.constant 0 : i32
        %dma_start3A_185 = tpu.memref_slice %arg15[%dma_start3A_183, %dma_start3A_184] : memref<160x128xi32, #tpu.memory_space<vmem>> -> memref<100x128xi32, #tpu.memory_space<vmem>>
        %dma_start3A_186 = arith.constant 2400 : i32
        %dma_start3A_187 = arith.constant 0 : i32
        %dma_start3A_188 = tpu.memref_slice %arg6[%run_scoped3A, %dma_start3A_186, %dma_start3A_187] : memref<2x2500x128xi32, #tpu.memory_space<hbm>> -> memref<1x100x128xi32, #tpu.memory_space<hbm>>
        %dma_start3A_189 = tpu.memref_squeeze %dma_start3A_188 : memref<1x100x128xi32, #tpu.memory_space<hbm>> -> memref<100x128xi32, #tpu.memory_space<hbm>>
        tpu.enqueue_dma source(%dma_start3A_189 : memref<100x128xi32, #tpu.memory_space<hbm>>) target(%dma_start3A_185 : memref<100x128xi32, #tpu.memory_space<vmem>>) target_semaphore(%run_scoped3A_175 : memref<!tpu.dma_semaphore, #tpu.memory_space<semaphore_mem>>)
        %dma_wait3A = arith.constant 0 : i32
        %dma_wait3A_190 = arith.constant 0 : i32
        %dma_wait3A_191 = tpu.memref_slice %arg15[%dma_wait3A, %dma_wait3A_190] : memref<160x128xi32, #tpu.memory_space<vmem>> -> memref<100x128xi32, #tpu.memory_space<vmem>>
        %dma_wait3A_192 = arith.constant 2400 : i32
        %dma_wait3A_193 = arith.constant 0 : i32
        %dma_wait3A_194 = tpu.memref_slice %arg6[%run_scoped3A, %dma_wait3A_192, %dma_wait3A_193] : memref<2x2500x128xi32, #tpu.memory_space<hbm>> -> memref<1x100x128xi32, #tpu.memory_space<hbm>>
        %dma_wait3A_195 = tpu.memref_squeeze %dma_wait3A_194 : memref<1x100x128xi32, #tpu.memory_space<hbm>> -> memref<100x128xi32, #tpu.memory_space<hbm>>
        %dma_wait3A_196 = arith.constant 0 : i32
        %dma_wait3A_197 = arith.constant 0 : i32
        %dma_wait3A_198 = tpu.memref_slice %arg15[%dma_wait3A_196, %dma_wait3A_197] : memref<160x128xi32, #tpu.memory_space<vmem>> -> memref<100x128xi32, #tpu.memory_space<vmem>>
        %dma_wait3A_199 = arith.constant 2400 : i32
        %dma_wait3A_200 = arith.constant 0 : i32
        %dma_wait3A_201 = tpu.memref_slice %arg6[%run_scoped3A, %dma_wait3A_199, %dma_wait3A_200] : memref<2x2500x128xi32, #tpu.memory_space<hbm>> -> memref<1x100x128xi32, #tpu.memory_space<hbm>>
        %dma_wait3A_202 = tpu.memref_squeeze %dma_wait3A_201 : memref<1x100x128xi32, #tpu.memory_space<hbm>> -> memref<100x128xi32, #tpu.memory_space<hbm>>
        tpu.wait_dma2 semaphore(%run_scoped3A_175 : memref<!tpu.dma_semaphore, #tpu.memory_space<semaphore_mem>>) src(%dma_wait3A_202 : memref<100x128xi32, #tpu.memory_space<hbm>>) dst(%dma_wait3A_198 : memref<100x128xi32, #tpu.memory_space<vmem>>)
        tpu.yield
      }) : () -> ()
      %run_scoped3A_174 = arith.constant 1 : i32
      "tpu.region"() ({
        %run_scoped3A_175 = tpu.sem_alloc : memref<!tpu.dma_semaphore, #tpu.memory_space<semaphore_mem>>
        %dma_start3A_176 = arith.constant 0 : i32
        %dma_start3A_177 = arith.constant 0 : i32
        %dma_start3A_178 = tpu.memref_slice %arg16[%dma_start3A_176, %dma_start3A_177] : memref<160x128xi32, #tpu.memory_space<vmem>> -> memref<100x128xi32, #tpu.memory_space<vmem>>
        %dma_start3A_179 = arith.constant 2400 : i32
        %dma_start3A_180 = arith.constant 0 : i32
        %dma_start3A_181 = tpu.memref_slice %arg6[%run_scoped3A_174, %dma_start3A_179, %dma_start3A_180] : memref<2x2500x128xi32, #tpu.memory_space<hbm>> -> memref<1x100x128xi32, #tpu.memory_space<hbm>>
        %dma_start3A_182 = tpu.memref_squeeze %dma_start3A_181 : memref<1x100x128xi32, #tpu.memory_space<hbm>> -> memref<100x128xi32, #tpu.memory_space<hbm>>
        %dma_start3A_183 = arith.constant 0 : i32
        %dma_start3A_184 = arith.constant 0 : i32
        %dma_start3A_185 = tpu.memref_slice %arg16[%dma_start3A_183, %dma_start3A_184] : memref<160x128xi32, #tpu.memory_space<vmem>> -> memref<100x128xi32, #tpu.memory_space<vmem>>
        %dma_start3A_186 = arith.constant 2400 : i32
        %dma_start3A_187 = arith.constant 0 : i32
        %dma_start3A_188 = tpu.memref_slice %arg6[%run_scoped3A_174, %dma_start3A_186, %dma_start3A_187] : memref<2x2500x128xi32, #tpu.memory_space<hbm>> -> memref<1x100x128xi32, #tpu.memory_space<hbm>>
        %dma_start3A_189 = tpu.memref_squeeze %dma_start3A_188 : memref<1x100x128xi32, #tpu.memory_space<hbm>> -> memref<100x128xi32, #tpu.memory_space<hbm>>
        tpu.enqueue_dma source(%dma_start3A_189 : memref<100x128xi32, #tpu.memory_space<hbm>>) target(%dma_start3A_185 : memref<100x128xi32, #tpu.memory_space<vmem>>) target_semaphore(%run_scoped3A_175 : memref<!tpu.dma_semaphore, #tpu.memory_space<semaphore_mem>>)
        %dma_wait3A = arith.constant 0 : i32
        %dma_wait3A_190 = arith.constant 0 : i32
        %dma_wait3A_191 = tpu.memref_slice %arg16[%dma_wait3A, %dma_wait3A_190] : memref<160x128xi32, #tpu.memory_space<vmem>> -> memref<100x128xi32, #tpu.memory_space<vmem>>
        %dma_wait3A_192 = arith.constant 2400 : i32
        %dma_wait3A_193 = arith.constant 0 : i32
        %dma_wait3A_194 = tpu.memref_slice %arg6[%run_scoped3A_174, %dma_wait3A_192, %dma_wait3A_193] : memref<2x2500x128xi32, #tpu.memory_space<hbm>> -> memref<1x100x128xi32, #tpu.memory_space<hbm>>
        %dma_wait3A_195 = tpu.memref_squeeze %dma_wait3A_194 : memref<1x100x128xi32, #tpu.memory_space<hbm>> -> memref<100x128xi32, #tpu.memory_space<hbm>>
        %dma_wait3A_196 = arith.constant 0 : i32
        %dma_wait3A_197 = arith.constant 0 : i32
        %dma_wait3A_198 = tpu.memref_slice %arg16[%dma_wait3A_196, %dma_wait3A_197] : memref<160x128xi32, #tpu.memory_space<vmem>> -> memref<100x128xi32, #tpu.memory_space<vmem>>
        %dma_wait3A_199 = arith.constant 2400 : i32
        %dma_wait3A_200 = arith.constant 0 : i32
        %dma_wait3A_201 = tpu.memref_slice %arg6[%run_scoped3A_174, %dma_wait3A_199, %dma_wait3A_200] : memref<2x2500x128xi32, #tpu.memory_space<hbm>> -> memref<1x100x128xi32, #tpu.memory_space<hbm>>
        %dma_wait3A_202 = tpu.memref_squeeze %dma_wait3A_201 : memref<1x100x128xi32, #tpu.memory_space<hbm>> -> memref<100x128xi32, #tpu.memory_space<hbm>>
        tpu.wait_dma2 semaphore(%run_scoped3A_175 : memref<!tpu.dma_semaphore, #tpu.memory_space<semaphore_mem>>) src(%dma_wait3A_202 : memref<100x128xi32, #tpu.memory_space<hbm>>) dst(%dma_wait3A_198 : memref<100x128xi32, #tpu.memory_space<vmem>>)
        tpu.yield
      }) : () -> ()
    } else {
    }
    %lt3A_7 = arith.constant 15 : i32
    %lt3A_8 = arith.cmpi slt, %arg1, %lt3A_7 : i32
    %select_n3A = arith.constant 100 : i32
    %select_n3A_9 = arith.constant 160 : i32
    %select_n3A_10 = arith.select %lt3A_8, %select_n3A_9, %select_n3A : i32
    "tpu.region"() ({
      %run_scoped3A = tpu.sem_alloc : memref<!tpu.dma_semaphore, #tpu.memory_space<semaphore_mem>>
      tpu.enqueue_dma source(%arg9 : memref<128x16xf32, #tpu.memory_space<hbm>>) target(%arg27 : memref<128x16xf32, #tpu.memory_space<vmem>>) target_semaphore(%run_scoped3A : memref<!tpu.dma_semaphore, #tpu.memory_space<semaphore_mem>>)
      tpu.wait_dma2 semaphore(%run_scoped3A : memref<!tpu.dma_semaphore, #tpu.memory_space<semaphore_mem>>) src(%arg9 : memref<128x16xf32, #tpu.memory_space<hbm>>) dst(%arg27 : memref<128x16xf32, #tpu.memory_space<vmem>>)
      tpu.yield
    }) : () -> ()
    "tpu.region"() ({
      %run_scoped3A = tpu.sem_alloc : memref<!tpu.dma_semaphore, #tpu.memory_space<semaphore_mem>>
      %dma_start3A_174 = arith.constant 0 : i32
      %dma_start3A_175 = tpu.memref_slice %arg28[%mul3A_0, %dma_start3A_174] : memref<10000x16xf32, #tpu.memory_space<vmem_shared>> -> memref<625x16xf32, #tpu.memory_space<vmem_shared>>
      tpu.enqueue_dma source(%arg8 : memref<625x16xf32, #tpu.memory_space<hbm>>) target(%dma_start3A_175 : memref<625x16xf32, #tpu.memory_space<vmem_shared>>) target_semaphore(%run_scoped3A : memref<!tpu.dma_semaphore, #tpu.memory_space<semaphore_mem>>)
      %dma_wait3A = arith.constant 0 : i32
      %dma_wait3A_176 = tpu.memref_slice %arg28[%mul3A_0, %dma_wait3A] : memref<10000x16xf32, #tpu.memory_space<vmem_shared>> -> memref<625x16xf32, #tpu.memory_space<vmem_shared>>
      tpu.wait_dma2 semaphore(%run_scoped3A : memref<!tpu.dma_semaphore, #tpu.memory_space<semaphore_mem>>) src(%arg8 : memref<625x16xf32, #tpu.memory_space<hbm>>) dst(%dma_wait3A_176 : memref<625x16xf32, #tpu.memory_space<vmem_shared>>)
      tpu.yield
    }) : () -> ()
    %eq3A_11 = arith.constant 0 : i32
    %eq3A_12 = arith.cmpi eq, %arg0, %eq3A_11 : i32
    %convert_element_type3A_13 = arith.extui %eq3A_12 : i1 to i32
    %cond3A_14 = arith.constant 0 : i32
    %cond3A_15 = arith.cmpi ne, %convert_element_type3A_13, %cond3A_14 : i32
    scf.if %cond3A_15 {
      "tpu.region"() ({
        %run_scoped3A = tpu.sem_alloc : memref<!tpu.dma_semaphore, #tpu.memory_space<semaphore_mem>>
        %dma_start3A_174 = arith.constant 0 : i32
        %dma_start3A_175 = tpu.memref_slice %arg21[%mul3A_0, %dma_start3A_174] : memref<10000x32xf32, #tpu.memory_space<vmem_shared>> -> memref<625x32xf32, #tpu.memory_space<vmem_shared>>
        %dma_start3A_176 = arith.constant 0 : i32
        %dma_start3A_177 = tpu.memref_slice %arg2[%mul3A_0, %dma_start3A_176] : memref<10000x32xf32, #tpu.memory_space<hbm>> -> memref<625x32xf32, #tpu.memory_space<hbm>>
        tpu.enqueue_dma source(%dma_start3A_177 : memref<625x32xf32, #tpu.memory_space<hbm>>) target(%dma_start3A_175 : memref<625x32xf32, #tpu.memory_space<vmem_shared>>) target_semaphore(%run_scoped3A : memref<!tpu.dma_semaphore, #tpu.memory_space<semaphore_mem>>)
        %dma_wait3A = arith.constant 0 : i32
        %dma_wait3A_178 = tpu.memref_slice %arg21[%mul3A_0, %dma_wait3A] : memref<10000x32xf32, #tpu.memory_space<vmem_shared>> -> memref<625x32xf32, #tpu.memory_space<vmem_shared>>
        %dma_wait3A_179 = arith.constant 0 : i32
        %dma_wait3A_180 = tpu.memref_slice %arg2[%mul3A_0, %dma_wait3A_179] : memref<10000x32xf32, #tpu.memory_space<hbm>> -> memref<625x32xf32, #tpu.memory_space<hbm>>
        tpu.wait_dma2 semaphore(%run_scoped3A : memref<!tpu.dma_semaphore, #tpu.memory_space<semaphore_mem>>) src(%dma_wait3A_180 : memref<625x32xf32, #tpu.memory_space<hbm>>) dst(%dma_wait3A_178 : memref<625x32xf32, #tpu.memory_space<vmem_shared>>)
        tpu.yield
      }) : () -> ()
    } else {
    }
    %eq3A_16 = arith.constant 1 : i32
    %eq3A_17 = arith.cmpi eq, %arg0, %eq3A_16 : i32
    %convert_element_type3A_18 = arith.extui %eq3A_17 : i1 to i32
    %cond3A_19 = arith.constant 0 : i32
    %cond3A_20 = arith.cmpi ne, %convert_element_type3A_18, %cond3A_19 : i32
    scf.if %cond3A_20 {
      "tpu.region"() ({
        %run_scoped3A = tpu.sem_alloc : memref<!tpu.dma_semaphore, #tpu.memory_space<semaphore_mem>>
        %dma_start3A_174 = arith.constant 0 : i32
        %dma_start3A_175 = tpu.memref_slice %arg21[%mul3A_0, %dma_start3A_174] : memref<10000x32xf32, #tpu.memory_space<vmem_shared>> -> memref<625x32xf32, #tpu.memory_space<vmem_shared>>
        %dma_start3A_176 = arith.constant 0 : i32
        %dma_start3A_177 = tpu.memref_slice %arg3[%mul3A_0, %dma_start3A_176] : memref<10000x32xf32, #tpu.memory_space<hbm>> -> memref<625x32xf32, #tpu.memory_space<hbm>>
        tpu.enqueue_dma source(%dma_start3A_177 : memref<625x32xf32, #tpu.memory_space<hbm>>) target(%dma_start3A_175 : memref<625x32xf32, #tpu.memory_space<vmem_shared>>) target_semaphore(%run_scoped3A : memref<!tpu.dma_semaphore, #tpu.memory_space<semaphore_mem>>)
        %dma_wait3A = arith.constant 0 : i32
        %dma_wait3A_178 = tpu.memref_slice %arg21[%mul3A_0, %dma_wait3A] : memref<10000x32xf32, #tpu.memory_space<vmem_shared>> -> memref<625x32xf32, #tpu.memory_space<vmem_shared>>
        %dma_wait3A_179 = arith.constant 0 : i32
        %dma_wait3A_180 = tpu.memref_slice %arg3[%mul3A_0, %dma_wait3A_179] : memref<10000x32xf32, #tpu.memory_space<hbm>> -> memref<625x32xf32, #tpu.memory_space<hbm>>
        tpu.wait_dma2 semaphore(%run_scoped3A : memref<!tpu.dma_semaphore, #tpu.memory_space<semaphore_mem>>) src(%dma_wait3A_180 : memref<625x32xf32, #tpu.memory_space<hbm>>) dst(%dma_wait3A_178 : memref<625x32xf32, #tpu.memory_space<vmem_shared>>)
        tpu.yield
      }) : () -> ()
    } else {
    }
    "tpu.region"() ({
      %run_scoped3A = tpu.sem_alloc : memref<!tpu.dma_semaphore, #tpu.memory_space<semaphore_mem>>
      %dma_start3A_174 = arith.constant 0 : i32
      %dma_start3A_175 = tpu.memref_slice %arg22[%mul3A_0, %dma_start3A_174] : memref<10000x32xf32, #tpu.memory_space<vmem_shared>> -> memref<625x32xf32, #tpu.memory_space<vmem_shared>>
      tpu.enqueue_dma source(%arg7 : memref<625x32xf32, #tpu.memory_space<hbm>>) target(%dma_start3A_175 : memref<625x32xf32, #tpu.memory_space<vmem_shared>>) target_semaphore(%run_scoped3A : memref<!tpu.dma_semaphore, #tpu.memory_space<semaphore_mem>>)
      %dma_wait3A = arith.constant 0 : i32
      %dma_wait3A_176 = tpu.memref_slice %arg22[%mul3A_0, %dma_wait3A] : memref<10000x32xf32, #tpu.memory_space<vmem_shared>> -> memref<625x32xf32, #tpu.memory_space<vmem_shared>>
      tpu.wait_dma2 semaphore(%run_scoped3A : memref<!tpu.dma_semaphore, #tpu.memory_space<semaphore_mem>>) src(%arg7 : memref<625x32xf32, #tpu.memory_space<hbm>>) dst(%dma_wait3A_176 : memref<625x32xf32, #tpu.memory_space<vmem_shared>>)
      tpu.yield
    }) : () -> ()
    %barrier3A = arith.constant 0 : index
    tpu.barrier barrier_id(%barrier3A)
    %dma_start3A = arith.constant 0 : i32
    %dma_start3A_21 = arith.constant 0 : i32
    %dma_start3A_22 = tpu.memref_slice %arg15[%dma_start3A, %dma_start3A_21] : memref<160x128xi32, #tpu.memory_space<vmem>> -> memref<1x128xi32, #tpu.memory_space<vmem>>
    %dma_start3A_23 = tpu.memref_squeeze %dma_start3A_22 : memref<1x128xi32, #tpu.memory_space<vmem>> -> memref<128xi32, #tpu.memory_space<vmem>>
    %dma_start3A_24 = arith.constant 0 : i32
    %dma_start3A_25 = arith.constant 0 : i32
    %dma_start3A_26 = tpu.memref_slice %arg21[%dma_start3A_24, %dma_start3A_25] : memref<10000x32xf32, #tpu.memory_space<vmem_shared>> -> memref<10000x32xf32, #tpu.memory_space<vmem_shared>>
    tpu.enqueue_indirect_dma source(%dma_start3A_26 : memref<10000x32xf32, #tpu.memory_space<vmem_shared>>) target(%arg17 : memref<128x32xf32, #tpu.memory_space<vmem>>) offsets(%dma_start3A_23 : memref<128xi32, #tpu.memory_space<vmem>>) semaphore(%arg23 : memref<!tpu.dma_semaphore, #tpu.memory_space<semaphore_mem>>)
    %dma_start3A_27 = arith.constant 1 : i32
    %dma_start3A_28 = arith.constant 0 : i32
    %dma_start3A_29 = tpu.memref_slice %arg15[%dma_start3A_27, %dma_start3A_28] : memref<160x128xi32, #tpu.memory_space<vmem>> -> memref<1x128xi32, #tpu.memory_space<vmem>>
    %dma_start3A_30 = tpu.memref_squeeze %dma_start3A_29 : memref<1x128xi32, #tpu.memory_space<vmem>> -> memref<128xi32, #tpu.memory_space<vmem>>
    %dma_start3A_31 = arith.constant 0 : i32
    %dma_start3A_32 = arith.constant 0 : i32
    %dma_start3A_33 = tpu.memref_slice %arg21[%dma_start3A_31, %dma_start3A_32] : memref<10000x32xf32, #tpu.memory_space<vmem_shared>> -> memref<10000x32xf32, #tpu.memory_space<vmem_shared>>
    tpu.enqueue_indirect_dma source(%dma_start3A_33 : memref<10000x32xf32, #tpu.memory_space<vmem_shared>>) target(%arg18 : memref<128x32xf32, #tpu.memory_space<vmem>>) offsets(%dma_start3A_30 : memref<128xi32, #tpu.memory_space<vmem>>) semaphore(%arg24 : memref<!tpu.dma_semaphore, #tpu.memory_space<semaphore_mem>>)
    %dma_start3A_34 = arith.constant 2 : i32
    %dma_start3A_35 = arith.constant 0 : i32
    %dma_start3A_36 = tpu.memref_slice %arg15[%dma_start3A_34, %dma_start3A_35] : memref<160x128xi32, #tpu.memory_space<vmem>> -> memref<1x128xi32, #tpu.memory_space<vmem>>
    %dma_start3A_37 = tpu.memref_squeeze %dma_start3A_36 : memref<1x128xi32, #tpu.memory_space<vmem>> -> memref<128xi32, #tpu.memory_space<vmem>>
    %dma_start3A_38 = arith.constant 0 : i32
    %dma_start3A_39 = arith.constant 0 : i32
    %dma_start3A_40 = tpu.memref_slice %arg21[%dma_start3A_38, %dma_start3A_39] : memref<10000x32xf32, #tpu.memory_space<vmem_shared>> -> memref<10000x32xf32, #tpu.memory_space<vmem_shared>>
    tpu.enqueue_indirect_dma source(%dma_start3A_40 : memref<10000x32xf32, #tpu.memory_space<vmem_shared>>) target(%arg19 : memref<128x32xf32, #tpu.memory_space<vmem>>) offsets(%dma_start3A_37 : memref<128xi32, #tpu.memory_space<vmem>>) semaphore(%arg25 : memref<!tpu.dma_semaphore, #tpu.memory_space<semaphore_mem>>)
    %dma_start3A_41 = arith.constant 3 : i32
    %dma_start3A_42 = arith.constant 0 : i32
    %dma_start3A_43 = tpu.memref_slice %arg15[%dma_start3A_41, %dma_start3A_42] : memref<160x128xi32, #tpu.memory_space<vmem>> -> memref<1x128xi32, #tpu.memory_space<vmem>>
    %dma_start3A_44 = tpu.memref_squeeze %dma_start3A_43 : memref<1x128xi32, #tpu.memory_space<vmem>> -> memref<128xi32, #tpu.memory_space<vmem>>
    %dma_start3A_45 = arith.constant 0 : i32
    %dma_start3A_46 = arith.constant 0 : i32
    %dma_start3A_47 = tpu.memref_slice %arg21[%dma_start3A_45, %dma_start3A_46] : memref<10000x32xf32, #tpu.memory_space<vmem_shared>> -> memref<10000x32xf32, #tpu.memory_space<vmem_shared>>
    tpu.enqueue_indirect_dma source(%dma_start3A_47 : memref<10000x32xf32, #tpu.memory_space<vmem_shared>>) target(%arg20 : memref<128x32xf32, #tpu.memory_space<vmem>>) offsets(%dma_start3A_44 : memref<128xi32, #tpu.memory_space<vmem>>) semaphore(%arg26 : memref<!tpu.dma_semaphore, #tpu.memory_space<semaphore_mem>>)
    %jit3A = arith.constant 4 : i32
    %div3A = arith.divsi %select_n3A_10, %jit3A : i32
    %sign3A = arith.constant 0 : i32
    %sign3A_48 = arith.cmpi sgt, %select_n3A_10, %sign3A : i32
    %sign3A_49 = arith.extui %sign3A_48 : i1 to i32
    %sign3A_50 = arith.constant 0 : i32
    %sign3A_51 = arith.cmpi slt, %select_n3A_10, %sign3A_50 : i32
    %sign3A_52 = arith.extui %sign3A_51 : i1 to i32
    %sign3A_53 = arith.subi %sign3A_49, %sign3A_52 : i32
    %sign3A_54 = arith.constant 0 : i32
    %sign3A_55 = arith.cmpi sgt, %jit3A, %sign3A_54 : i32
    %sign3A_56 = arith.extui %sign3A_55 : i1 to i32
    %sign3A_57 = arith.constant 0 : i32
    %sign3A_58 = arith.cmpi slt, %jit3A, %sign3A_57 : i32
    %sign3A_59 = arith.extui %sign3A_58 : i1 to i32
    %sign3A_60 = arith.subi %sign3A_56, %sign3A_59 : i32
    %ne3A = arith.cmpi ne, %sign3A_53, %sign3A_60 : i32
    %rem3A = arith.remsi %select_n3A_10, %jit3A : i32
    %ne3A_61 = arith.constant 0 : i32
    %ne3A_62 = arith.cmpi ne, %rem3A, %ne3A_61 : i32
    %and3A = arith.andi %ne3A, %ne3A_62 : i1
    %sub3A = arith.constant 1 : i32
    %sub3A_63 = arith.subi %div3A, %sub3A : i32
    %select_n3A_64 = arith.select %and3A, %sub3A_63, %div3A : i32
    %while3A = arith.constant 0 : i32
    %while3A_65 = arith.constant 0 : i32
    %while3A_66 = arith.subi %select_n3A_64, %while3A_65 : i32
    %while3A_67 = arith.addi %while3A_65, %while3A_66 : i32
    %while3A_68 = arith.constant 1 : i32
    %while3A_69 = arith.divsi %while3A_66, %while3A_68 : i32
    %while3A_70 = arith.muli %while3A_69, %while3A_68 : i32
    %while3A_71 = arith.addi %while3A_65, %while3A_70 : i32
    %while3A_72 = arith.constant 1 : i32
    scf.for %while3A_174 = %while3A_65 to %while3A_71 step %while3A_72  : i32 {
      %mul3A_175 = arith.constant 4 : i32
      %mul3A_176 = arith.muli %while3A_174, %mul3A_175 : i32
      %add3A = arith.constant 0 : i32
      %add3A_177 = arith.addi %mul3A_176, %add3A : i32
      %dma_wait3A = arith.constant 0 : i32
      %dma_wait3A_178 = tpu.memref_slice %arg15[%add3A_177, %dma_wait3A] : memref<160x128xi32, #tpu.memory_space<vmem>> -> memref<1x128xi32, #tpu.memory_space<vmem>>
      %dma_wait3A_179 = tpu.memref_squeeze %dma_wait3A_178 : memref<1x128xi32, #tpu.memory_space<vmem>> -> memref<128xi32, #tpu.memory_space<vmem>>
      %dma_wait3A_180 = arith.constant 0 : i32
      %dma_wait3A_181 = arith.constant 0 : i32
      %dma_wait3A_182 = tpu.memref_slice %arg21[%dma_wait3A_180, %dma_wait3A_181] : memref<10000x32xf32, #tpu.memory_space<vmem_shared>> -> memref<10000x32xf32, #tpu.memory_space<vmem_shared>>
      tpu.wait_indirect_dma semaphore(%arg23 : memref<!tpu.dma_semaphore, #tpu.memory_space<semaphore_mem>>) src(%dma_wait3A_182 : memref<10000x32xf32, #tpu.memory_space<vmem_shared>>) dst(%arg17 : memref<128x32xf32, #tpu.memory_space<vmem>>)
      "tpu.region"() ({
        %run_scoped3A = tpu.sem_alloc : memref<!tpu.dma_semaphore, #tpu.memory_space<semaphore_mem>>
        %dma_start3A_231 = arith.constant 0 : i32
        %dma_start3A_232 = tpu.memref_slice %arg16[%add3A_177, %dma_start3A_231] : memref<160x128xi32, #tpu.memory_space<vmem>> -> memref<1x128xi32, #tpu.memory_space<vmem>>
        %dma_start3A_233 = tpu.memref_squeeze %dma_start3A_232 : memref<1x128xi32, #tpu.memory_space<vmem>> -> memref<128xi32, #tpu.memory_space<vmem>>
        %dma_start3A_234 = arith.constant 0 : i32
        %dma_start3A_235 = arith.constant 0 : i32
        %dma_start3A_236 = tpu.memref_slice %arg22[%dma_start3A_234, %dma_start3A_235] : memref<10000x32xf32, #tpu.memory_space<vmem_shared>> -> memref<10000x32xf32, #tpu.memory_space<vmem_shared>>
        tpu.enqueue_indirect_dma source(%arg17 : memref<128x32xf32, #tpu.memory_space<vmem>>) target(%dma_start3A_236 : memref<10000x32xf32, #tpu.memory_space<vmem_shared>>) offsets(%dma_start3A_233 : memref<128xi32, #tpu.memory_space<vmem>>) semaphore(%run_scoped3A : memref<!tpu.dma_semaphore, #tpu.memory_space<semaphore_mem>>) {add = true}
        %dma_wait3A_237 = arith.constant 0 : i32
        %dma_wait3A_238 = tpu.memref_slice %arg16[%add3A_177, %dma_wait3A_237] : memref<160x128xi32, #tpu.memory_space<vmem>> -> memref<1x128xi32, #tpu.memory_space<vmem>>
        %dma_wait3A_239 = tpu.memref_squeeze %dma_wait3A_238 : memref<1x128xi32, #tpu.memory_space<vmem>> -> memref<128xi32, #tpu.memory_space<vmem>>
        %dma_wait3A_240 = arith.constant 0 : i32
        %dma_wait3A_241 = arith.constant 0 : i32
        %dma_wait3A_242 = tpu.memref_slice %arg22[%dma_wait3A_240, %dma_wait3A_241] : memref<10000x32xf32, #tpu.memory_space<vmem_shared>> -> memref<10000x32xf32, #tpu.memory_space<vmem_shared>>
        tpu.wait_indirect_dma semaphore(%run_scoped3A : memref<!tpu.dma_semaphore, #tpu.memory_space<semaphore_mem>>) src(%arg17 : memref<128x32xf32, #tpu.memory_space<vmem>>) dst(%dma_wait3A_242 : memref<10000x32xf32, #tpu.memory_space<vmem_shared>>)
        tpu.yield
      }) : () -> ()
      "tpu.region"() ({
        %run_scoped3A = tpu.sem_alloc : memref<!tpu.dma_semaphore, #tpu.memory_space<semaphore_mem>>
        %dma_start3A_231 = arith.constant 0 : i32
        %dma_start3A_232 = tpu.memref_slice %arg16[%add3A_177, %dma_start3A_231] : memref<160x128xi32, #tpu.memory_space<vmem>> -> memref<1x128xi32, #tpu.memory_space<vmem>>
        %dma_start3A_233 = tpu.memref_squeeze %dma_start3A_232 : memref<1x128xi32, #tpu.memory_space<vmem>> -> memref<128xi32, #tpu.memory_space<vmem>>
        %dma_start3A_234 = arith.constant 0 : i32
        %dma_start3A_235 = arith.constant 0 : i32
        %dma_start3A_236 = tpu.memref_slice %arg28[%dma_start3A_234, %dma_start3A_235] : memref<10000x16xf32, #tpu.memory_space<vmem_shared>> -> memref<10000x16xf32, #tpu.memory_space<vmem_shared>>
        tpu.enqueue_indirect_dma source(%arg27 : memref<128x16xf32, #tpu.memory_space<vmem>>) target(%dma_start3A_236 : memref<10000x16xf32, #tpu.memory_space<vmem_shared>>) offsets(%dma_start3A_233 : memref<128xi32, #tpu.memory_space<vmem>>) semaphore(%run_scoped3A : memref<!tpu.dma_semaphore, #tpu.memory_space<semaphore_mem>>) {add = true}
        %dma_wait3A_237 = arith.constant 0 : i32
        %dma_wait3A_238 = tpu.memref_slice %arg16[%add3A_177, %dma_wait3A_237] : memref<160x128xi32, #tpu.memory_space<vmem>> -> memref<1x128xi32, #tpu.memory_space<vmem>>
        %dma_wait3A_239 = tpu.memref_squeeze %dma_wait3A_238 : memref<1x128xi32, #tpu.memory_space<vmem>> -> memref<128xi32, #tpu.memory_space<vmem>>
        %dma_wait3A_240 = arith.constant 0 : i32
        %dma_wait3A_241 = arith.constant 0 : i32
        %dma_wait3A_242 = tpu.memref_slice %arg28[%dma_wait3A_240, %dma_wait3A_241] : memref<10000x16xf32, #tpu.memory_space<vmem_shared>> -> memref<10000x16xf32, #tpu.memory_space<vmem_shared>>
        tpu.wait_indirect_dma semaphore(%run_scoped3A : memref<!tpu.dma_semaphore, #tpu.memory_space<semaphore_mem>>) src(%arg27 : memref<128x16xf32, #tpu.memory_space<vmem>>) dst(%dma_wait3A_242 : memref<10000x16xf32, #tpu.memory_space<vmem_shared>>)
        tpu.yield
      }) : () -> ()
      %add3A_183 = arith.constant 4 : i32
      %add3A_184 = arith.addi %add3A_177, %add3A_183 : i32
      %lt3A_185 = arith.cmpi slt, %add3A_184, %select_n3A_10 : i32
      %convert_element_type3A_186 = arith.extui %lt3A_185 : i1 to i32
      %cond3A_187 = arith.constant 0 : i32
      %cond3A_188 = arith.cmpi ne, %convert_element_type3A_186, %cond3A_187 : i32
      scf.if %cond3A_188 {
        %add3A_231 = arith.constant 4 : i32
        %add3A_232 = arith.addi %add3A_177, %add3A_231 : i32
        %dma_start3A_233 = arith.constant 0 : i32
        %dma_start3A_234 = tpu.memref_slice %arg15[%add3A_232, %dma_start3A_233] : memref<160x128xi32, #tpu.memory_space<vmem>> -> memref<1x128xi32, #tpu.memory_space<vmem>>
        %dma_start3A_235 = tpu.memref_squeeze %dma_start3A_234 : memref<1x128xi32, #tpu.memory_space<vmem>> -> memref<128xi32, #tpu.memory_space<vmem>>
        %dma_start3A_236 = arith.constant 0 : i32
        %dma_start3A_237 = arith.constant 0 : i32
        %dma_start3A_238 = tpu.memref_slice %arg21[%dma_start3A_236, %dma_start3A_237] : memref<10000x32xf32, #tpu.memory_space<vmem_shared>> -> memref<10000x32xf32, #tpu.memory_space<vmem_shared>>
        tpu.enqueue_indirect_dma source(%dma_start3A_238 : memref<10000x32xf32, #tpu.memory_space<vmem_shared>>) target(%arg17 : memref<128x32xf32, #tpu.memory_space<vmem>>) offsets(%dma_start3A_235 : memref<128xi32, #tpu.memory_space<vmem>>) semaphore(%arg23 : memref<!tpu.dma_semaphore, #tpu.memory_space<semaphore_mem>>)
      } else {
      }
      %add3A_189 = arith.constant 1 : i32
      %add3A_190 = arith.addi %mul3A_176, %add3A_189 : i32
      %dma_wait3A_191 = arith.constant 0 : i32
      %dma_wait3A_192 = tpu.memref_slice %arg15[%add3A_190, %dma_wait3A_191] : memref<160x128xi32, #tpu.memory_space<vmem>> -> memref<1x128xi32, #tpu.memory_space<vmem>>
      %dma_wait3A_193 = tpu.memref_squeeze %dma_wait3A_192 : memref<1x128xi32, #tpu.memory_space<vmem>> -> memref<128xi32, #tpu.memory_space<vmem>>
      %dma_wait3A_194 = arith.constant 0 : i32
      %dma_wait3A_195 = arith.constant 0 : i32
      %dma_wait3A_196 = tpu.memref_slice %arg21[%dma_wait3A_194, %dma_wait3A_195] : memref<10000x32xf32, #tpu.memory_space<vmem_shared>> -> memref<10000x32xf32, #tpu.memory_space<vmem_shared>>
      tpu.wait_indirect_dma semaphore(%arg24 : memref<!tpu.dma_semaphore, #tpu.memory_space<semaphore_mem>>) src(%dma_wait3A_196 : memref<10000x32xf32, #tpu.memory_space<vmem_shared>>) dst(%arg18 : memref<128x32xf32, #tpu.memory_space<vmem>>)
      "tpu.region"() ({
        %run_scoped3A = tpu.sem_alloc : memref<!tpu.dma_semaphore, #tpu.memory_space<semaphore_mem>>
        %dma_start3A_231 = arith.constant 0 : i32
        %dma_start3A_232 = tpu.memref_slice %arg16[%add3A_190, %dma_start3A_231] : memref<160x128xi32, #tpu.memory_space<vmem>> -> memref<1x128xi32, #tpu.memory_space<vmem>>
        %dma_start3A_233 = tpu.memref_squeeze %dma_start3A_232 : memref<1x128xi32, #tpu.memory_space<vmem>> -> memref<128xi32, #tpu.memory_space<vmem>>
        %dma_start3A_234 = arith.constant 0 : i32
        %dma_start3A_235 = arith.constant 0 : i32
        %dma_start3A_236 = tpu.memref_slice %arg22[%dma_start3A_234, %dma_start3A_235] : memref<10000x32xf32, #tpu.memory_space<vmem_shared>> -> memref<10000x32xf32, #tpu.memory_space<vmem_shared>>
        tpu.enqueue_indirect_dma source(%arg18 : memref<128x32xf32, #tpu.memory_space<vmem>>) target(%dma_start3A_236 : memref<10000x32xf32, #tpu.memory_space<vmem_shared>>) offsets(%dma_start3A_233 : memref<128xi32, #tpu.memory_space<vmem>>) semaphore(%run_scoped3A : memref<!tpu.dma_semaphore, #tpu.memory_space<semaphore_mem>>) {add = true}
        %dma_wait3A_237 = arith.constant 0 : i32
        %dma_wait3A_238 = tpu.memref_slice %arg16[%add3A_190, %dma_wait3A_237] : memref<160x128xi32, #tpu.memory_space<vmem>> -> memref<1x128xi32, #tpu.memory_space<vmem>>
        %dma_wait3A_239 = tpu.memref_squeeze %dma_wait3A_238 : memref<1x128xi32, #tpu.memory_space<vmem>> -> memref<128xi32, #tpu.memory_space<vmem>>
        %dma_wait3A_240 = arith.constant 0 : i32
        %dma_wait3A_241 = arith.constant 0 : i32
        %dma_wait3A_242 = tpu.memref_slice %arg22[%dma_wait3A_240, %dma_wait3A_241] : memref<10000x32xf32, #tpu.memory_space<vmem_shared>> -> memref<10000x32xf32, #tpu.memory_space<vmem_shared>>
        tpu.wait_indirect_dma semaphore(%run_scoped3A : memref<!tpu.dma_semaphore, #tpu.memory_space<semaphore_mem>>) src(%arg18 : memref<128x32xf32, #tpu.memory_space<vmem>>) dst(%dma_wait3A_242 : memref<10000x32xf32, #tpu.memory_space<vmem_shared>>)
        tpu.yield
      }) : () -> ()
      "tpu.region"() ({
        %run_scoped3A = tpu.sem_alloc : memref<!tpu.dma_semaphore, #tpu.memory_space<semaphore_mem>>
        %dma_start3A_231 = arith.constant 0 : i32
        %dma_start3A_232 = tpu.memref_slice %arg16[%add3A_190, %dma_start3A_231] : memref<160x128xi32, #tpu.memory_space<vmem>> -> memref<1x128xi32, #tpu.memory_space<vmem>>
        %dma_start3A_233 = tpu.memref_squeeze %dma_start3A_232 : memref<1x128xi32, #tpu.memory_space<vmem>> -> memref<128xi32, #tpu.memory_space<vmem>>
        %dma_start3A_234 = arith.constant 0 : i32
        %dma_start3A_235 = arith.constant 0 : i32
        %dma_start3A_236 = tpu.memref_slice %arg28[%dma_start3A_234, %dma_start3A_235] : memref<10000x16xf32, #tpu.memory_space<vmem_shared>> -> memref<10000x16xf32, #tpu.memory_space<vmem_shared>>
        tpu.enqueue_indirect_dma source(%arg27 : memref<128x16xf32, #tpu.memory_space<vmem>>) target(%dma_start3A_236 : memref<10000x16xf32, #tpu.memory_space<vmem_shared>>) offsets(%dma_start3A_233 : memref<128xi32, #tpu.memory_space<vmem>>) semaphore(%run_scoped3A : memref<!tpu.dma_semaphore, #tpu.memory_space<semaphore_mem>>) {add = true}
        %dma_wait3A_237 = arith.constant 0 : i32
        %dma_wait3A_238 = tpu.memref_slice %arg16[%add3A_190, %dma_wait3A_237] : memref<160x128xi32, #tpu.memory_space<vmem>> -> memref<1x128xi32, #tpu.memory_space<vmem>>
        %dma_wait3A_239 = tpu.memref_squeeze %dma_wait3A_238 : memref<1x128xi32, #tpu.memory_space<vmem>> -> memref<128xi32, #tpu.memory_space<vmem>>
        %dma_wait3A_240 = arith.constant 0 : i32
        %dma_wait3A_241 = arith.constant 0 : i32
        %dma_wait3A_242 = tpu.memref_slice %arg28[%dma_wait3A_240, %dma_wait3A_241] : memref<10000x16xf32, #tpu.memory_space<vmem_shared>> -> memref<10000x16xf32, #tpu.memory_space<vmem_shared>>
        tpu.wait_indirect_dma semaphore(%run_scoped3A : memref<!tpu.dma_semaphore, #tpu.memory_space<semaphore_mem>>) src(%arg27 : memref<128x16xf32, #tpu.memory_space<vmem>>) dst(%dma_wait3A_242 : memref<10000x16xf32, #tpu.memory_space<vmem_shared>>)
        tpu.yield
      }) : () -> ()
      %add3A_197 = arith.constant 4 : i32
      %add3A_198 = arith.addi %add3A_190, %add3A_197 : i32
      %lt3A_199 = arith.cmpi slt, %add3A_198, %select_n3A_10 : i32
      %convert_element_type3A_200 = arith.extui %lt3A_199 : i1 to i32
      %cond3A_201 = arith.constant 0 : i32
      %cond3A_202 = arith.cmpi ne, %convert_element_type3A_200, %cond3A_201 : i32
      scf.if %cond3A_202 {
        %add3A_231 = arith.constant 4 : i32
        %add3A_232 = arith.addi %add3A_190, %add3A_231 : i32
        %dma_start3A_233 = arith.constant 0 : i32
        %dma_start3A_234 = tpu.memref_slice %arg15[%add3A_232, %dma_start3A_233] : memref<160x128xi32, #tpu.memory_space<vmem>> -> memref<1x128xi32, #tpu.memory_space<vmem>>
        %dma_start3A_235 = tpu.memref_squeeze %dma_start3A_234 : memref<1x128xi32, #tpu.memory_space<vmem>> -> memref<128xi32, #tpu.memory_space<vmem>>
        %dma_start3A_236 = arith.constant 0 : i32
        %dma_start3A_237 = arith.constant 0 : i32
        %dma_start3A_238 = tpu.memref_slice %arg21[%dma_start3A_236, %dma_start3A_237] : memref<10000x32xf32, #tpu.memory_space<vmem_shared>> -> memref<10000x32xf32, #tpu.memory_space<vmem_shared>>
        tpu.enqueue_indirect_dma source(%dma_start3A_238 : memref<10000x32xf32, #tpu.memory_space<vmem_shared>>) target(%arg18 : memref<128x32xf32, #tpu.memory_space<vmem>>) offsets(%dma_start3A_235 : memref<128xi32, #tpu.memory_space<vmem>>) semaphore(%arg24 : memref<!tpu.dma_semaphore, #tpu.memory_space<semaphore_mem>>)
      } else {
      }
      %add3A_203 = arith.constant 2 : i32
      %add3A_204 = arith.addi %mul3A_176, %add3A_203 : i32
      %dma_wait3A_205 = arith.constant 0 : i32
      %dma_wait3A_206 = tpu.memref_slice %arg15[%add3A_204, %dma_wait3A_205] : memref<160x128xi32, #tpu.memory_space<vmem>> -> memref<1x128xi32, #tpu.memory_space<vmem>>
      %dma_wait3A_207 = tpu.memref_squeeze %dma_wait3A_206 : memref<1x128xi32, #tpu.memory_space<vmem>> -> memref<128xi32, #tpu.memory_space<vmem>>
      %dma_wait3A_208 = arith.constant 0 : i32
      %dma_wait3A_209 = arith.constant 0 : i32
      %dma_wait3A_210 = tpu.memref_slice %arg21[%dma_wait3A_208, %dma_wait3A_209] : memref<10000x32xf32, #tpu.memory_space<vmem_shared>> -> memref<10000x32xf32, #tpu.memory_space<vmem_shared>>
      tpu.wait_indirect_dma semaphore(%arg25 : memref<!tpu.dma_semaphore, #tpu.memory_space<semaphore_mem>>) src(%dma_wait3A_210 : memref<10000x32xf32, #tpu.memory_space<vmem_shared>>) dst(%arg19 : memref<128x32xf32, #tpu.memory_space<vmem>>)
      "tpu.region"() ({
        %run_scoped3A = tpu.sem_alloc : memref<!tpu.dma_semaphore, #tpu.memory_space<semaphore_mem>>
        %dma_start3A_231 = arith.constant 0 : i32
        %dma_start3A_232 = tpu.memref_slice %arg16[%add3A_204, %dma_start3A_231] : memref<160x128xi32, #tpu.memory_space<vmem>> -> memref<1x128xi32, #tpu.memory_space<vmem>>
        %dma_start3A_233 = tpu.memref_squeeze %dma_start3A_232 : memref<1x128xi32, #tpu.memory_space<vmem>> -> memref<128xi32, #tpu.memory_space<vmem>>
        %dma_start3A_234 = arith.constant 0 : i32
        %dma_start3A_235 = arith.constant 0 : i32
        %dma_start3A_236 = tpu.memref_slice %arg22[%dma_start3A_234, %dma_start3A_235] : memref<10000x32xf32, #tpu.memory_space<vmem_shared>> -> memref<10000x32xf32, #tpu.memory_space<vmem_shared>>
        tpu.enqueue_indirect_dma source(%arg19 : memref<128x32xf32, #tpu.memory_space<vmem>>) target(%dma_start3A_236 : memref<10000x32xf32, #tpu.memory_space<vmem_shared>>) offsets(%dma_start3A_233 : memref<128xi32, #tpu.memory_space<vmem>>) semaphore(%run_scoped3A : memref<!tpu.dma_semaphore, #tpu.memory_space<semaphore_mem>>) {add = true}
        %dma_wait3A_237 = arith.constant 0 : i32
        %dma_wait3A_238 = tpu.memref_slice %arg16[%add3A_204, %dma_wait3A_237] : memref<160x128xi32, #tpu.memory_space<vmem>> -> memref<1x128xi32, #tpu.memory_space<vmem>>
        %dma_wait3A_239 = tpu.memref_squeeze %dma_wait3A_238 : memref<1x128xi32, #tpu.memory_space<vmem>> -> memref<128xi32, #tpu.memory_space<vmem>>
        %dma_wait3A_240 = arith.constant 0 : i32
        %dma_wait3A_241 = arith.constant 0 : i32
        %dma_wait3A_242 = tpu.memref_slice %arg22[%dma_wait3A_240, %dma_wait3A_241] : memref<10000x32xf32, #tpu.memory_space<vmem_shared>> -> memref<10000x32xf32, #tpu.memory_space<vmem_shared>>
        tpu.wait_indirect_dma semaphore(%run_scoped3A : memref<!tpu.dma_semaphore, #tpu.memory_space<semaphore_mem>>) src(%arg19 : memref<128x32xf32, #tpu.memory_space<vmem>>) dst(%dma_wait3A_242 : memref<10000x32xf32, #tpu.memory_space<vmem_shared>>)
        tpu.yield
      }) : () -> ()
      "tpu.region"() ({
        %run_scoped3A = tpu.sem_alloc : memref<!tpu.dma_semaphore, #tpu.memory_space<semaphore_mem>>
        %dma_start3A_231 = arith.constant 0 : i32
        %dma_start3A_232 = tpu.memref_slice %arg16[%add3A_204, %dma_start3A_231] : memref<160x128xi32, #tpu.memory_space<vmem>> -> memref<1x128xi32, #tpu.memory_space<vmem>>
        %dma_start3A_233 = tpu.memref_squeeze %dma_start3A_232 : memref<1x128xi32, #tpu.memory_space<vmem>> -> memref<128xi32, #tpu.memory_space<vmem>>
        %dma_start3A_234 = arith.constant 0 : i32
        %dma_start3A_235 = arith.constant 0 : i32
        %dma_start3A_236 = tpu.memref_slice %arg28[%dma_start3A_234, %dma_start3A_235] : memref<10000x16xf32, #tpu.memory_space<vmem_shared>> -> memref<10000x16xf32, #tpu.memory_space<vmem_shared>>
        tpu.enqueue_indirect_dma source(%arg27 : memref<128x16xf32, #tpu.memory_space<vmem>>) target(%dma_start3A_236 : memref<10000x16xf32, #tpu.memory_space<vmem_shared>>) offsets(%dma_start3A_233 : memref<128xi32, #tpu.memory_space<vmem>>) semaphore(%run_scoped3A : memref<!tpu.dma_semaphore, #tpu.memory_space<semaphore_mem>>) {add = true}
        %dma_wait3A_237 = arith.constant 0 : i32
        %dma_wait3A_238 = tpu.memref_slice %arg16[%add3A_204, %dma_wait3A_237] : memref<160x128xi32, #tpu.memory_space<vmem>> -> memref<1x128xi32, #tpu.memory_space<vmem>>
        %dma_wait3A_239 = tpu.memref_squeeze %dma_wait3A_238 : memref<1x128xi32, #tpu.memory_space<vmem>> -> memref<128xi32, #tpu.memory_space<vmem>>
        %dma_wait3A_240 = arith.constant 0 : i32
        %dma_wait3A_241 = arith.constant 0 : i32
        %dma_wait3A_242 = tpu.memref_slice %arg28[%dma_wait3A_240, %dma_wait3A_241] : memref<10000x16xf32, #tpu.memory_space<vmem_shared>> -> memref<10000x16xf32, #tpu.memory_space<vmem_shared>>
        tpu.wait_indirect_dma semaphore(%run_scoped3A : memref<!tpu.dma_semaphore, #tpu.memory_space<semaphore_mem>>) src(%arg27 : memref<128x16xf32, #tpu.memory_space<vmem>>) dst(%dma_wait3A_242 : memref<10000x16xf32, #tpu.memory_space<vmem_shared>>)
        tpu.yield
      }) : () -> ()
      %add3A_211 = arith.constant 4 : i32
      %add3A_212 = arith.addi %add3A_204, %add3A_211 : i32
      %lt3A_213 = arith.cmpi slt, %add3A_212, %select_n3A_10 : i32
      %convert_element_type3A_214 = arith.extui %lt3A_213 : i1 to i32
      %cond3A_215 = arith.constant 0 : i32
      %cond3A_216 = arith.cmpi ne, %convert_element_type3A_214, %cond3A_215 : i32
      scf.if %cond3A_216 {
        %add3A_231 = arith.constant 4 : i32
        %add3A_232 = arith.addi %add3A_204, %add3A_231 : i32
        %dma_start3A_233 = arith.constant 0 : i32
        %dma_start3A_234 = tpu.memref_slice %arg15[%add3A_232, %dma_start3A_233] : memref<160x128xi32, #tpu.memory_space<vmem>> -> memref<1x128xi32, #tpu.memory_space<vmem>>
        %dma_start3A_235 = tpu.memref_squeeze %dma_start3A_234 : memref<1x128xi32, #tpu.memory_space<vmem>> -> memref<128xi32, #tpu.memory_space<vmem>>
        %dma_start3A_236 = arith.constant 0 : i32
        %dma_start3A_237 = arith.constant 0 : i32
        %dma_start3A_238 = tpu.memref_slice %arg21[%dma_start3A_236, %dma_start3A_237] : memref<10000x32xf32, #tpu.memory_space<vmem_shared>> -> memref<10000x32xf32, #tpu.memory_space<vmem_shared>>
        tpu.enqueue_indirect_dma source(%dma_start3A_238 : memref<10000x32xf32, #tpu.memory_space<vmem_shared>>) target(%arg19 : memref<128x32xf32, #tpu.memory_space<vmem>>) offsets(%dma_start3A_235 : memref<128xi32, #tpu.memory_space<vmem>>) semaphore(%arg25 : memref<!tpu.dma_semaphore, #tpu.memory_space<semaphore_mem>>)
      } else {
      }
      %add3A_217 = arith.constant 3 : i32
      %add3A_218 = arith.addi %mul3A_176, %add3A_217 : i32
      %dma_wait3A_219 = arith.constant 0 : i32
      %dma_wait3A_220 = tpu.memref_slice %arg15[%add3A_218, %dma_wait3A_219] : memref<160x128xi32, #tpu.memory_space<vmem>> -> memref<1x128xi32, #tpu.memory_space<vmem>>
      %dma_wait3A_221 = tpu.memref_squeeze %dma_wait3A_220 : memref<1x128xi32, #tpu.memory_space<vmem>> -> memref<128xi32, #tpu.memory_space<vmem>>
      %dma_wait3A_222 = arith.constant 0 : i32
      %dma_wait3A_223 = arith.constant 0 : i32
      %dma_wait3A_224 = tpu.memref_slice %arg21[%dma_wait3A_222, %dma_wait3A_223] : memref<10000x32xf32, #tpu.memory_space<vmem_shared>> -> memref<10000x32xf32, #tpu.memory_space<vmem_shared>>
      tpu.wait_indirect_dma semaphore(%arg26 : memref<!tpu.dma_semaphore, #tpu.memory_space<semaphore_mem>>) src(%dma_wait3A_224 : memref<10000x32xf32, #tpu.memory_space<vmem_shared>>) dst(%arg20 : memref<128x32xf32, #tpu.memory_space<vmem>>)
      "tpu.region"() ({
        %run_scoped3A = tpu.sem_alloc : memref<!tpu.dma_semaphore, #tpu.memory_space<semaphore_mem>>
        %dma_start3A_231 = arith.constant 0 : i32
        %dma_start3A_232 = tpu.memref_slice %arg16[%add3A_218, %dma_start3A_231] : memref<160x128xi32, #tpu.memory_space<vmem>> -> memref<1x128xi32, #tpu.memory_space<vmem>>
        %dma_start3A_233 = tpu.memref_squeeze %dma_start3A_232 : memref<1x128xi32, #tpu.memory_space<vmem>> -> memref<128xi32, #tpu.memory_space<vmem>>
        %dma_start3A_234 = arith.constant 0 : i32
        %dma_start3A_235 = arith.constant 0 : i32
        %dma_start3A_236 = tpu.memref_slice %arg22[%dma_start3A_234, %dma_start3A_235] : memref<10000x32xf32, #tpu.memory_space<vmem_shared>> -> memref<10000x32xf32, #tpu.memory_space<vmem_shared>>
        tpu.enqueue_indirect_dma source(%arg20 : memref<128x32xf32, #tpu.memory_space<vmem>>) target(%dma_start3A_236 : memref<10000x32xf32, #tpu.memory_space<vmem_shared>>) offsets(%dma_start3A_233 : memref<128xi32, #tpu.memory_space<vmem>>) semaphore(%run_scoped3A : memref<!tpu.dma_semaphore, #tpu.memory_space<semaphore_mem>>) {add = true}
        %dma_wait3A_237 = arith.constant 0 : i32
        %dma_wait3A_238 = tpu.memref_slice %arg16[%add3A_218, %dma_wait3A_237] : memref<160x128xi32, #tpu.memory_space<vmem>> -> memref<1x128xi32, #tpu.memory_space<vmem>>
        %dma_wait3A_239 = tpu.memref_squeeze %dma_wait3A_238 : memref<1x128xi32, #tpu.memory_space<vmem>> -> memref<128xi32, #tpu.memory_space<vmem>>
        %dma_wait3A_240 = arith.constant 0 : i32
        %dma_wait3A_241 = arith.constant 0 : i32
        %dma_wait3A_242 = tpu.memref_slice %arg22[%dma_wait3A_240, %dma_wait3A_241] : memref<10000x32xf32, #tpu.memory_space<vmem_shared>> -> memref<10000x32xf32, #tpu.memory_space<vmem_shared>>
        tpu.wait_indirect_dma semaphore(%run_scoped3A : memref<!tpu.dma_semaphore, #tpu.memory_space<semaphore_mem>>) src(%arg20 : memref<128x32xf32, #tpu.memory_space<vmem>>) dst(%dma_wait3A_242 : memref<10000x32xf32, #tpu.memory_space<vmem_shared>>)
        tpu.yield
      }) : () -> ()
      "tpu.region"() ({
        %run_scoped3A = tpu.sem_alloc : memref<!tpu.dma_semaphore, #tpu.memory_space<semaphore_mem>>
        %dma_start3A_231 = arith.constant 0 : i32
        %dma_start3A_232 = tpu.memref_slice %arg16[%add3A_218, %dma_start3A_231] : memref<160x128xi32, #tpu.memory_space<vmem>> -> memref<1x128xi32, #tpu.memory_space<vmem>>
        %dma_start3A_233 = tpu.memref_squeeze %dma_start3A_232 : memref<1x128xi32, #tpu.memory_space<vmem>> -> memref<128xi32, #tpu.memory_space<vmem>>
        %dma_start3A_234 = arith.constant 0 : i32
        %dma_start3A_235 = arith.constant 0 : i32
        %dma_start3A_236 = tpu.memref_slice %arg28[%dma_start3A_234, %dma_start3A_235] : memref<10000x16xf32, #tpu.memory_space<vmem_shared>> -> memref<10000x16xf32, #tpu.memory_space<vmem_shared>>
        tpu.enqueue_indirect_dma source(%arg27 : memref<128x16xf32, #tpu.memory_space<vmem>>) target(%dma_start3A_236 : memref<10000x16xf32, #tpu.memory_space<vmem_shared>>) offsets(%dma_start3A_233 : memref<128xi32, #tpu.memory_space<vmem>>) semaphore(%run_scoped3A : memref<!tpu.dma_semaphore, #tpu.memory_space<semaphore_mem>>) {add = true}
        %dma_wait3A_237 = arith.constant 0 : i32
        %dma_wait3A_238 = tpu.memref_slice %arg16[%add3A_218, %dma_wait3A_237] : memref<160x128xi32, #tpu.memory_space<vmem>> -> memref<1x128xi32, #tpu.memory_space<vmem>>
        %dma_wait3A_239 = tpu.memref_squeeze %dma_wait3A_238 : memref<1x128xi32, #tpu.memory_space<vmem>> -> memref<128xi32, #tpu.memory_space<vmem>>
        %dma_wait3A_240 = arith.constant 0 : i32
        %dma_wait3A_241 = arith.constant 0 : i32
        %dma_wait3A_242 = tpu.memref_slice %arg28[%dma_wait3A_240, %dma_wait3A_241] : memref<10000x16xf32, #tpu.memory_space<vmem_shared>> -> memref<10000x16xf32, #tpu.memory_space<vmem_shared>>
        tpu.wait_indirect_dma semaphore(%run_scoped3A : memref<!tpu.dma_semaphore, #tpu.memory_space<semaphore_mem>>) src(%arg27 : memref<128x16xf32, #tpu.memory_space<vmem>>) dst(%dma_wait3A_242 : memref<10000x16xf32, #tpu.memory_space<vmem_shared>>)
        tpu.yield
      }) : () -> ()
      %add3A_225 = arith.constant 4 : i32
      %add3A_226 = arith.addi %add3A_218, %add3A_225 : i32
      %lt3A_227 = arith.cmpi slt, %add3A_226, %select_n3A_10 : i32
      %convert_element_type3A_228 = arith.extui %lt3A_227 : i1 to i32
      %cond3A_229 = arith.constant 0 : i32
      %cond3A_230 = arith.cmpi ne, %convert_element_type3A_228, %cond3A_229 : i32
      scf.if %cond3A_230 {
        %add3A_231 = arith.constant 4 : i32
        %add3A_232 = arith.addi %add3A_218, %add3A_231 : i32
        %dma_start3A_233 = arith.constant 0 : i32
        %dma_start3A_234 = tpu.memref_slice %arg15[%add3A_232, %dma_start3A_233] : memref<160x128xi32, #tpu.memory_space<vmem>> -> memref<1x128xi32, #tpu.memory_space<vmem>>
        %dma_start3A_235 = tpu.memref_squeeze %dma_start3A_234 : memref<1x128xi32, #tpu.memory_space<vmem>> -> memref<128xi32, #tpu.memory_space<vmem>>
        %dma_start3A_236 = arith.constant 0 : i32
        %dma_start3A_237 = arith.constant 0 : i32
        %dma_start3A_238 = tpu.memref_slice %arg21[%dma_start3A_236, %dma_start3A_237] : memref<10000x32xf32, #tpu.memory_space<vmem_shared>> -> memref<10000x32xf32, #tpu.memory_space<vmem_shared>>
        tpu.enqueue_indirect_dma source(%dma_start3A_238 : memref<10000x32xf32, #tpu.memory_space<vmem_shared>>) target(%arg20 : memref<128x32xf32, #tpu.memory_space<vmem>>) offsets(%dma_start3A_235 : memref<128xi32, #tpu.memory_space<vmem>>) semaphore(%arg26 : memref<!tpu.dma_semaphore, #tpu.memory_space<semaphore_mem>>)
      } else {
      }
    }
    %while3A_73 = arith.constant 1 : i32
    scf.for %while3A_174 = %while3A_71 to %while3A_67 step %while3A_73  : i32 {
      %mul3A_175 = arith.constant 4 : i32
      %mul3A_176 = arith.muli %while3A_174, %mul3A_175 : i32
      %add3A = arith.constant 0 : i32
      %add3A_177 = arith.addi %mul3A_176, %add3A : i32
      %dma_wait3A = arith.constant 0 : i32
      %dma_wait3A_178 = tpu.memref_slice %arg15[%add3A_177, %dma_wait3A] : memref<160x128xi32, #tpu.memory_space<vmem>> -> memref<1x128xi32, #tpu.memory_space<vmem>>
      %dma_wait3A_179 = tpu.memref_squeeze %dma_wait3A_178 : memref<1x128xi32, #tpu.memory_space<vmem>> -> memref<128xi32, #tpu.memory_space<vmem>>
      %dma_wait3A_180 = arith.constant 0 : i32
      %dma_wait3A_181 = arith.constant 0 : i32
      %dma_wait3A_182 = tpu.memref_slice %arg21[%dma_wait3A_180, %dma_wait3A_181] : memref<10000x32xf32, #tpu.memory_space<vmem_shared>> -> memref<10000x32xf32, #tpu.memory_space<vmem_shared>>
      tpu.wait_indirect_dma semaphore(%arg23 : memref<!tpu.dma_semaphore, #tpu.memory_space<semaphore_mem>>) src(%dma_wait3A_182 : memref<10000x32xf32, #tpu.memory_space<vmem_shared>>) dst(%arg17 : memref<128x32xf32, #tpu.memory_space<vmem>>)
      "tpu.region"() ({
        %run_scoped3A = tpu.sem_alloc : memref<!tpu.dma_semaphore, #tpu.memory_space<semaphore_mem>>
        %dma_start3A_231 = arith.constant 0 : i32
        %dma_start3A_232 = tpu.memref_slice %arg16[%add3A_177, %dma_start3A_231] : memref<160x128xi32, #tpu.memory_space<vmem>> -> memref<1x128xi32, #tpu.memory_space<vmem>>
        %dma_start3A_233 = tpu.memref_squeeze %dma_start3A_232 : memref<1x128xi32, #tpu.memory_space<vmem>> -> memref<128xi32, #tpu.memory_space<vmem>>
        %dma_start3A_234 = arith.constant 0 : i32
        %dma_start3A_235 = arith.constant 0 : i32
        %dma_start3A_236 = tpu.memref_slice %arg22[%dma_start3A_234, %dma_start3A_235] : memref<10000x32xf32, #tpu.memory_space<vmem_shared>> -> memref<10000x32xf32, #tpu.memory_space<vmem_shared>>
        tpu.enqueue_indirect_dma source(%arg17 : memref<128x32xf32, #tpu.memory_space<vmem>>) target(%dma_start3A_236 : memref<10000x32xf32, #tpu.memory_space<vmem_shared>>) offsets(%dma_start3A_233 : memref<128xi32, #tpu.memory_space<vmem>>) semaphore(%run_scoped3A : memref<!tpu.dma_semaphore, #tpu.memory_space<semaphore_mem>>) {add = true}
        %dma_wait3A_237 = arith.constant 0 : i32
        %dma_wait3A_238 = tpu.memref_slice %arg16[%add3A_177, %dma_wait3A_237] : memref<160x128xi32, #tpu.memory_space<vmem>> -> memref<1x128xi32, #tpu.memory_space<vmem>>
        %dma_wait3A_239 = tpu.memref_squeeze %dma_wait3A_238 : memref<1x128xi32, #tpu.memory_space<vmem>> -> memref<128xi32, #tpu.memory_space<vmem>>
        %dma_wait3A_240 = arith.constant 0 : i32
        %dma_wait3A_241 = arith.constant 0 : i32
        %dma_wait3A_242 = tpu.memref_slice %arg22[%dma_wait3A_240, %dma_wait3A_241] : memref<10000x32xf32, #tpu.memory_space<vmem_shared>> -> memref<10000x32xf32, #tpu.memory_space<vmem_shared>>
        tpu.wait_indirect_dma semaphore(%run_scoped3A : memref<!tpu.dma_semaphore, #tpu.memory_space<semaphore_mem>>) src(%arg17 : memref<128x32xf32, #tpu.memory_space<vmem>>) dst(%dma_wait3A_242 : memref<10000x32xf32, #tpu.memory_space<vmem_shared>>)
        tpu.yield
      }) : () -> ()
      "tpu.region"() ({
        %run_scoped3A = tpu.sem_alloc : memref<!tpu.dma_semaphore, #tpu.memory_space<semaphore_mem>>
        %dma_start3A_231 = arith.constant 0 : i32
        %dma_start3A_232 = tpu.memref_slice %arg16[%add3A_177, %dma_start3A_231] : memref<160x128xi32, #tpu.memory_space<vmem>> -> memref<1x128xi32, #tpu.memory_space<vmem>>
        %dma_start3A_233 = tpu.memref_squeeze %dma_start3A_232 : memref<1x128xi32, #tpu.memory_space<vmem>> -> memref<128xi32, #tpu.memory_space<vmem>>
        %dma_start3A_234 = arith.constant 0 : i32
        %dma_start3A_235 = arith.constant 0 : i32
        %dma_start3A_236 = tpu.memref_slice %arg28[%dma_start3A_234, %dma_start3A_235] : memref<10000x16xf32, #tpu.memory_space<vmem_shared>> -> memref<10000x16xf32, #tpu.memory_space<vmem_shared>>
        tpu.enqueue_indirect_dma source(%arg27 : memref<128x16xf32, #tpu.memory_space<vmem>>) target(%dma_start3A_236 : memref<10000x16xf32, #tpu.memory_space<vmem_shared>>) offsets(%dma_start3A_233 : memref<128xi32, #tpu.memory_space<vmem>>) semaphore(%run_scoped3A : memref<!tpu.dma_semaphore, #tpu.memory_space<semaphore_mem>>) {add = true}
        %dma_wait3A_237 = arith.constant 0 : i32
        %dma_wait3A_238 = tpu.memref_slice %arg16[%add3A_177, %dma_wait3A_237] : memref<160x128xi32, #tpu.memory_space<vmem>> -> memref<1x128xi32, #tpu.memory_space<vmem>>
        %dma_wait3A_239 = tpu.memref_squeeze %dma_wait3A_238 : memref<1x128xi32, #tpu.memory_space<vmem>> -> memref<128xi32, #tpu.memory_space<vmem>>
        %dma_wait3A_240 = arith.constant 0 : i32
        %dma_wait3A_241 = arith.constant 0 : i32
        %dma_wait3A_242 = tpu.memref_slice %arg28[%dma_wait3A_240, %dma_wait3A_241] : memref<10000x16xf32, #tpu.memory_space<vmem_shared>> -> memref<10000x16xf32, #tpu.memory_space<vmem_shared>>
        tpu.wait_indirect_dma semaphore(%run_scoped3A : memref<!tpu.dma_semaphore, #tpu.memory_space<semaphore_mem>>) src(%arg27 : memref<128x16xf32, #tpu.memory_space<vmem>>) dst(%dma_wait3A_242 : memref<10000x16xf32, #tpu.memory_space<vmem_shared>>)
        tpu.yield
      }) : () -> ()
      %add3A_183 = arith.constant 4 : i32
      %add3A_184 = arith.addi %add3A_177, %add3A_183 : i32
      %lt3A_185 = arith.cmpi slt, %add3A_184, %select_n3A_10 : i32
      %convert_element_type3A_186 = arith.extui %lt3A_185 : i1 to i32
      %cond3A_187 = arith.constant 0 : i32
      %cond3A_188 = arith.cmpi ne, %convert_element_type3A_186, %cond3A_187 : i32
      scf.if %cond3A_188 {
        %add3A_231 = arith.constant 4 : i32
        %add3A_232 = arith.addi %add3A_177, %add3A_231 : i32
        %dma_start3A_233 = arith.constant 0 : i32
        %dma_start3A_234 = tpu.memref_slice %arg15[%add3A_232, %dma_start3A_233] : memref<160x128xi32, #tpu.memory_space<vmem>> -> memref<1x128xi32, #tpu.memory_space<vmem>>
        %dma_start3A_235 = tpu.memref_squeeze %dma_start3A_234 : memref<1x128xi32, #tpu.memory_space<vmem>> -> memref<128xi32, #tpu.memory_space<vmem>>
        %dma_start3A_236 = arith.constant 0 : i32
        %dma_start3A_237 = arith.constant 0 : i32
        %dma_start3A_238 = tpu.memref_slice %arg21[%dma_start3A_236, %dma_start3A_237] : memref<10000x32xf32, #tpu.memory_space<vmem_shared>> -> memref<10000x32xf32, #tpu.memory_space<vmem_shared>>
        tpu.enqueue_indirect_dma source(%dma_start3A_238 : memref<10000x32xf32, #tpu.memory_space<vmem_shared>>) target(%arg17 : memref<128x32xf32, #tpu.memory_space<vmem>>) offsets(%dma_start3A_235 : memref<128xi32, #tpu.memory_space<vmem>>) semaphore(%arg23 : memref<!tpu.dma_semaphore, #tpu.memory_space<semaphore_mem>>)
      } else {
      }
      %add3A_189 = arith.constant 1 : i32
      %add3A_190 = arith.addi %mul3A_176, %add3A_189 : i32
      %dma_wait3A_191 = arith.constant 0 : i32
      %dma_wait3A_192 = tpu.memref_slice %arg15[%add3A_190, %dma_wait3A_191] : memref<160x128xi32, #tpu.memory_space<vmem>> -> memref<1x128xi32, #tpu.memory_space<vmem>>
      %dma_wait3A_193 = tpu.memref_squeeze %dma_wait3A_192 : memref<1x128xi32, #tpu.memory_space<vmem>> -> memref<128xi32, #tpu.memory_space<vmem>>
      %dma_wait3A_194 = arith.constant 0 : i32
      %dma_wait3A_195 = arith.constant 0 : i32
      %dma_wait3A_196 = tpu.memref_slice %arg21[%dma_wait3A_194, %dma_wait3A_195] : memref<10000x32xf32, #tpu.memory_space<vmem_shared>> -> memref<10000x32xf32, #tpu.memory_space<vmem_shared>>
      tpu.wait_indirect_dma semaphore(%arg24 : memref<!tpu.dma_semaphore, #tpu.memory_space<semaphore_mem>>) src(%dma_wait3A_196 : memref<10000x32xf32, #tpu.memory_space<vmem_shared>>) dst(%arg18 : memref<128x32xf32, #tpu.memory_space<vmem>>)
      "tpu.region"() ({
        %run_scoped3A = tpu.sem_alloc : memref<!tpu.dma_semaphore, #tpu.memory_space<semaphore_mem>>
        %dma_start3A_231 = arith.constant 0 : i32
        %dma_start3A_232 = tpu.memref_slice %arg16[%add3A_190, %dma_start3A_231] : memref<160x128xi32, #tpu.memory_space<vmem>> -> memref<1x128xi32, #tpu.memory_space<vmem>>
        %dma_start3A_233 = tpu.memref_squeeze %dma_start3A_232 : memref<1x128xi32, #tpu.memory_space<vmem>> -> memref<128xi32, #tpu.memory_space<vmem>>
        %dma_start3A_234 = arith.constant 0 : i32
        %dma_start3A_235 = arith.constant 0 : i32
        %dma_start3A_236 = tpu.memref_slice %arg22[%dma_start3A_234, %dma_start3A_235] : memref<10000x32xf32, #tpu.memory_space<vmem_shared>> -> memref<10000x32xf32, #tpu.memory_space<vmem_shared>>
        tpu.enqueue_indirect_dma source(%arg18 : memref<128x32xf32, #tpu.memory_space<vmem>>) target(%dma_start3A_236 : memref<10000x32xf32, #tpu.memory_space<vmem_shared>>) offsets(%dma_start3A_233 : memref<128xi32, #tpu.memory_space<vmem>>) semaphore(%run_scoped3A : memref<!tpu.dma_semaphore, #tpu.memory_space<semaphore_mem>>) {add = true}
        %dma_wait3A_237 = arith.constant 0 : i32
        %dma_wait3A_238 = tpu.memref_slice %arg16[%add3A_190, %dma_wait3A_237] : memref<160x128xi32, #tpu.memory_space<vmem>> -> memref<1x128xi32, #tpu.memory_space<vmem>>
        %dma_wait3A_239 = tpu.memref_squeeze %dma_wait3A_238 : memref<1x128xi32, #tpu.memory_space<vmem>> -> memref<128xi32, #tpu.memory_space<vmem>>
        %dma_wait3A_240 = arith.constant 0 : i32
        %dma_wait3A_241 = arith.constant 0 : i32
        %dma_wait3A_242 = tpu.memref_slice %arg22[%dma_wait3A_240, %dma_wait3A_241] : memref<10000x32xf32, #tpu.memory_space<vmem_shared>> -> memref<10000x32xf32, #tpu.memory_space<vmem_shared>>
        tpu.wait_indirect_dma semaphore(%run_scoped3A : memref<!tpu.dma_semaphore, #tpu.memory_space<semaphore_mem>>) src(%arg18 : memref<128x32xf32, #tpu.memory_space<vmem>>) dst(%dma_wait3A_242 : memref<10000x32xf32, #tpu.memory_space<vmem_shared>>)
        tpu.yield
      }) : () -> ()
      "tpu.region"() ({
        %run_scoped3A = tpu.sem_alloc : memref<!tpu.dma_semaphore, #tpu.memory_space<semaphore_mem>>
        %dma_start3A_231 = arith.constant 0 : i32
        %dma_start3A_232 = tpu.memref_slice %arg16[%add3A_190, %dma_start3A_231] : memref<160x128xi32, #tpu.memory_space<vmem>> -> memref<1x128xi32, #tpu.memory_space<vmem>>
        %dma_start3A_233 = tpu.memref_squeeze %dma_start3A_232 : memref<1x128xi32, #tpu.memory_space<vmem>> -> memref<128xi32, #tpu.memory_space<vmem>>
        %dma_start3A_234 = arith.constant 0 : i32
        %dma_start3A_235 = arith.constant 0 : i32
        %dma_start3A_236 = tpu.memref_slice %arg28[%dma_start3A_234, %dma_start3A_235] : memref<10000x16xf32, #tpu.memory_space<vmem_shared>> -> memref<10000x16xf32, #tpu.memory_space<vmem_shared>>
        tpu.enqueue_indirect_dma source(%arg27 : memref<128x16xf32, #tpu.memory_space<vmem>>) target(%dma_start3A_236 : memref<10000x16xf32, #tpu.memory_space<vmem_shared>>) offsets(%dma_start3A_233 : memref<128xi32, #tpu.memory_space<vmem>>) semaphore(%run_scoped3A : memref<!tpu.dma_semaphore, #tpu.memory_space<semaphore_mem>>) {add = true}
        %dma_wait3A_237 = arith.constant 0 : i32
        %dma_wait3A_238 = tpu.memref_slice %arg16[%add3A_190, %dma_wait3A_237] : memref<160x128xi32, #tpu.memory_space<vmem>> -> memref<1x128xi32, #tpu.memory_space<vmem>>
        %dma_wait3A_239 = tpu.memref_squeeze %dma_wait3A_238 : memref<1x128xi32, #tpu.memory_space<vmem>> -> memref<128xi32, #tpu.memory_space<vmem>>
        %dma_wait3A_240 = arith.constant 0 : i32
        %dma_wait3A_241 = arith.constant 0 : i32
        %dma_wait3A_242 = tpu.memref_slice %arg28[%dma_wait3A_240, %dma_wait3A_241] : memref<10000x16xf32, #tpu.memory_space<vmem_shared>> -> memref<10000x16xf32, #tpu.memory_space<vmem_shared>>
        tpu.wait_indirect_dma semaphore(%run_scoped3A : memref<!tpu.dma_semaphore, #tpu.memory_space<semaphore_mem>>) src(%arg27 : memref<128x16xf32, #tpu.memory_space<vmem>>) dst(%dma_wait3A_242 : memref<10000x16xf32, #tpu.memory_space<vmem_shared>>)
        tpu.yield
      }) : () -> ()
      %add3A_197 = arith.constant 4 : i32
      %add3A_198 = arith.addi %add3A_190, %add3A_197 : i32
      %lt3A_199 = arith.cmpi slt, %add3A_198, %select_n3A_10 : i32
      %convert_element_type3A_200 = arith.extui %lt3A_199 : i1 to i32
      %cond3A_201 = arith.constant 0 : i32
      %cond3A_202 = arith.cmpi ne, %convert_element_type3A_200, %cond3A_201 : i32
      scf.if %cond3A_202 {
        %add3A_231 = arith.constant 4 : i32
        %add3A_232 = arith.addi %add3A_190, %add3A_231 : i32
        %dma_start3A_233 = arith.constant 0 : i32
        %dma_start3A_234 = tpu.memref_slice %arg15[%add3A_232, %dma_start3A_233] : memref<160x128xi32, #tpu.memory_space<vmem>> -> memref<1x128xi32, #tpu.memory_space<vmem>>
        %dma_start3A_235 = tpu.memref_squeeze %dma_start3A_234 : memref<1x128xi32, #tpu.memory_space<vmem>> -> memref<128xi32, #tpu.memory_space<vmem>>
        %dma_start3A_236 = arith.constant 0 : i32
        %dma_start3A_237 = arith.constant 0 : i32
        %dma_start3A_238 = tpu.memref_slice %arg21[%dma_start3A_236, %dma_start3A_237] : memref<10000x32xf32, #tpu.memory_space<vmem_shared>> -> memref<10000x32xf32, #tpu.memory_space<vmem_shared>>
        tpu.enqueue_indirect_dma source(%dma_start3A_238 : memref<10000x32xf32, #tpu.memory_space<vmem_shared>>) target(%arg18 : memref<128x32xf32, #tpu.memory_space<vmem>>) offsets(%dma_start3A_235 : memref<128xi32, #tpu.memory_space<vmem>>) semaphore(%arg24 : memref<!tpu.dma_semaphore, #tpu.memory_space<semaphore_mem>>)
      } else {
      }
      %add3A_203 = arith.constant 2 : i32
      %add3A_204 = arith.addi %mul3A_176, %add3A_203 : i32
      %dma_wait3A_205 = arith.constant 0 : i32
      %dma_wait3A_206 = tpu.memref_slice %arg15[%add3A_204, %dma_wait3A_205] : memref<160x128xi32, #tpu.memory_space<vmem>> -> memref<1x128xi32, #tpu.memory_space<vmem>>
      %dma_wait3A_207 = tpu.memref_squeeze %dma_wait3A_206 : memref<1x128xi32, #tpu.memory_space<vmem>> -> memref<128xi32, #tpu.memory_space<vmem>>
      %dma_wait3A_208 = arith.constant 0 : i32
      %dma_wait3A_209 = arith.constant 0 : i32
      %dma_wait3A_210 = tpu.memref_slice %arg21[%dma_wait3A_208, %dma_wait3A_209] : memref<10000x32xf32, #tpu.memory_space<vmem_shared>> -> memref<10000x32xf32, #tpu.memory_space<vmem_shared>>
      tpu.wait_indirect_dma semaphore(%arg25 : memref<!tpu.dma_semaphore, #tpu.memory_space<semaphore_mem>>) src(%dma_wait3A_210 : memref<10000x32xf32, #tpu.memory_space<vmem_shared>>) dst(%arg19 : memref<128x32xf32, #tpu.memory_space<vmem>>)
      "tpu.region"() ({
        %run_scoped3A = tpu.sem_alloc : memref<!tpu.dma_semaphore, #tpu.memory_space<semaphore_mem>>
        %dma_start3A_231 = arith.constant 0 : i32
        %dma_start3A_232 = tpu.memref_slice %arg16[%add3A_204, %dma_start3A_231] : memref<160x128xi32, #tpu.memory_space<vmem>> -> memref<1x128xi32, #tpu.memory_space<vmem>>
        %dma_start3A_233 = tpu.memref_squeeze %dma_start3A_232 : memref<1x128xi32, #tpu.memory_space<vmem>> -> memref<128xi32, #tpu.memory_space<vmem>>
        %dma_start3A_234 = arith.constant 0 : i32
        %dma_start3A_235 = arith.constant 0 : i32
        %dma_start3A_236 = tpu.memref_slice %arg22[%dma_start3A_234, %dma_start3A_235] : memref<10000x32xf32, #tpu.memory_space<vmem_shared>> -> memref<10000x32xf32, #tpu.memory_space<vmem_shared>>
        tpu.enqueue_indirect_dma source(%arg19 : memref<128x32xf32, #tpu.memory_space<vmem>>) target(%dma_start3A_236 : memref<10000x32xf32, #tpu.memory_space<vmem_shared>>) offsets(%dma_start3A_233 : memref<128xi32, #tpu.memory_space<vmem>>) semaphore(%run_scoped3A : memref<!tpu.dma_semaphore, #tpu.memory_space<semaphore_mem>>) {add = true}
        %dma_wait3A_237 = arith.constant 0 : i32
        %dma_wait3A_238 = tpu.memref_slice %arg16[%add3A_204, %dma_wait3A_237] : memref<160x128xi32, #tpu.memory_space<vmem>> -> memref<1x128xi32, #tpu.memory_space<vmem>>
        %dma_wait3A_239 = tpu.memref_squeeze %dma_wait3A_238 : memref<1x128xi32, #tpu.memory_space<vmem>> -> memref<128xi32, #tpu.memory_space<vmem>>
        %dma_wait3A_240 = arith.constant 0 : i32
        %dma_wait3A_241 = arith.constant 0 : i32
        %dma_wait3A_242 = tpu.memref_slice %arg22[%dma_wait3A_240, %dma_wait3A_241] : memref<10000x32xf32, #tpu.memory_space<vmem_shared>> -> memref<10000x32xf32, #tpu.memory_space<vmem_shared>>
        tpu.wait_indirect_dma semaphore(%run_scoped3A : memref<!tpu.dma_semaphore, #tpu.memory_space<semaphore_mem>>) src(%arg19 : memref<128x32xf32, #tpu.memory_space<vmem>>) dst(%dma_wait3A_242 : memref<10000x32xf32, #tpu.memory_space<vmem_shared>>)
        tpu.yield
      }) : () -> ()
      "tpu.region"() ({
        %run_scoped3A = tpu.sem_alloc : memref<!tpu.dma_semaphore, #tpu.memory_space<semaphore_mem>>
        %dma_start3A_231 = arith.constant 0 : i32
        %dma_start3A_232 = tpu.memref_slice %arg16[%add3A_204, %dma_start3A_231] : memref<160x128xi32, #tpu.memory_space<vmem>> -> memref<1x128xi32, #tpu.memory_space<vmem>>
        %dma_start3A_233 = tpu.memref_squeeze %dma_start3A_232 : memref<1x128xi32, #tpu.memory_space<vmem>> -> memref<128xi32, #tpu.memory_space<vmem>>
        %dma_start3A_234 = arith.constant 0 : i32
        %dma_start3A_235 = arith.constant 0 : i32
        %dma_start3A_236 = tpu.memref_slice %arg28[%dma_start3A_234, %dma_start3A_235] : memref<10000x16xf32, #tpu.memory_space<vmem_shared>> -> memref<10000x16xf32, #tpu.memory_space<vmem_shared>>
        tpu.enqueue_indirect_dma source(%arg27 : memref<128x16xf32, #tpu.memory_space<vmem>>) target(%dma_start3A_236 : memref<10000x16xf32, #tpu.memory_space<vmem_shared>>) offsets(%dma_start3A_233 : memref<128xi32, #tpu.memory_space<vmem>>) semaphore(%run_scoped3A : memref<!tpu.dma_semaphore, #tpu.memory_space<semaphore_mem>>) {add = true}
        %dma_wait3A_237 = arith.constant 0 : i32
        %dma_wait3A_238 = tpu.memref_slice %arg16[%add3A_204, %dma_wait3A_237] : memref<160x128xi32, #tpu.memory_space<vmem>> -> memref<1x128xi32, #tpu.memory_space<vmem>>
        %dma_wait3A_239 = tpu.memref_squeeze %dma_wait3A_238 : memref<1x128xi32, #tpu.memory_space<vmem>> -> memref<128xi32, #tpu.memory_space<vmem>>
        %dma_wait3A_240 = arith.constant 0 : i32
        %dma_wait3A_241 = arith.constant 0 : i32
        %dma_wait3A_242 = tpu.memref_slice %arg28[%dma_wait3A_240, %dma_wait3A_241] : memref<10000x16xf32, #tpu.memory_space<vmem_shared>> -> memref<10000x16xf32, #tpu.memory_space<vmem_shared>>
        tpu.wait_indirect_dma semaphore(%run_scoped3A : memref<!tpu.dma_semaphore, #tpu.memory_space<semaphore_mem>>) src(%arg27 : memref<128x16xf32, #tpu.memory_space<vmem>>) dst(%dma_wait3A_242 : memref<10000x16xf32, #tpu.memory_space<vmem_shared>>)
        tpu.yield
      }) : () -> ()
      %add3A_211 = arith.constant 4 : i32
      %add3A_212 = arith.addi %add3A_204, %add3A_211 : i32
      %lt3A_213 = arith.cmpi slt, %add3A_212, %select_n3A_10 : i32
      %convert_element_type3A_214 = arith.extui %lt3A_213 : i1 to i32
      %cond3A_215 = arith.constant 0 : i32
      %cond3A_216 = arith.cmpi ne, %convert_element_type3A_214, %cond3A_215 : i32
      scf.if %cond3A_216 {
        %add3A_231 = arith.constant 4 : i32
        %add3A_232 = arith.addi %add3A_204, %add3A_231 : i32
        %dma_start3A_233 = arith.constant 0 : i32
        %dma_start3A_234 = tpu.memref_slice %arg15[%add3A_232, %dma_start3A_233] : memref<160x128xi32, #tpu.memory_space<vmem>> -> memref<1x128xi32, #tpu.memory_space<vmem>>
        %dma_start3A_235 = tpu.memref_squeeze %dma_start3A_234 : memref<1x128xi32, #tpu.memory_space<vmem>> -> memref<128xi32, #tpu.memory_space<vmem>>
        %dma_start3A_236 = arith.constant 0 : i32
        %dma_start3A_237 = arith.constant 0 : i32
        %dma_start3A_238 = tpu.memref_slice %arg21[%dma_start3A_236, %dma_start3A_237] : memref<10000x32xf32, #tpu.memory_space<vmem_shared>> -> memref<10000x32xf32, #tpu.memory_space<vmem_shared>>
        tpu.enqueue_indirect_dma source(%dma_start3A_238 : memref<10000x32xf32, #tpu.memory_space<vmem_shared>>) target(%arg19 : memref<128x32xf32, #tpu.memory_space<vmem>>) offsets(%dma_start3A_235 : memref<128xi32, #tpu.memory_space<vmem>>) semaphore(%arg25 : memref<!tpu.dma_semaphore, #tpu.memory_space<semaphore_mem>>)
      } else {
      }
      %add3A_217 = arith.constant 3 : i32
      %add3A_218 = arith.addi %mul3A_176, %add3A_217 : i32
      %dma_wait3A_219 = arith.constant 0 : i32
      %dma_wait3A_220 = tpu.memref_slice %arg15[%add3A_218, %dma_wait3A_219] : memref<160x128xi32, #tpu.memory_space<vmem>> -> memref<1x128xi32, #tpu.memory_space<vmem>>
      %dma_wait3A_221 = tpu.memref_squeeze %dma_wait3A_220 : memref<1x128xi32, #tpu.memory_space<vmem>> -> memref<128xi32, #tpu.memory_space<vmem>>
      %dma_wait3A_222 = arith.constant 0 : i32
      %dma_wait3A_223 = arith.constant 0 : i32
      %dma_wait3A_224 = tpu.memref_slice %arg21[%dma_wait3A_222, %dma_wait3A_223] : memref<10000x32xf32, #tpu.memory_space<vmem_shared>> -> memref<10000x32xf32, #tpu.memory_space<vmem_shared>>
      tpu.wait_indirect_dma semaphore(%arg26 : memref<!tpu.dma_semaphore, #tpu.memory_space<semaphore_mem>>) src(%dma_wait3A_224 : memref<10000x32xf32, #tpu.memory_space<vmem_shared>>) dst(%arg20 : memref<128x32xf32, #tpu.memory_space<vmem>>)
      "tpu.region"() ({
        %run_scoped3A = tpu.sem_alloc : memref<!tpu.dma_semaphore, #tpu.memory_space<semaphore_mem>>
        %dma_start3A_231 = arith.constant 0 : i32
        %dma_start3A_232 = tpu.memref_slice %arg16[%add3A_218, %dma_start3A_231] : memref<160x128xi32, #tpu.memory_space<vmem>> -> memref<1x128xi32, #tpu.memory_space<vmem>>
        %dma_start3A_233 = tpu.memref_squeeze %dma_start3A_232 : memref<1x128xi32, #tpu.memory_space<vmem>> -> memref<128xi32, #tpu.memory_space<vmem>>
        %dma_start3A_234 = arith.constant 0 : i32
        %dma_start3A_235 = arith.constant 0 : i32
        %dma_start3A_236 = tpu.memref_slice %arg22[%dma_start3A_234, %dma_start3A_235] : memref<10000x32xf32, #tpu.memory_space<vmem_shared>> -> memref<10000x32xf32, #tpu.memory_space<vmem_shared>>
        tpu.enqueue_indirect_dma source(%arg20 : memref<128x32xf32, #tpu.memory_space<vmem>>) target(%dma_start3A_236 : memref<10000x32xf32, #tpu.memory_space<vmem_shared>>) offsets(%dma_start3A_233 : memref<128xi32, #tpu.memory_space<vmem>>) semaphore(%run_scoped3A : memref<!tpu.dma_semaphore, #tpu.memory_space<semaphore_mem>>) {add = true}
        %dma_wait3A_237 = arith.constant 0 : i32
        %dma_wait3A_238 = tpu.memref_slice %arg16[%add3A_218, %dma_wait3A_237] : memref<160x128xi32, #tpu.memory_space<vmem>> -> memref<1x128xi32, #tpu.memory_space<vmem>>
        %dma_wait3A_239 = tpu.memref_squeeze %dma_wait3A_238 : memref<1x128xi32, #tpu.memory_space<vmem>> -> memref<128xi32, #tpu.memory_space<vmem>>
        %dma_wait3A_240 = arith.constant 0 : i32
        %dma_wait3A_241 = arith.constant 0 : i32
        %dma_wait3A_242 = tpu.memref_slice %arg22[%dma_wait3A_240, %dma_wait3A_241] : memref<10000x32xf32, #tpu.memory_space<vmem_shared>> -> memref<10000x32xf32, #tpu.memory_space<vmem_shared>>
        tpu.wait_indirect_dma semaphore(%run_scoped3A : memref<!tpu.dma_semaphore, #tpu.memory_space<semaphore_mem>>) src(%arg20 : memref<128x32xf32, #tpu.memory_space<vmem>>) dst(%dma_wait3A_242 : memref<10000x32xf32, #tpu.memory_space<vmem_shared>>)
        tpu.yield
      }) : () -> ()
      "tpu.region"() ({
        %run_scoped3A = tpu.sem_alloc : memref<!tpu.dma_semaphore, #tpu.memory_space<semaphore_mem>>
        %dma_start3A_231 = arith.constant 0 : i32
        %dma_start3A_232 = tpu.memref_slice %arg16[%add3A_218, %dma_start3A_231] : memref<160x128xi32, #tpu.memory_space<vmem>> -> memref<1x128xi32, #tpu.memory_space<vmem>>
        %dma_start3A_233 = tpu.memref_squeeze %dma_start3A_232 : memref<1x128xi32, #tpu.memory_space<vmem>> -> memref<128xi32, #tpu.memory_space<vmem>>
        %dma_start3A_234 = arith.constant 0 : i32
        %dma_start3A_235 = arith.constant 0 : i32
        %dma_start3A_236 = tpu.memref_slice %arg28[%dma_start3A_234, %dma_start3A_235] : memref<10000x16xf32, #tpu.memory_space<vmem_shared>> -> memref<10000x16xf32, #tpu.memory_space<vmem_shared>>
        tpu.enqueue_indirect_dma source(%arg27 : memref<128x16xf32, #tpu.memory_space<vmem>>) target(%dma_start3A_236 : memref<10000x16xf32, #tpu.memory_space<vmem_shared>>) offsets(%dma_start3A_233 : memref<128xi32, #tpu.memory_space<vmem>>) semaphore(%run_scoped3A : memref<!tpu.dma_semaphore, #tpu.memory_space<semaphore_mem>>) {add = true}
        %dma_wait3A_237 = arith.constant 0 : i32
        %dma_wait3A_238 = tpu.memref_slice %arg16[%add3A_218, %dma_wait3A_237] : memref<160x128xi32, #tpu.memory_space<vmem>> -> memref<1x128xi32, #tpu.memory_space<vmem>>
        %dma_wait3A_239 = tpu.memref_squeeze %dma_wait3A_238 : memref<1x128xi32, #tpu.memory_space<vmem>> -> memref<128xi32, #tpu.memory_space<vmem>>
        %dma_wait3A_240 = arith.constant 0 : i32
        %dma_wait3A_241 = arith.constant 0 : i32
        %dma_wait3A_242 = tpu.memref_slice %arg28[%dma_wait3A_240, %dma_wait3A_241] : memref<10000x16xf32, #tpu.memory_space<vmem_shared>> -> memref<10000x16xf32, #tpu.memory_space<vmem_shared>>
        tpu.wait_indirect_dma semaphore(%run_scoped3A : memref<!tpu.dma_semaphore, #tpu.memory_space<semaphore_mem>>) src(%arg27 : memref<128x16xf32, #tpu.memory_space<vmem>>) dst(%dma_wait3A_242 : memref<10000x16xf32, #tpu.memory_space<vmem_shared>>)
        tpu.yield
      }) : () -> ()
      %add3A_225 = arith.constant 4 : i32
      %add3A_226 = arith.addi %add3A_218, %add3A_225 : i32
      %lt3A_227 = arith.cmpi slt, %add3A_226, %select_n3A_10 : i32
      %convert_element_type3A_228 = arith.extui %lt3A_227 : i1 to i32
      %cond3A_229 = arith.constant 0 : i32
      %cond3A_230 = arith.cmpi ne, %convert_element_type3A_228, %cond3A_229 : i32
      scf.if %cond3A_230 {
        %add3A_231 = arith.constant 4 : i32
        %add3A_232 = arith.addi %add3A_218, %add3A_231 : i32
        %dma_start3A_233 = arith.constant 0 : i32
        %dma_start3A_234 = tpu.memref_slice %arg15[%add3A_232, %dma_start3A_233] : memref<160x128xi32, #tpu.memory_space<vmem>> -> memref<1x128xi32, #tpu.memory_space<vmem>>
        %dma_start3A_235 = tpu.memref_squeeze %dma_start3A_234 : memref<1x128xi32, #tpu.memory_space<vmem>> -> memref<128xi32, #tpu.memory_space<vmem>>
        %dma_start3A_236 = arith.constant 0 : i32
        %dma_start3A_237 = arith.constant 0 : i32
        %dma_start3A_238 = tpu.memref_slice %arg21[%dma_start3A_236, %dma_start3A_237] : memref<10000x32xf32, #tpu.memory_space<vmem_shared>> -> memref<10000x32xf32, #tpu.memory_space<vmem_shared>>
        tpu.enqueue_indirect_dma source(%dma_start3A_238 : memref<10000x32xf32, #tpu.memory_space<vmem_shared>>) target(%arg20 : memref<128x32xf32, #tpu.memory_space<vmem>>) offsets(%dma_start3A_235 : memref<128xi32, #tpu.memory_space<vmem>>) semaphore(%arg26 : memref<!tpu.dma_semaphore, #tpu.memory_space<semaphore_mem>>)
      } else {
      }
    }
    %barrier3A_74 = arith.constant 0 : index
    tpu.barrier barrier_id(%barrier3A_74)
    %eq3A_75 = arith.constant 0 : i32
    %eq3A_76 = arith.cmpi eq, %arg0, %eq3A_75 : i32
    %convert_element_type3A_77 = arith.extui %eq3A_76 : i1 to i32
    %cond3A_78 = arith.constant 0 : i32
    %cond3A_79 = arith.cmpi ne, %convert_element_type3A_77, %cond3A_78 : i32
    scf.if %cond3A_79 {
      "tpu.region"() ({
        %run_scoped3A = tpu.sem_alloc : memref<!tpu.dma_semaphore, #tpu.memory_space<semaphore_mem>>
        %dma_start3A_174 = arith.constant 0 : i32
        %dma_start3A_175 = tpu.memref_slice %arg10[%mul3A_0, %dma_start3A_174] : memref<10000x32xf32, #tpu.memory_space<hbm>> -> memref<625x32xf32, #tpu.memory_space<hbm>>
        %dma_start3A_176 = arith.constant 0 : i32
        %dma_start3A_177 = tpu.memref_slice %arg22[%mul3A_0, %dma_start3A_176] : memref<10000x32xf32, #tpu.memory_space<vmem_shared>> -> memref<625x32xf32, #tpu.memory_space<vmem_shared>>
        tpu.enqueue_dma source(%dma_start3A_177 : memref<625x32xf32, #tpu.memory_space<vmem_shared>>) target(%dma_start3A_175 : memref<625x32xf32, #tpu.memory_space<hbm>>) target_semaphore(%run_scoped3A : memref<!tpu.dma_semaphore, #tpu.memory_space<semaphore_mem>>)
        %dma_wait3A = arith.constant 0 : i32
        %dma_wait3A_178 = tpu.memref_slice %arg10[%mul3A_0, %dma_wait3A] : memref<10000x32xf32, #tpu.memory_space<hbm>> -> memref<625x32xf32, #tpu.memory_space<hbm>>
        %dma_wait3A_179 = arith.constant 0 : i32
        %dma_wait3A_180 = tpu.memref_slice %arg22[%mul3A_0, %dma_wait3A_179] : memref<10000x32xf32, #tpu.memory_space<vmem_shared>> -> memref<625x32xf32, #tpu.memory_space<vmem_shared>>
        tpu.wait_dma2 semaphore(%run_scoped3A : memref<!tpu.dma_semaphore, #tpu.memory_space<semaphore_mem>>) src(%dma_wait3A_180 : memref<625x32xf32, #tpu.memory_space<vmem_shared>>) dst(%dma_wait3A_178 : memref<625x32xf32, #tpu.memory_space<hbm>>)
        tpu.yield
      }) : () -> ()
    } else {
    }
    %eq3A_80 = arith.constant 1 : i32
    %eq3A_81 = arith.cmpi eq, %arg0, %eq3A_80 : i32
    %convert_element_type3A_82 = arith.extui %eq3A_81 : i1 to i32
    %cond3A_83 = arith.constant 0 : i32
    %cond3A_84 = arith.cmpi ne, %convert_element_type3A_82, %cond3A_83 : i32
    scf.if %cond3A_84 {
      "tpu.region"() ({
        %run_scoped3A = tpu.sem_alloc : memref<!tpu.dma_semaphore, #tpu.memory_space<semaphore_mem>>
        %dma_start3A_174 = arith.constant 0 : i32
        %dma_start3A_175 = tpu.memref_slice %arg11[%mul3A_0, %dma_start3A_174] : memref<10000x32xf32, #tpu.memory_space<hbm>> -> memref<625x32xf32, #tpu.memory_space<hbm>>
        %dma_start3A_176 = arith.constant 0 : i32
        %dma_start3A_177 = tpu.memref_slice %arg22[%mul3A_0, %dma_start3A_176] : memref<10000x32xf32, #tpu.memory_space<vmem_shared>> -> memref<625x32xf32, #tpu.memory_space<vmem_shared>>
        tpu.enqueue_dma source(%dma_start3A_177 : memref<625x32xf32, #tpu.memory_space<vmem_shared>>) target(%dma_start3A_175 : memref<625x32xf32, #tpu.memory_space<hbm>>) target_semaphore(%run_scoped3A : memref<!tpu.dma_semaphore, #tpu.memory_space<semaphore_mem>>)
        %dma_wait3A = arith.constant 0 : i32
        %dma_wait3A_178 = tpu.memref_slice %arg11[%mul3A_0, %dma_wait3A] : memref<10000x32xf32, #tpu.memory_space<hbm>> -> memref<625x32xf32, #tpu.memory_space<hbm>>
        %dma_wait3A_179 = arith.constant 0 : i32
        %dma_wait3A_180 = tpu.memref_slice %arg22[%mul3A_0, %dma_wait3A_179] : memref<10000x32xf32, #tpu.memory_space<vmem_shared>> -> memref<625x32xf32, #tpu.memory_space<vmem_shared>>
        tpu.wait_dma2 semaphore(%run_scoped3A : memref<!tpu.dma_semaphore, #tpu.memory_space<semaphore_mem>>) src(%dma_wait3A_180 : memref<625x32xf32, #tpu.memory_space<vmem_shared>>) dst(%dma_wait3A_178 : memref<625x32xf32, #tpu.memory_space<hbm>>)
        tpu.yield
      }) : () -> ()
    } else {
    }
    %eq3A_85 = arith.constant 0 : i32
    %eq3A_86 = arith.cmpi eq, %arg0, %eq3A_85 : i32
    %convert_element_type3A_87 = arith.extui %eq3A_86 : i1 to i32
    %cond3A_88 = arith.constant 0 : i32
    %cond3A_89 = arith.cmpi ne, %convert_element_type3A_87, %cond3A_88 : i32
    scf.if %cond3A_89 {
      "tpu.region"() ({
        %run_scoped3A = tpu.sem_alloc : memref<!tpu.dma_semaphore, #tpu.memory_space<semaphore_mem>>
        %dma_start3A_174 = arith.constant 0 : i32
        %dma_start3A_175 = tpu.memref_slice %arg21[%mul3A_0, %dma_start3A_174] : memref<10000x32xf32, #tpu.memory_space<vmem_shared>> -> memref<625x32xf32, #tpu.memory_space<vmem_shared>>
        %dma_start3A_176 = arith.constant 0 : i32
        %dma_start3A_177 = tpu.memref_slice %arg4[%mul3A_0, %dma_start3A_176] : memref<10000x32xf32, #tpu.memory_space<hbm>> -> memref<625x32xf32, #tpu.memory_space<hbm>>
        tpu.enqueue_dma source(%dma_start3A_177 : memref<625x32xf32, #tpu.memory_space<hbm>>) target(%dma_start3A_175 : memref<625x32xf32, #tpu.memory_space<vmem_shared>>) target_semaphore(%run_scoped3A : memref<!tpu.dma_semaphore, #tpu.memory_space<semaphore_mem>>)
        %dma_wait3A = arith.constant 0 : i32
        %dma_wait3A_178 = tpu.memref_slice %arg21[%mul3A_0, %dma_wait3A] : memref<10000x32xf32, #tpu.memory_space<vmem_shared>> -> memref<625x32xf32, #tpu.memory_space<vmem_shared>>
        %dma_wait3A_179 = arith.constant 0 : i32
        %dma_wait3A_180 = tpu.memref_slice %arg4[%mul3A_0, %dma_wait3A_179] : memref<10000x32xf32, #tpu.memory_space<hbm>> -> memref<625x32xf32, #tpu.memory_space<hbm>>
        tpu.wait_dma2 semaphore(%run_scoped3A : memref<!tpu.dma_semaphore, #tpu.memory_space<semaphore_mem>>) src(%dma_wait3A_180 : memref<625x32xf32, #tpu.memory_space<hbm>>) dst(%dma_wait3A_178 : memref<625x32xf32, #tpu.memory_space<vmem_shared>>)
        tpu.yield
      }) : () -> ()
    } else {
    }
    %eq3A_90 = arith.constant 1 : i32
    %eq3A_91 = arith.cmpi eq, %arg0, %eq3A_90 : i32
    %convert_element_type3A_92 = arith.extui %eq3A_91 : i1 to i32
    %cond3A_93 = arith.constant 0 : i32
    %cond3A_94 = arith.cmpi ne, %convert_element_type3A_92, %cond3A_93 : i32
    scf.if %cond3A_94 {
      "tpu.region"() ({
        %run_scoped3A = tpu.sem_alloc : memref<!tpu.dma_semaphore, #tpu.memory_space<semaphore_mem>>
        %dma_start3A_174 = arith.constant 0 : i32
        %dma_start3A_175 = tpu.memref_slice %arg21[%mul3A_0, %dma_start3A_174] : memref<10000x32xf32, #tpu.memory_space<vmem_shared>> -> memref<625x32xf32, #tpu.memory_space<vmem_shared>>
        %dma_start3A_176 = arith.constant 0 : i32
        %dma_start3A_177 = tpu.memref_slice %arg5[%mul3A_0, %dma_start3A_176] : memref<10000x32xf32, #tpu.memory_space<hbm>> -> memref<625x32xf32, #tpu.memory_space<hbm>>
        tpu.enqueue_dma source(%dma_start3A_177 : memref<625x32xf32, #tpu.memory_space<hbm>>) target(%dma_start3A_175 : memref<625x32xf32, #tpu.memory_space<vmem_shared>>) target_semaphore(%run_scoped3A : memref<!tpu.dma_semaphore, #tpu.memory_space<semaphore_mem>>)
        %dma_wait3A = arith.constant 0 : i32
        %dma_wait3A_178 = tpu.memref_slice %arg21[%mul3A_0, %dma_wait3A] : memref<10000x32xf32, #tpu.memory_space<vmem_shared>> -> memref<625x32xf32, #tpu.memory_space<vmem_shared>>
        %dma_wait3A_179 = arith.constant 0 : i32
        %dma_wait3A_180 = tpu.memref_slice %arg5[%mul3A_0, %dma_wait3A_179] : memref<10000x32xf32, #tpu.memory_space<hbm>> -> memref<625x32xf32, #tpu.memory_space<hbm>>
        tpu.wait_dma2 semaphore(%run_scoped3A : memref<!tpu.dma_semaphore, #tpu.memory_space<semaphore_mem>>) src(%dma_wait3A_180 : memref<625x32xf32, #tpu.memory_space<hbm>>) dst(%dma_wait3A_178 : memref<625x32xf32, #tpu.memory_space<vmem_shared>>)
        tpu.yield
      }) : () -> ()
    } else {
    }
    "tpu.region"() ({
      %run_scoped3A = tpu.sem_alloc : memref<!tpu.dma_semaphore, #tpu.memory_space<semaphore_mem>>
      %dma_start3A_174 = arith.constant 0 : i32
      %dma_start3A_175 = tpu.memref_slice %arg22[%mul3A_0, %dma_start3A_174] : memref<10000x32xf32, #tpu.memory_space<vmem_shared>> -> memref<625x32xf32, #tpu.memory_space<vmem_shared>>
      tpu.enqueue_dma source(%arg7 : memref<625x32xf32, #tpu.memory_space<hbm>>) target(%dma_start3A_175 : memref<625x32xf32, #tpu.memory_space<vmem_shared>>) target_semaphore(%run_scoped3A : memref<!tpu.dma_semaphore, #tpu.memory_space<semaphore_mem>>)
      %dma_wait3A = arith.constant 0 : i32
      %dma_wait3A_176 = tpu.memref_slice %arg22[%mul3A_0, %dma_wait3A] : memref<10000x32xf32, #tpu.memory_space<vmem_shared>> -> memref<625x32xf32, #tpu.memory_space<vmem_shared>>
      tpu.wait_dma2 semaphore(%run_scoped3A : memref<!tpu.dma_semaphore, #tpu.memory_space<semaphore_mem>>) src(%arg7 : memref<625x32xf32, #tpu.memory_space<hbm>>) dst(%dma_wait3A_176 : memref<625x32xf32, #tpu.memory_space<vmem_shared>>)
      tpu.yield
    }) : () -> ()
    %barrier3A_95 = arith.constant 0 : index
    tpu.barrier barrier_id(%barrier3A_95)
    %dma_start3A_96 = arith.constant 0 : i32
    %dma_start3A_97 = arith.constant 0 : i32
    %dma_start3A_98 = tpu.memref_slice %arg15[%dma_start3A_96, %dma_start3A_97] : memref<160x128xi32, #tpu.memory_space<vmem>> -> memref<1x128xi32, #tpu.memory_space<vmem>>
    %dma_start3A_99 = tpu.memref_squeeze %dma_start3A_98 : memref<1x128xi32, #tpu.memory_space<vmem>> -> memref<128xi32, #tpu.memory_space<vmem>>
    %dma_start3A_100 = arith.constant 0 : i32
    %dma_start3A_101 = arith.constant 0 : i32
    %dma_start3A_102 = tpu.memref_slice %arg21[%dma_start3A_100, %dma_start3A_101] : memref<10000x32xf32, #tpu.memory_space<vmem_shared>> -> memref<10000x32xf32, #tpu.memory_space<vmem_shared>>
    tpu.enqueue_indirect_dma source(%dma_start3A_102 : memref<10000x32xf32, #tpu.memory_space<vmem_shared>>) target(%arg17 : memref<128x32xf32, #tpu.memory_space<vmem>>) offsets(%dma_start3A_99 : memref<128xi32, #tpu.memory_space<vmem>>) semaphore(%arg23 : memref<!tpu.dma_semaphore, #tpu.memory_space<semaphore_mem>>)
    %dma_start3A_103 = arith.constant 1 : i32
    %dma_start3A_104 = arith.constant 0 : i32
    %dma_start3A_105 = tpu.memref_slice %arg15[%dma_start3A_103, %dma_start3A_104] : memref<160x128xi32, #tpu.memory_space<vmem>> -> memref<1x128xi32, #tpu.memory_space<vmem>>
    %dma_start3A_106 = tpu.memref_squeeze %dma_start3A_105 : memref<1x128xi32, #tpu.memory_space<vmem>> -> memref<128xi32, #tpu.memory_space<vmem>>
    %dma_start3A_107 = arith.constant 0 : i32
    %dma_start3A_108 = arith.constant 0 : i32
    %dma_start3A_109 = tpu.memref_slice %arg21[%dma_start3A_107, %dma_start3A_108] : memref<10000x32xf32, #tpu.memory_space<vmem_shared>> -> memref<10000x32xf32, #tpu.memory_space<vmem_shared>>
    tpu.enqueue_indirect_dma source(%dma_start3A_109 : memref<10000x32xf32, #tpu.memory_space<vmem_shared>>) target(%arg18 : memref<128x32xf32, #tpu.memory_space<vmem>>) offsets(%dma_start3A_106 : memref<128xi32, #tpu.memory_space<vmem>>) semaphore(%arg24 : memref<!tpu.dma_semaphore, #tpu.memory_space<semaphore_mem>>)
    %dma_start3A_110 = arith.constant 2 : i32
    %dma_start3A_111 = arith.constant 0 : i32
    %dma_start3A_112 = tpu.memref_slice %arg15[%dma_start3A_110, %dma_start3A_111] : memref<160x128xi32, #tpu.memory_space<vmem>> -> memref<1x128xi32, #tpu.memory_space<vmem>>
    %dma_start3A_113 = tpu.memref_squeeze %dma_start3A_112 : memref<1x128xi32, #tpu.memory_space<vmem>> -> memref<128xi32, #tpu.memory_space<vmem>>
    %dma_start3A_114 = arith.constant 0 : i32
    %dma_start3A_115 = arith.constant 0 : i32
    %dma_start3A_116 = tpu.memref_slice %arg21[%dma_start3A_114, %dma_start3A_115] : memref<10000x32xf32, #tpu.memory_space<vmem_shared>> -> memref<10000x32xf32, #tpu.memory_space<vmem_shared>>
    tpu.enqueue_indirect_dma source(%dma_start3A_116 : memref<10000x32xf32, #tpu.memory_space<vmem_shared>>) target(%arg19 : memref<128x32xf32, #tpu.memory_space<vmem>>) offsets(%dma_start3A_113 : memref<128xi32, #tpu.memory_space<vmem>>) semaphore(%arg25 : memref<!tpu.dma_semaphore, #tpu.memory_space<semaphore_mem>>)
    %dma_start3A_117 = arith.constant 3 : i32
    %dma_start3A_118 = arith.constant 0 : i32
    %dma_start3A_119 = tpu.memref_slice %arg15[%dma_start3A_117, %dma_start3A_118] : memref<160x128xi32, #tpu.memory_space<vmem>> -> memref<1x128xi32, #tpu.memory_space<vmem>>
    %dma_start3A_120 = tpu.memref_squeeze %dma_start3A_119 : memref<1x128xi32, #tpu.memory_space<vmem>> -> memref<128xi32, #tpu.memory_space<vmem>>
    %dma_start3A_121 = arith.constant 0 : i32
    %dma_start3A_122 = arith.constant 0 : i32
    %dma_start3A_123 = tpu.memref_slice %arg21[%dma_start3A_121, %dma_start3A_122] : memref<10000x32xf32, #tpu.memory_space<vmem_shared>> -> memref<10000x32xf32, #tpu.memory_space<vmem_shared>>
    tpu.enqueue_indirect_dma source(%dma_start3A_123 : memref<10000x32xf32, #tpu.memory_space<vmem_shared>>) target(%arg20 : memref<128x32xf32, #tpu.memory_space<vmem>>) offsets(%dma_start3A_120 : memref<128xi32, #tpu.memory_space<vmem>>) semaphore(%arg26 : memref<!tpu.dma_semaphore, #tpu.memory_space<semaphore_mem>>)
    %jit3A_124 = arith.constant 4 : i32
    %div3A_125 = arith.divsi %select_n3A_10, %jit3A_124 : i32
    %sign3A_126 = arith.constant 0 : i32
    %sign3A_127 = arith.cmpi sgt, %select_n3A_10, %sign3A_126 : i32
    %sign3A_128 = arith.extui %sign3A_127 : i1 to i32
    %sign3A_129 = arith.constant 0 : i32
    %sign3A_130 = arith.cmpi slt, %select_n3A_10, %sign3A_129 : i32
    %sign3A_131 = arith.extui %sign3A_130 : i1 to i32
    %sign3A_132 = arith.subi %sign3A_128, %sign3A_131 : i32
    %sign3A_133 = arith.constant 0 : i32
    %sign3A_134 = arith.cmpi sgt, %jit3A_124, %sign3A_133 : i32
    %sign3A_135 = arith.extui %sign3A_134 : i1 to i32
    %sign3A_136 = arith.constant 0 : i32
    %sign3A_137 = arith.cmpi slt, %jit3A_124, %sign3A_136 : i32
    %sign3A_138 = arith.extui %sign3A_137 : i1 to i32
    %sign3A_139 = arith.subi %sign3A_135, %sign3A_138 : i32
    %ne3A_140 = arith.cmpi ne, %sign3A_132, %sign3A_139 : i32
    %rem3A_141 = arith.remsi %select_n3A_10, %jit3A_124 : i32
    %ne3A_142 = arith.constant 0 : i32
    %ne3A_143 = arith.cmpi ne, %rem3A_141, %ne3A_142 : i32
    %and3A_144 = arith.andi %ne3A_140, %ne3A_143 : i1
    %sub3A_145 = arith.constant 1 : i32
    %sub3A_146 = arith.subi %div3A_125, %sub3A_145 : i32
    %select_n3A_147 = arith.select %and3A_144, %sub3A_146, %div3A_125 : i32
    %while3A_148 = arith.constant 0 : i32
    %while3A_149 = arith.constant 0 : i32
    %while3A_150 = arith.subi %select_n3A_147, %while3A_149 : i32
    %while3A_151 = arith.addi %while3A_149, %while3A_150 : i32
    %while3A_152 = arith.constant 1 : i32
    %while3A_153 = arith.divsi %while3A_150, %while3A_152 : i32
    %while3A_154 = arith.muli %while3A_153, %while3A_152 : i32
    %while3A_155 = arith.addi %while3A_149, %while3A_154 : i32
    %while3A_156 = arith.constant 1 : i32
    scf.for %while3A_174 = %while3A_149 to %while3A_155 step %while3A_156  : i32 {
      %mul3A_175 = arith.constant 4 : i32
      %mul3A_176 = arith.muli %while3A_174, %mul3A_175 : i32
      %add3A = arith.constant 0 : i32
      %add3A_177 = arith.addi %mul3A_176, %add3A : i32
      %dma_wait3A = arith.constant 0 : i32
      %dma_wait3A_178 = tpu.memref_slice %arg15[%add3A_177, %dma_wait3A] : memref<160x128xi32, #tpu.memory_space<vmem>> -> memref<1x128xi32, #tpu.memory_space<vmem>>
      %dma_wait3A_179 = tpu.memref_squeeze %dma_wait3A_178 : memref<1x128xi32, #tpu.memory_space<vmem>> -> memref<128xi32, #tpu.memory_space<vmem>>
      %dma_wait3A_180 = arith.constant 0 : i32
      %dma_wait3A_181 = arith.constant 0 : i32
      %dma_wait3A_182 = tpu.memref_slice %arg21[%dma_wait3A_180, %dma_wait3A_181] : memref<10000x32xf32, #tpu.memory_space<vmem_shared>> -> memref<10000x32xf32, #tpu.memory_space<vmem_shared>>
      tpu.wait_indirect_dma semaphore(%arg23 : memref<!tpu.dma_semaphore, #tpu.memory_space<semaphore_mem>>) src(%dma_wait3A_182 : memref<10000x32xf32, #tpu.memory_space<vmem_shared>>) dst(%arg17 : memref<128x32xf32, #tpu.memory_space<vmem>>)
      "tpu.region"() ({
        %run_scoped3A = tpu.sem_alloc : memref<!tpu.dma_semaphore, #tpu.memory_space<semaphore_mem>>
        %dma_start3A_231 = arith.constant 0 : i32
        %dma_start3A_232 = tpu.memref_slice %arg16[%add3A_177, %dma_start3A_231] : memref<160x128xi32, #tpu.memory_space<vmem>> -> memref<1x128xi32, #tpu.memory_space<vmem>>
        %dma_start3A_233 = tpu.memref_squeeze %dma_start3A_232 : memref<1x128xi32, #tpu.memory_space<vmem>> -> memref<128xi32, #tpu.memory_space<vmem>>
        %dma_start3A_234 = arith.constant 0 : i32
        %dma_start3A_235 = arith.constant 0 : i32
        %dma_start3A_236 = tpu.memref_slice %arg22[%dma_start3A_234, %dma_start3A_235] : memref<10000x32xf32, #tpu.memory_space<vmem_shared>> -> memref<10000x32xf32, #tpu.memory_space<vmem_shared>>
        tpu.enqueue_indirect_dma source(%arg17 : memref<128x32xf32, #tpu.memory_space<vmem>>) target(%dma_start3A_236 : memref<10000x32xf32, #tpu.memory_space<vmem_shared>>) offsets(%dma_start3A_233 : memref<128xi32, #tpu.memory_space<vmem>>) semaphore(%run_scoped3A : memref<!tpu.dma_semaphore, #tpu.memory_space<semaphore_mem>>) {add = true}
        %dma_wait3A_237 = arith.constant 0 : i32
        %dma_wait3A_238 = tpu.memref_slice %arg16[%add3A_177, %dma_wait3A_237] : memref<160x128xi32, #tpu.memory_space<vmem>> -> memref<1x128xi32, #tpu.memory_space<vmem>>
        %dma_wait3A_239 = tpu.memref_squeeze %dma_wait3A_238 : memref<1x128xi32, #tpu.memory_space<vmem>> -> memref<128xi32, #tpu.memory_space<vmem>>
        %dma_wait3A_240 = arith.constant 0 : i32
        %dma_wait3A_241 = arith.constant 0 : i32
        %dma_wait3A_242 = tpu.memref_slice %arg22[%dma_wait3A_240, %dma_wait3A_241] : memref<10000x32xf32, #tpu.memory_space<vmem_shared>> -> memref<10000x32xf32, #tpu.memory_space<vmem_shared>>
        tpu.wait_indirect_dma semaphore(%run_scoped3A : memref<!tpu.dma_semaphore, #tpu.memory_space<semaphore_mem>>) src(%arg17 : memref<128x32xf32, #tpu.memory_space<vmem>>) dst(%dma_wait3A_242 : memref<10000x32xf32, #tpu.memory_space<vmem_shared>>)
        tpu.yield
      }) : () -> ()
      %add3A_183 = arith.constant 4 : i32
      %add3A_184 = arith.addi %add3A_177, %add3A_183 : i32
      %lt3A_185 = arith.cmpi slt, %add3A_184, %select_n3A_10 : i32
      %convert_element_type3A_186 = arith.extui %lt3A_185 : i1 to i32
      %cond3A_187 = arith.constant 0 : i32
      %cond3A_188 = arith.cmpi ne, %convert_element_type3A_186, %cond3A_187 : i32
      scf.if %cond3A_188 {
        %add3A_231 = arith.constant 4 : i32
        %add3A_232 = arith.addi %add3A_177, %add3A_231 : i32
        %dma_start3A_233 = arith.constant 0 : i32
        %dma_start3A_234 = tpu.memref_slice %arg15[%add3A_232, %dma_start3A_233] : memref<160x128xi32, #tpu.memory_space<vmem>> -> memref<1x128xi32, #tpu.memory_space<vmem>>
        %dma_start3A_235 = tpu.memref_squeeze %dma_start3A_234 : memref<1x128xi32, #tpu.memory_space<vmem>> -> memref<128xi32, #tpu.memory_space<vmem>>
        %dma_start3A_236 = arith.constant 0 : i32
        %dma_start3A_237 = arith.constant 0 : i32
        %dma_start3A_238 = tpu.memref_slice %arg21[%dma_start3A_236, %dma_start3A_237] : memref<10000x32xf32, #tpu.memory_space<vmem_shared>> -> memref<10000x32xf32, #tpu.memory_space<vmem_shared>>
        tpu.enqueue_indirect_dma source(%dma_start3A_238 : memref<10000x32xf32, #tpu.memory_space<vmem_shared>>) target(%arg17 : memref<128x32xf32, #tpu.memory_space<vmem>>) offsets(%dma_start3A_235 : memref<128xi32, #tpu.memory_space<vmem>>) semaphore(%arg23 : memref<!tpu.dma_semaphore, #tpu.memory_space<semaphore_mem>>)
      } else {
      }
      %add3A_189 = arith.constant 1 : i32
      %add3A_190 = arith.addi %mul3A_176, %add3A_189 : i32
      %dma_wait3A_191 = arith.constant 0 : i32
      %dma_wait3A_192 = tpu.memref_slice %arg15[%add3A_190, %dma_wait3A_191] : memref<160x128xi32, #tpu.memory_space<vmem>> -> memref<1x128xi32, #tpu.memory_space<vmem>>
      %dma_wait3A_193 = tpu.memref_squeeze %dma_wait3A_192 : memref<1x128xi32, #tpu.memory_space<vmem>> -> memref<128xi32, #tpu.memory_space<vmem>>
      %dma_wait3A_194 = arith.constant 0 : i32
      %dma_wait3A_195 = arith.constant 0 : i32
      %dma_wait3A_196 = tpu.memref_slice %arg21[%dma_wait3A_194, %dma_wait3A_195] : memref<10000x32xf32, #tpu.memory_space<vmem_shared>> -> memref<10000x32xf32, #tpu.memory_space<vmem_shared>>
      tpu.wait_indirect_dma semaphore(%arg24 : memref<!tpu.dma_semaphore, #tpu.memory_space<semaphore_mem>>) src(%dma_wait3A_196 : memref<10000x32xf32, #tpu.memory_space<vmem_shared>>) dst(%arg18 : memref<128x32xf32, #tpu.memory_space<vmem>>)
      "tpu.region"() ({
        %run_scoped3A = tpu.sem_alloc : memref<!tpu.dma_semaphore, #tpu.memory_space<semaphore_mem>>
        %dma_start3A_231 = arith.constant 0 : i32
        %dma_start3A_232 = tpu.memref_slice %arg16[%add3A_190, %dma_start3A_231] : memref<160x128xi32, #tpu.memory_space<vmem>> -> memref<1x128xi32, #tpu.memory_space<vmem>>
        %dma_start3A_233 = tpu.memref_squeeze %dma_start3A_232 : memref<1x128xi32, #tpu.memory_space<vmem>> -> memref<128xi32, #tpu.memory_space<vmem>>
        %dma_start3A_234 = arith.constant 0 : i32
        %dma_start3A_235 = arith.constant 0 : i32
        %dma_start3A_236 = tpu.memref_slice %arg22[%dma_start3A_234, %dma_start3A_235] : memref<10000x32xf32, #tpu.memory_space<vmem_shared>> -> memref<10000x32xf32, #tpu.memory_space<vmem_shared>>
        tpu.enqueue_indirect_dma source(%arg18 : memref<128x32xf32, #tpu.memory_space<vmem>>) target(%dma_start3A_236 : memref<10000x32xf32, #tpu.memory_space<vmem_shared>>) offsets(%dma_start3A_233 : memref<128xi32, #tpu.memory_space<vmem>>) semaphore(%run_scoped3A : memref<!tpu.dma_semaphore, #tpu.memory_space<semaphore_mem>>) {add = true}
        %dma_wait3A_237 = arith.constant 0 : i32
        %dma_wait3A_238 = tpu.memref_slice %arg16[%add3A_190, %dma_wait3A_237] : memref<160x128xi32, #tpu.memory_space<vmem>> -> memref<1x128xi32, #tpu.memory_space<vmem>>
        %dma_wait3A_239 = tpu.memref_squeeze %dma_wait3A_238 : memref<1x128xi32, #tpu.memory_space<vmem>> -> memref<128xi32, #tpu.memory_space<vmem>>
        %dma_wait3A_240 = arith.constant 0 : i32
        %dma_wait3A_241 = arith.constant 0 : i32
        %dma_wait3A_242 = tpu.memref_slice %arg22[%dma_wait3A_240, %dma_wait3A_241] : memref<10000x32xf32, #tpu.memory_space<vmem_shared>> -> memref<10000x32xf32, #tpu.memory_space<vmem_shared>>
        tpu.wait_indirect_dma semaphore(%run_scoped3A : memref<!tpu.dma_semaphore, #tpu.memory_space<semaphore_mem>>) src(%arg18 : memref<128x32xf32, #tpu.memory_space<vmem>>) dst(%dma_wait3A_242 : memref<10000x32xf32, #tpu.memory_space<vmem_shared>>)
        tpu.yield
      }) : () -> ()
      %add3A_197 = arith.constant 4 : i32
      %add3A_198 = arith.addi %add3A_190, %add3A_197 : i32
      %lt3A_199 = arith.cmpi slt, %add3A_198, %select_n3A_10 : i32
      %convert_element_type3A_200 = arith.extui %lt3A_199 : i1 to i32
      %cond3A_201 = arith.constant 0 : i32
      %cond3A_202 = arith.cmpi ne, %convert_element_type3A_200, %cond3A_201 : i32
      scf.if %cond3A_202 {
        %add3A_231 = arith.constant 4 : i32
        %add3A_232 = arith.addi %add3A_190, %add3A_231 : i32
        %dma_start3A_233 = arith.constant 0 : i32
        %dma_start3A_234 = tpu.memref_slice %arg15[%add3A_232, %dma_start3A_233] : memref<160x128xi32, #tpu.memory_space<vmem>> -> memref<1x128xi32, #tpu.memory_space<vmem>>
        %dma_start3A_235 = tpu.memref_squeeze %dma_start3A_234 : memref<1x128xi32, #tpu.memory_space<vmem>> -> memref<128xi32, #tpu.memory_space<vmem>>
        %dma_start3A_236 = arith.constant 0 : i32
        %dma_start3A_237 = arith.constant 0 : i32
        %dma_start3A_238 = tpu.memref_slice %arg21[%dma_start3A_236, %dma_start3A_237] : memref<10000x32xf32, #tpu.memory_space<vmem_shared>> -> memref<10000x32xf32, #tpu.memory_space<vmem_shared>>
        tpu.enqueue_indirect_dma source(%dma_start3A_238 : memref<10000x32xf32, #tpu.memory_space<vmem_shared>>) target(%arg18 : memref<128x32xf32, #tpu.memory_space<vmem>>) offsets(%dma_start3A_235 : memref<128xi32, #tpu.memory_space<vmem>>) semaphore(%arg24 : memref<!tpu.dma_semaphore, #tpu.memory_space<semaphore_mem>>)
      } else {
      }
      %add3A_203 = arith.constant 2 : i32
      %add3A_204 = arith.addi %mul3A_176, %add3A_203 : i32
      %dma_wait3A_205 = arith.constant 0 : i32
      %dma_wait3A_206 = tpu.memref_slice %arg15[%add3A_204, %dma_wait3A_205] : memref<160x128xi32, #tpu.memory_space<vmem>> -> memref<1x128xi32, #tpu.memory_space<vmem>>
      %dma_wait3A_207 = tpu.memref_squeeze %dma_wait3A_206 : memref<1x128xi32, #tpu.memory_space<vmem>> -> memref<128xi32, #tpu.memory_space<vmem>>
      %dma_wait3A_208 = arith.constant 0 : i32
      %dma_wait3A_209 = arith.constant 0 : i32
      %dma_wait3A_210 = tpu.memref_slice %arg21[%dma_wait3A_208, %dma_wait3A_209] : memref<10000x32xf32, #tpu.memory_space<vmem_shared>> -> memref<10000x32xf32, #tpu.memory_space<vmem_shared>>
      tpu.wait_indirect_dma semaphore(%arg25 : memref<!tpu.dma_semaphore, #tpu.memory_space<semaphore_mem>>) src(%dma_wait3A_210 : memref<10000x32xf32, #tpu.memory_space<vmem_shared>>) dst(%arg19 : memref<128x32xf32, #tpu.memory_space<vmem>>)
      "tpu.region"() ({
        %run_scoped3A = tpu.sem_alloc : memref<!tpu.dma_semaphore, #tpu.memory_space<semaphore_mem>>
        %dma_start3A_231 = arith.constant 0 : i32
        %dma_start3A_232 = tpu.memref_slice %arg16[%add3A_204, %dma_start3A_231] : memref<160x128xi32, #tpu.memory_space<vmem>> -> memref<1x128xi32, #tpu.memory_space<vmem>>
        %dma_start3A_233 = tpu.memref_squeeze %dma_start3A_232 : memref<1x128xi32, #tpu.memory_space<vmem>> -> memref<128xi32, #tpu.memory_space<vmem>>
        %dma_start3A_234 = arith.constant 0 : i32
        %dma_start3A_235 = arith.constant 0 : i32
        %dma_start3A_236 = tpu.memref_slice %arg22[%dma_start3A_234, %dma_start3A_235] : memref<10000x32xf32, #tpu.memory_space<vmem_shared>> -> memref<10000x32xf32, #tpu.memory_space<vmem_shared>>
        tpu.enqueue_indirect_dma source(%arg19 : memref<128x32xf32, #tpu.memory_space<vmem>>) target(%dma_start3A_236 : memref<10000x32xf32, #tpu.memory_space<vmem_shared>>) offsets(%dma_start3A_233 : memref<128xi32, #tpu.memory_space<vmem>>) semaphore(%run_scoped3A : memref<!tpu.dma_semaphore, #tpu.memory_space<semaphore_mem>>) {add = true}
        %dma_wait3A_237 = arith.constant 0 : i32
        %dma_wait3A_238 = tpu.memref_slice %arg16[%add3A_204, %dma_wait3A_237] : memref<160x128xi32, #tpu.memory_space<vmem>> -> memref<1x128xi32, #tpu.memory_space<vmem>>
        %dma_wait3A_239 = tpu.memref_squeeze %dma_wait3A_238 : memref<1x128xi32, #tpu.memory_space<vmem>> -> memref<128xi32, #tpu.memory_space<vmem>>
        %dma_wait3A_240 = arith.constant 0 : i32
        %dma_wait3A_241 = arith.constant 0 : i32
        %dma_wait3A_242 = tpu.memref_slice %arg22[%dma_wait3A_240, %dma_wait3A_241] : memref<10000x32xf32, #tpu.memory_space<vmem_shared>> -> memref<10000x32xf32, #tpu.memory_space<vmem_shared>>
        tpu.wait_indirect_dma semaphore(%run_scoped3A : memref<!tpu.dma_semaphore, #tpu.memory_space<semaphore_mem>>) src(%arg19 : memref<128x32xf32, #tpu.memory_space<vmem>>) dst(%dma_wait3A_242 : memref<10000x32xf32, #tpu.memory_space<vmem_shared>>)
        tpu.yield
      }) : () -> ()
      %add3A_211 = arith.constant 4 : i32
      %add3A_212 = arith.addi %add3A_204, %add3A_211 : i32
      %lt3A_213 = arith.cmpi slt, %add3A_212, %select_n3A_10 : i32
      %convert_element_type3A_214 = arith.extui %lt3A_213 : i1 to i32
      %cond3A_215 = arith.constant 0 : i32
      %cond3A_216 = arith.cmpi ne, %convert_element_type3A_214, %cond3A_215 : i32
      scf.if %cond3A_216 {
        %add3A_231 = arith.constant 4 : i32
        %add3A_232 = arith.addi %add3A_204, %add3A_231 : i32
        %dma_start3A_233 = arith.constant 0 : i32
        %dma_start3A_234 = tpu.memref_slice %arg15[%add3A_232, %dma_start3A_233] : memref<160x128xi32, #tpu.memory_space<vmem>> -> memref<1x128xi32, #tpu.memory_space<vmem>>
        %dma_start3A_235 = tpu.memref_squeeze %dma_start3A_234 : memref<1x128xi32, #tpu.memory_space<vmem>> -> memref<128xi32, #tpu.memory_space<vmem>>
        %dma_start3A_236 = arith.constant 0 : i32
        %dma_start3A_237 = arith.constant 0 : i32
        %dma_start3A_238 = tpu.memref_slice %arg21[%dma_start3A_236, %dma_start3A_237] : memref<10000x32xf32, #tpu.memory_space<vmem_shared>> -> memref<10000x32xf32, #tpu.memory_space<vmem_shared>>
        tpu.enqueue_indirect_dma source(%dma_start3A_238 : memref<10000x32xf32, #tpu.memory_space<vmem_shared>>) target(%arg19 : memref<128x32xf32, #tpu.memory_space<vmem>>) offsets(%dma_start3A_235 : memref<128xi32, #tpu.memory_space<vmem>>) semaphore(%arg25 : memref<!tpu.dma_semaphore, #tpu.memory_space<semaphore_mem>>)
      } else {
      }
      %add3A_217 = arith.constant 3 : i32
      %add3A_218 = arith.addi %mul3A_176, %add3A_217 : i32
      %dma_wait3A_219 = arith.constant 0 : i32
      %dma_wait3A_220 = tpu.memref_slice %arg15[%add3A_218, %dma_wait3A_219] : memref<160x128xi32, #tpu.memory_space<vmem>> -> memref<1x128xi32, #tpu.memory_space<vmem>>
      %dma_wait3A_221 = tpu.memref_squeeze %dma_wait3A_220 : memref<1x128xi32, #tpu.memory_space<vmem>> -> memref<128xi32, #tpu.memory_space<vmem>>
      %dma_wait3A_222 = arith.constant 0 : i32
      %dma_wait3A_223 = arith.constant 0 : i32
      %dma_wait3A_224 = tpu.memref_slice %arg21[%dma_wait3A_222, %dma_wait3A_223] : memref<10000x32xf32, #tpu.memory_space<vmem_shared>> -> memref<10000x32xf32, #tpu.memory_space<vmem_shared>>
      tpu.wait_indirect_dma semaphore(%arg26 : memref<!tpu.dma_semaphore, #tpu.memory_space<semaphore_mem>>) src(%dma_wait3A_224 : memref<10000x32xf32, #tpu.memory_space<vmem_shared>>) dst(%arg20 : memref<128x32xf32, #tpu.memory_space<vmem>>)
      "tpu.region"() ({
        %run_scoped3A = tpu.sem_alloc : memref<!tpu.dma_semaphore, #tpu.memory_space<semaphore_mem>>
        %dma_start3A_231 = arith.constant 0 : i32
        %dma_start3A_232 = tpu.memref_slice %arg16[%add3A_218, %dma_start3A_231] : memref<160x128xi32, #tpu.memory_space<vmem>> -> memref<1x128xi32, #tpu.memory_space<vmem>>
        %dma_start3A_233 = tpu.memref_squeeze %dma_start3A_232 : memref<1x128xi32, #tpu.memory_space<vmem>> -> memref<128xi32, #tpu.memory_space<vmem>>
        %dma_start3A_234 = arith.constant 0 : i32
        %dma_start3A_235 = arith.constant 0 : i32
        %dma_start3A_236 = tpu.memref_slice %arg22[%dma_start3A_234, %dma_start3A_235] : memref<10000x32xf32, #tpu.memory_space<vmem_shared>> -> memref<10000x32xf32, #tpu.memory_space<vmem_shared>>
        tpu.enqueue_indirect_dma source(%arg20 : memref<128x32xf32, #tpu.memory_space<vmem>>) target(%dma_start3A_236 : memref<10000x32xf32, #tpu.memory_space<vmem_shared>>) offsets(%dma_start3A_233 : memref<128xi32, #tpu.memory_space<vmem>>) semaphore(%run_scoped3A : memref<!tpu.dma_semaphore, #tpu.memory_space<semaphore_mem>>) {add = true}
        %dma_wait3A_237 = arith.constant 0 : i32
        %dma_wait3A_238 = tpu.memref_slice %arg16[%add3A_218, %dma_wait3A_237] : memref<160x128xi32, #tpu.memory_space<vmem>> -> memref<1x128xi32, #tpu.memory_space<vmem>>
        %dma_wait3A_239 = tpu.memref_squeeze %dma_wait3A_238 : memref<1x128xi32, #tpu.memory_space<vmem>> -> memref<128xi32, #tpu.memory_space<vmem>>
        %dma_wait3A_240 = arith.constant 0 : i32
        %dma_wait3A_241 = arith.constant 0 : i32
        %dma_wait3A_242 = tpu.memref_slice %arg22[%dma_wait3A_240, %dma_wait3A_241] : memref<10000x32xf32, #tpu.memory_space<vmem_shared>> -> memref<10000x32xf32, #tpu.memory_space<vmem_shared>>
        tpu.wait_indirect_dma semaphore(%run_scoped3A : memref<!tpu.dma_semaphore, #tpu.memory_space<semaphore_mem>>) src(%arg20 : memref<128x32xf32, #tpu.memory_space<vmem>>) dst(%dma_wait3A_242 : memref<10000x32xf32, #tpu.memory_space<vmem_shared>>)
        tpu.yield
      }) : () -> ()
      %add3A_225 = arith.constant 4 : i32
      %add3A_226 = arith.addi %add3A_218, %add3A_225 : i32
      %lt3A_227 = arith.cmpi slt, %add3A_226, %select_n3A_10 : i32
      %convert_element_type3A_228 = arith.extui %lt3A_227 : i1 to i32
      %cond3A_229 = arith.constant 0 : i32
      %cond3A_230 = arith.cmpi ne, %convert_element_type3A_228, %cond3A_229 : i32
      scf.if %cond3A_230 {
        %add3A_231 = arith.constant 4 : i32
        %add3A_232 = arith.addi %add3A_218, %add3A_231 : i32
        %dma_start3A_233 = arith.constant 0 : i32
        %dma_start3A_234 = tpu.memref_slice %arg15[%add3A_232, %dma_start3A_233] : memref<160x128xi32, #tpu.memory_space<vmem>> -> memref<1x128xi32, #tpu.memory_space<vmem>>
        %dma_start3A_235 = tpu.memref_squeeze %dma_start3A_234 : memref<1x128xi32, #tpu.memory_space<vmem>> -> memref<128xi32, #tpu.memory_space<vmem>>
        %dma_start3A_236 = arith.constant 0 : i32
        %dma_start3A_237 = arith.constant 0 : i32
        %dma_start3A_238 = tpu.memref_slice %arg21[%dma_start3A_236, %dma_start3A_237] : memref<10000x32xf32, #tpu.memory_space<vmem_shared>> -> memref<10000x32xf32, #tpu.memory_space<vmem_shared>>
        tpu.enqueue_indirect_dma source(%dma_start3A_238 : memref<10000x32xf32, #tpu.memory_space<vmem_shared>>) target(%arg20 : memref<128x32xf32, #tpu.memory_space<vmem>>) offsets(%dma_start3A_235 : memref<128xi32, #tpu.memory_space<vmem>>) semaphore(%arg26 : memref<!tpu.dma_semaphore, #tpu.memory_space<semaphore_mem>>)
      } else {
      }
    }
    %while3A_157 = arith.constant 1 : i32
    scf.for %while3A_174 = %while3A_155 to %while3A_151 step %while3A_157  : i32 {
      %mul3A_175 = arith.constant 4 : i32
      %mul3A_176 = arith.muli %while3A_174, %mul3A_175 : i32
      %add3A = arith.constant 0 : i32
      %add3A_177 = arith.addi %mul3A_176, %add3A : i32
      %dma_wait3A = arith.constant 0 : i32
      %dma_wait3A_178 = tpu.memref_slice %arg15[%add3A_177, %dma_wait3A] : memref<160x128xi32, #tpu.memory_space<vmem>> -> memref<1x128xi32, #tpu.memory_space<vmem>>
      %dma_wait3A_179 = tpu.memref_squeeze %dma_wait3A_178 : memref<1x128xi32, #tpu.memory_space<vmem>> -> memref<128xi32, #tpu.memory_space<vmem>>
      %dma_wait3A_180 = arith.constant 0 : i32
      %dma_wait3A_181 = arith.constant 0 : i32
      %dma_wait3A_182 = tpu.memref_slice %arg21[%dma_wait3A_180, %dma_wait3A_181] : memref<10000x32xf32, #tpu.memory_space<vmem_shared>> -> memref<10000x32xf32, #tpu.memory_space<vmem_shared>>
      tpu.wait_indirect_dma semaphore(%arg23 : memref<!tpu.dma_semaphore, #tpu.memory_space<semaphore_mem>>) src(%dma_wait3A_182 : memref<10000x32xf32, #tpu.memory_space<vmem_shared>>) dst(%arg17 : memref<128x32xf32, #tpu.memory_space<vmem>>)
      "tpu.region"() ({
        %run_scoped3A = tpu.sem_alloc : memref<!tpu.dma_semaphore, #tpu.memory_space<semaphore_mem>>
        %dma_start3A_231 = arith.constant 0 : i32
        %dma_start3A_232 = tpu.memref_slice %arg16[%add3A_177, %dma_start3A_231] : memref<160x128xi32, #tpu.memory_space<vmem>> -> memref<1x128xi32, #tpu.memory_space<vmem>>
        %dma_start3A_233 = tpu.memref_squeeze %dma_start3A_232 : memref<1x128xi32, #tpu.memory_space<vmem>> -> memref<128xi32, #tpu.memory_space<vmem>>
        %dma_start3A_234 = arith.constant 0 : i32
        %dma_start3A_235 = arith.constant 0 : i32
        %dma_start3A_236 = tpu.memref_slice %arg22[%dma_start3A_234, %dma_start3A_235] : memref<10000x32xf32, #tpu.memory_space<vmem_shared>> -> memref<10000x32xf32, #tpu.memory_space<vmem_shared>>
        tpu.enqueue_indirect_dma source(%arg17 : memref<128x32xf32, #tpu.memory_space<vmem>>) target(%dma_start3A_236 : memref<10000x32xf32, #tpu.memory_space<vmem_shared>>) offsets(%dma_start3A_233 : memref<128xi32, #tpu.memory_space<vmem>>) semaphore(%run_scoped3A : memref<!tpu.dma_semaphore, #tpu.memory_space<semaphore_mem>>) {add = true}
        %dma_wait3A_237 = arith.constant 0 : i32
        %dma_wait3A_238 = tpu.memref_slice %arg16[%add3A_177, %dma_wait3A_237] : memref<160x128xi32, #tpu.memory_space<vmem>> -> memref<1x128xi32, #tpu.memory_space<vmem>>
        %dma_wait3A_239 = tpu.memref_squeeze %dma_wait3A_238 : memref<1x128xi32, #tpu.memory_space<vmem>> -> memref<128xi32, #tpu.memory_space<vmem>>
        %dma_wait3A_240 = arith.constant 0 : i32
        %dma_wait3A_241 = arith.constant 0 : i32
        %dma_wait3A_242 = tpu.memref_slice %arg22[%dma_wait3A_240, %dma_wait3A_241] : memref<10000x32xf32, #tpu.memory_space<vmem_shared>> -> memref<10000x32xf32, #tpu.memory_space<vmem_shared>>
        tpu.wait_indirect_dma semaphore(%run_scoped3A : memref<!tpu.dma_semaphore, #tpu.memory_space<semaphore_mem>>) src(%arg17 : memref<128x32xf32, #tpu.memory_space<vmem>>) dst(%dma_wait3A_242 : memref<10000x32xf32, #tpu.memory_space<vmem_shared>>)
        tpu.yield
      }) : () -> ()
      %add3A_183 = arith.constant 4 : i32
      %add3A_184 = arith.addi %add3A_177, %add3A_183 : i32
      %lt3A_185 = arith.cmpi slt, %add3A_184, %select_n3A_10 : i32
      %convert_element_type3A_186 = arith.extui %lt3A_185 : i1 to i32
      %cond3A_187 = arith.constant 0 : i32
      %cond3A_188 = arith.cmpi ne, %convert_element_type3A_186, %cond3A_187 : i32
      scf.if %cond3A_188 {
        %add3A_231 = arith.constant 4 : i32
        %add3A_232 = arith.addi %add3A_177, %add3A_231 : i32
        %dma_start3A_233 = arith.constant 0 : i32
        %dma_start3A_234 = tpu.memref_slice %arg15[%add3A_232, %dma_start3A_233] : memref<160x128xi32, #tpu.memory_space<vmem>> -> memref<1x128xi32, #tpu.memory_space<vmem>>
        %dma_start3A_235 = tpu.memref_squeeze %dma_start3A_234 : memref<1x128xi32, #tpu.memory_space<vmem>> -> memref<128xi32, #tpu.memory_space<vmem>>
        %dma_start3A_236 = arith.constant 0 : i32
        %dma_start3A_237 = arith.constant 0 : i32
        %dma_start3A_238 = tpu.memref_slice %arg21[%dma_start3A_236, %dma_start3A_237] : memref<10000x32xf32, #tpu.memory_space<vmem_shared>> -> memref<10000x32xf32, #tpu.memory_space<vmem_shared>>
        tpu.enqueue_indirect_dma source(%dma_start3A_238 : memref<10000x32xf32, #tpu.memory_space<vmem_shared>>) target(%arg17 : memref<128x32xf32, #tpu.memory_space<vmem>>) offsets(%dma_start3A_235 : memref<128xi32, #tpu.memory_space<vmem>>) semaphore(%arg23 : memref<!tpu.dma_semaphore, #tpu.memory_space<semaphore_mem>>)
      } else {
      }
      %add3A_189 = arith.constant 1 : i32
      %add3A_190 = arith.addi %mul3A_176, %add3A_189 : i32
      %dma_wait3A_191 = arith.constant 0 : i32
      %dma_wait3A_192 = tpu.memref_slice %arg15[%add3A_190, %dma_wait3A_191] : memref<160x128xi32, #tpu.memory_space<vmem>> -> memref<1x128xi32, #tpu.memory_space<vmem>>
      %dma_wait3A_193 = tpu.memref_squeeze %dma_wait3A_192 : memref<1x128xi32, #tpu.memory_space<vmem>> -> memref<128xi32, #tpu.memory_space<vmem>>
      %dma_wait3A_194 = arith.constant 0 : i32
      %dma_wait3A_195 = arith.constant 0 : i32
      %dma_wait3A_196 = tpu.memref_slice %arg21[%dma_wait3A_194, %dma_wait3A_195] : memref<10000x32xf32, #tpu.memory_space<vmem_shared>> -> memref<10000x32xf32, #tpu.memory_space<vmem_shared>>
      tpu.wait_indirect_dma semaphore(%arg24 : memref<!tpu.dma_semaphore, #tpu.memory_space<semaphore_mem>>) src(%dma_wait3A_196 : memref<10000x32xf32, #tpu.memory_space<vmem_shared>>) dst(%arg18 : memref<128x32xf32, #tpu.memory_space<vmem>>)
      "tpu.region"() ({
        %run_scoped3A = tpu.sem_alloc : memref<!tpu.dma_semaphore, #tpu.memory_space<semaphore_mem>>
        %dma_start3A_231 = arith.constant 0 : i32
        %dma_start3A_232 = tpu.memref_slice %arg16[%add3A_190, %dma_start3A_231] : memref<160x128xi32, #tpu.memory_space<vmem>> -> memref<1x128xi32, #tpu.memory_space<vmem>>
        %dma_start3A_233 = tpu.memref_squeeze %dma_start3A_232 : memref<1x128xi32, #tpu.memory_space<vmem>> -> memref<128xi32, #tpu.memory_space<vmem>>
        %dma_start3A_234 = arith.constant 0 : i32
        %dma_start3A_235 = arith.constant 0 : i32
        %dma_start3A_236 = tpu.memref_slice %arg22[%dma_start3A_234, %dma_start3A_235] : memref<10000x32xf32, #tpu.memory_space<vmem_shared>> -> memref<10000x32xf32, #tpu.memory_space<vmem_shared>>
        tpu.enqueue_indirect_dma source(%arg18 : memref<128x32xf32, #tpu.memory_space<vmem>>) target(%dma_start3A_236 : memref<10000x32xf32, #tpu.memory_space<vmem_shared>>) offsets(%dma_start3A_233 : memref<128xi32, #tpu.memory_space<vmem>>) semaphore(%run_scoped3A : memref<!tpu.dma_semaphore, #tpu.memory_space<semaphore_mem>>) {add = true}
        %dma_wait3A_237 = arith.constant 0 : i32
        %dma_wait3A_238 = tpu.memref_slice %arg16[%add3A_190, %dma_wait3A_237] : memref<160x128xi32, #tpu.memory_space<vmem>> -> memref<1x128xi32, #tpu.memory_space<vmem>>
        %dma_wait3A_239 = tpu.memref_squeeze %dma_wait3A_238 : memref<1x128xi32, #tpu.memory_space<vmem>> -> memref<128xi32, #tpu.memory_space<vmem>>
        %dma_wait3A_240 = arith.constant 0 : i32
        %dma_wait3A_241 = arith.constant 0 : i32
        %dma_wait3A_242 = tpu.memref_slice %arg22[%dma_wait3A_240, %dma_wait3A_241] : memref<10000x32xf32, #tpu.memory_space<vmem_shared>> -> memref<10000x32xf32, #tpu.memory_space<vmem_shared>>
        tpu.wait_indirect_dma semaphore(%run_scoped3A : memref<!tpu.dma_semaphore, #tpu.memory_space<semaphore_mem>>) src(%arg18 : memref<128x32xf32, #tpu.memory_space<vmem>>) dst(%dma_wait3A_242 : memref<10000x32xf32, #tpu.memory_space<vmem_shared>>)
        tpu.yield
      }) : () -> ()
      %add3A_197 = arith.constant 4 : i32
      %add3A_198 = arith.addi %add3A_190, %add3A_197 : i32
      %lt3A_199 = arith.cmpi slt, %add3A_198, %select_n3A_10 : i32
      %convert_element_type3A_200 = arith.extui %lt3A_199 : i1 to i32
      %cond3A_201 = arith.constant 0 : i32
      %cond3A_202 = arith.cmpi ne, %convert_element_type3A_200, %cond3A_201 : i32
      scf.if %cond3A_202 {
        %add3A_231 = arith.constant 4 : i32
        %add3A_232 = arith.addi %add3A_190, %add3A_231 : i32
        %dma_start3A_233 = arith.constant 0 : i32
        %dma_start3A_234 = tpu.memref_slice %arg15[%add3A_232, %dma_start3A_233] : memref<160x128xi32, #tpu.memory_space<vmem>> -> memref<1x128xi32, #tpu.memory_space<vmem>>
        %dma_start3A_235 = tpu.memref_squeeze %dma_start3A_234 : memref<1x128xi32, #tpu.memory_space<vmem>> -> memref<128xi32, #tpu.memory_space<vmem>>
        %dma_start3A_236 = arith.constant 0 : i32
        %dma_start3A_237 = arith.constant 0 : i32
        %dma_start3A_238 = tpu.memref_slice %arg21[%dma_start3A_236, %dma_start3A_237] : memref<10000x32xf32, #tpu.memory_space<vmem_shared>> -> memref<10000x32xf32, #tpu.memory_space<vmem_shared>>
        tpu.enqueue_indirect_dma source(%dma_start3A_238 : memref<10000x32xf32, #tpu.memory_space<vmem_shared>>) target(%arg18 : memref<128x32xf32, #tpu.memory_space<vmem>>) offsets(%dma_start3A_235 : memref<128xi32, #tpu.memory_space<vmem>>) semaphore(%arg24 : memref<!tpu.dma_semaphore, #tpu.memory_space<semaphore_mem>>)
      } else {
      }
      %add3A_203 = arith.constant 2 : i32
      %add3A_204 = arith.addi %mul3A_176, %add3A_203 : i32
      %dma_wait3A_205 = arith.constant 0 : i32
      %dma_wait3A_206 = tpu.memref_slice %arg15[%add3A_204, %dma_wait3A_205] : memref<160x128xi32, #tpu.memory_space<vmem>> -> memref<1x128xi32, #tpu.memory_space<vmem>>
      %dma_wait3A_207 = tpu.memref_squeeze %dma_wait3A_206 : memref<1x128xi32, #tpu.memory_space<vmem>> -> memref<128xi32, #tpu.memory_space<vmem>>
      %dma_wait3A_208 = arith.constant 0 : i32
      %dma_wait3A_209 = arith.constant 0 : i32
      %dma_wait3A_210 = tpu.memref_slice %arg21[%dma_wait3A_208, %dma_wait3A_209] : memref<10000x32xf32, #tpu.memory_space<vmem_shared>> -> memref<10000x32xf32, #tpu.memory_space<vmem_shared>>
      tpu.wait_indirect_dma semaphore(%arg25 : memref<!tpu.dma_semaphore, #tpu.memory_space<semaphore_mem>>) src(%dma_wait3A_210 : memref<10000x32xf32, #tpu.memory_space<vmem_shared>>) dst(%arg19 : memref<128x32xf32, #tpu.memory_space<vmem>>)
      "tpu.region"() ({
        %run_scoped3A = tpu.sem_alloc : memref<!tpu.dma_semaphore, #tpu.memory_space<semaphore_mem>>
        %dma_start3A_231 = arith.constant 0 : i32
        %dma_start3A_232 = tpu.memref_slice %arg16[%add3A_204, %dma_start3A_231] : memref<160x128xi32, #tpu.memory_space<vmem>> -> memref<1x128xi32, #tpu.memory_space<vmem>>
        %dma_start3A_233 = tpu.memref_squeeze %dma_start3A_232 : memref<1x128xi32, #tpu.memory_space<vmem>> -> memref<128xi32, #tpu.memory_space<vmem>>
        %dma_start3A_234 = arith.constant 0 : i32
        %dma_start3A_235 = arith.constant 0 : i32
        %dma_start3A_236 = tpu.memref_slice %arg22[%dma_start3A_234, %dma_start3A_235] : memref<10000x32xf32, #tpu.memory_space<vmem_shared>> -> memref<10000x32xf32, #tpu.memory_space<vmem_shared>>
        tpu.enqueue_indirect_dma source(%arg19 : memref<128x32xf32, #tpu.memory_space<vmem>>) target(%dma_start3A_236 : memref<10000x32xf32, #tpu.memory_space<vmem_shared>>) offsets(%dma_start3A_233 : memref<128xi32, #tpu.memory_space<vmem>>) semaphore(%run_scoped3A : memref<!tpu.dma_semaphore, #tpu.memory_space<semaphore_mem>>) {add = true}
        %dma_wait3A_237 = arith.constant 0 : i32
        %dma_wait3A_238 = tpu.memref_slice %arg16[%add3A_204, %dma_wait3A_237] : memref<160x128xi32, #tpu.memory_space<vmem>> -> memref<1x128xi32, #tpu.memory_space<vmem>>
        %dma_wait3A_239 = tpu.memref_squeeze %dma_wait3A_238 : memref<1x128xi32, #tpu.memory_space<vmem>> -> memref<128xi32, #tpu.memory_space<vmem>>
        %dma_wait3A_240 = arith.constant 0 : i32
        %dma_wait3A_241 = arith.constant 0 : i32
        %dma_wait3A_242 = tpu.memref_slice %arg22[%dma_wait3A_240, %dma_wait3A_241] : memref<10000x32xf32, #tpu.memory_space<vmem_shared>> -> memref<10000x32xf32, #tpu.memory_space<vmem_shared>>
        tpu.wait_indirect_dma semaphore(%run_scoped3A : memref<!tpu.dma_semaphore, #tpu.memory_space<semaphore_mem>>) src(%arg19 : memref<128x32xf32, #tpu.memory_space<vmem>>) dst(%dma_wait3A_242 : memref<10000x32xf32, #tpu.memory_space<vmem_shared>>)
        tpu.yield
      }) : () -> ()
      %add3A_211 = arith.constant 4 : i32
      %add3A_212 = arith.addi %add3A_204, %add3A_211 : i32
      %lt3A_213 = arith.cmpi slt, %add3A_212, %select_n3A_10 : i32
      %convert_element_type3A_214 = arith.extui %lt3A_213 : i1 to i32
      %cond3A_215 = arith.constant 0 : i32
      %cond3A_216 = arith.cmpi ne, %convert_element_type3A_214, %cond3A_215 : i32
      scf.if %cond3A_216 {
        %add3A_231 = arith.constant 4 : i32
        %add3A_232 = arith.addi %add3A_204, %add3A_231 : i32
        %dma_start3A_233 = arith.constant 0 : i32
        %dma_start3A_234 = tpu.memref_slice %arg15[%add3A_232, %dma_start3A_233] : memref<160x128xi32, #tpu.memory_space<vmem>> -> memref<1x128xi32, #tpu.memory_space<vmem>>
        %dma_start3A_235 = tpu.memref_squeeze %dma_start3A_234 : memref<1x128xi32, #tpu.memory_space<vmem>> -> memref<128xi32, #tpu.memory_space<vmem>>
        %dma_start3A_236 = arith.constant 0 : i32
        %dma_start3A_237 = arith.constant 0 : i32
        %dma_start3A_238 = tpu.memref_slice %arg21[%dma_start3A_236, %dma_start3A_237] : memref<10000x32xf32, #tpu.memory_space<vmem_shared>> -> memref<10000x32xf32, #tpu.memory_space<vmem_shared>>
        tpu.enqueue_indirect_dma source(%dma_start3A_238 : memref<10000x32xf32, #tpu.memory_space<vmem_shared>>) target(%arg19 : memref<128x32xf32, #tpu.memory_space<vmem>>) offsets(%dma_start3A_235 : memref<128xi32, #tpu.memory_space<vmem>>) semaphore(%arg25 : memref<!tpu.dma_semaphore, #tpu.memory_space<semaphore_mem>>)
      } else {
      }
      %add3A_217 = arith.constant 3 : i32
      %add3A_218 = arith.addi %mul3A_176, %add3A_217 : i32
      %dma_wait3A_219 = arith.constant 0 : i32
      %dma_wait3A_220 = tpu.memref_slice %arg15[%add3A_218, %dma_wait3A_219] : memref<160x128xi32, #tpu.memory_space<vmem>> -> memref<1x128xi32, #tpu.memory_space<vmem>>
      %dma_wait3A_221 = tpu.memref_squeeze %dma_wait3A_220 : memref<1x128xi32, #tpu.memory_space<vmem>> -> memref<128xi32, #tpu.memory_space<vmem>>
      %dma_wait3A_222 = arith.constant 0 : i32
      %dma_wait3A_223 = arith.constant 0 : i32
      %dma_wait3A_224 = tpu.memref_slice %arg21[%dma_wait3A_222, %dma_wait3A_223] : memref<10000x32xf32, #tpu.memory_space<vmem_shared>> -> memref<10000x32xf32, #tpu.memory_space<vmem_shared>>
      tpu.wait_indirect_dma semaphore(%arg26 : memref<!tpu.dma_semaphore, #tpu.memory_space<semaphore_mem>>) src(%dma_wait3A_224 : memref<10000x32xf32, #tpu.memory_space<vmem_shared>>) dst(%arg20 : memref<128x32xf32, #tpu.memory_space<vmem>>)
      "tpu.region"() ({
        %run_scoped3A = tpu.sem_alloc : memref<!tpu.dma_semaphore, #tpu.memory_space<semaphore_mem>>
        %dma_start3A_231 = arith.constant 0 : i32
        %dma_start3A_232 = tpu.memref_slice %arg16[%add3A_218, %dma_start3A_231] : memref<160x128xi32, #tpu.memory_space<vmem>> -> memref<1x128xi32, #tpu.memory_space<vmem>>
        %dma_start3A_233 = tpu.memref_squeeze %dma_start3A_232 : memref<1x128xi32, #tpu.memory_space<vmem>> -> memref<128xi32, #tpu.memory_space<vmem>>
        %dma_start3A_234 = arith.constant 0 : i32
        %dma_start3A_235 = arith.constant 0 : i32
        %dma_start3A_236 = tpu.memref_slice %arg22[%dma_start3A_234, %dma_start3A_235] : memref<10000x32xf32, #tpu.memory_space<vmem_shared>> -> memref<10000x32xf32, #tpu.memory_space<vmem_shared>>
        tpu.enqueue_indirect_dma source(%arg20 : memref<128x32xf32, #tpu.memory_space<vmem>>) target(%dma_start3A_236 : memref<10000x32xf32, #tpu.memory_space<vmem_shared>>) offsets(%dma_start3A_233 : memref<128xi32, #tpu.memory_space<vmem>>) semaphore(%run_scoped3A : memref<!tpu.dma_semaphore, #tpu.memory_space<semaphore_mem>>) {add = true}
        %dma_wait3A_237 = arith.constant 0 : i32
        %dma_wait3A_238 = tpu.memref_slice %arg16[%add3A_218, %dma_wait3A_237] : memref<160x128xi32, #tpu.memory_space<vmem>> -> memref<1x128xi32, #tpu.memory_space<vmem>>
        %dma_wait3A_239 = tpu.memref_squeeze %dma_wait3A_238 : memref<1x128xi32, #tpu.memory_space<vmem>> -> memref<128xi32, #tpu.memory_space<vmem>>
        %dma_wait3A_240 = arith.constant 0 : i32
        %dma_wait3A_241 = arith.constant 0 : i32
        %dma_wait3A_242 = tpu.memref_slice %arg22[%dma_wait3A_240, %dma_wait3A_241] : memref<10000x32xf32, #tpu.memory_space<vmem_shared>> -> memref<10000x32xf32, #tpu.memory_space<vmem_shared>>
        tpu.wait_indirect_dma semaphore(%run_scoped3A : memref<!tpu.dma_semaphore, #tpu.memory_space<semaphore_mem>>) src(%arg20 : memref<128x32xf32, #tpu.memory_space<vmem>>) dst(%dma_wait3A_242 : memref<10000x32xf32, #tpu.memory_space<vmem_shared>>)
        tpu.yield
      }) : () -> ()
      %add3A_225 = arith.constant 4 : i32
      %add3A_226 = arith.addi %add3A_218, %add3A_225 : i32
      %lt3A_227 = arith.cmpi slt, %add3A_226, %select_n3A_10 : i32
      %convert_element_type3A_228 = arith.extui %lt3A_227 : i1 to i32
      %cond3A_229 = arith.constant 0 : i32
      %cond3A_230 = arith.cmpi ne, %convert_element_type3A_228, %cond3A_229 : i32
      scf.if %cond3A_230 {
        %add3A_231 = arith.constant 4 : i32
        %add3A_232 = arith.addi %add3A_218, %add3A_231 : i32
        %dma_start3A_233 = arith.constant 0 : i32
        %dma_start3A_234 = tpu.memref_slice %arg15[%add3A_232, %dma_start3A_233] : memref<160x128xi32, #tpu.memory_space<vmem>> -> memref<1x128xi32, #tpu.memory_space<vmem>>
        %dma_start3A_235 = tpu.memref_squeeze %dma_start3A_234 : memref<1x128xi32, #tpu.memory_space<vmem>> -> memref<128xi32, #tpu.memory_space<vmem>>
        %dma_start3A_236 = arith.constant 0 : i32
        %dma_start3A_237 = arith.constant 0 : i32
        %dma_start3A_238 = tpu.memref_slice %arg21[%dma_start3A_236, %dma_start3A_237] : memref<10000x32xf32, #tpu.memory_space<vmem_shared>> -> memref<10000x32xf32, #tpu.memory_space<vmem_shared>>
        tpu.enqueue_indirect_dma source(%dma_start3A_238 : memref<10000x32xf32, #tpu.memory_space<vmem_shared>>) target(%arg20 : memref<128x32xf32, #tpu.memory_space<vmem>>) offsets(%dma_start3A_235 : memref<128xi32, #tpu.memory_space<vmem>>) semaphore(%arg26 : memref<!tpu.dma_semaphore, #tpu.memory_space<semaphore_mem>>)
      } else {
      }
    }
    %barrier3A_158 = arith.constant 0 : index
    tpu.barrier barrier_id(%barrier3A_158)
    %eq3A_159 = arith.constant 0 : i32
    %eq3A_160 = arith.cmpi eq, %arg0, %eq3A_159 : i32
    %convert_element_type3A_161 = arith.extui %eq3A_160 : i1 to i32
    %cond3A_162 = arith.constant 0 : i32
    %cond3A_163 = arith.cmpi ne, %convert_element_type3A_161, %cond3A_162 : i32
    scf.if %cond3A_163 {
      "tpu.region"() ({
        %run_scoped3A = tpu.sem_alloc : memref<!tpu.dma_semaphore, #tpu.memory_space<semaphore_mem>>
        %dma_start3A_174 = arith.constant 0 : i32
        %dma_start3A_175 = tpu.memref_slice %arg12[%mul3A_0, %dma_start3A_174] : memref<10000x32xf32, #tpu.memory_space<hbm>> -> memref<625x32xf32, #tpu.memory_space<hbm>>
        %dma_start3A_176 = arith.constant 0 : i32
        %dma_start3A_177 = tpu.memref_slice %arg22[%mul3A_0, %dma_start3A_176] : memref<10000x32xf32, #tpu.memory_space<vmem_shared>> -> memref<625x32xf32, #tpu.memory_space<vmem_shared>>
        tpu.enqueue_dma source(%dma_start3A_177 : memref<625x32xf32, #tpu.memory_space<vmem_shared>>) target(%dma_start3A_175 : memref<625x32xf32, #tpu.memory_space<hbm>>) target_semaphore(%run_scoped3A : memref<!tpu.dma_semaphore, #tpu.memory_space<semaphore_mem>>)
        %dma_wait3A = arith.constant 0 : i32
        %dma_wait3A_178 = tpu.memref_slice %arg12[%mul3A_0, %dma_wait3A] : memref<10000x32xf32, #tpu.memory_space<hbm>> -> memref<625x32xf32, #tpu.memory_space<hbm>>
        %dma_wait3A_179 = arith.constant 0 : i32
        %dma_wait3A_180 = tpu.memref_slice %arg22[%mul3A_0, %dma_wait3A_179] : memref<10000x32xf32, #tpu.memory_space<vmem_shared>> -> memref<625x32xf32, #tpu.memory_space<vmem_shared>>
        tpu.wait_dma2 semaphore(%run_scoped3A : memref<!tpu.dma_semaphore, #tpu.memory_space<semaphore_mem>>) src(%dma_wait3A_180 : memref<625x32xf32, #tpu.memory_space<vmem_shared>>) dst(%dma_wait3A_178 : memref<625x32xf32, #tpu.memory_space<hbm>>)
        tpu.yield
      }) : () -> ()
    } else {
    }
    %eq3A_164 = arith.constant 1 : i32
    %eq3A_165 = arith.cmpi eq, %arg0, %eq3A_164 : i32
    %convert_element_type3A_166 = arith.extui %eq3A_165 : i1 to i32
    %cond3A_167 = arith.constant 0 : i32
    %cond3A_168 = arith.cmpi ne, %convert_element_type3A_166, %cond3A_167 : i32
    scf.if %cond3A_168 {
      "tpu.region"() ({
        %run_scoped3A = tpu.sem_alloc : memref<!tpu.dma_semaphore, #tpu.memory_space<semaphore_mem>>
        %dma_start3A_174 = arith.constant 0 : i32
        %dma_start3A_175 = tpu.memref_slice %arg13[%mul3A_0, %dma_start3A_174] : memref<10000x32xf32, #tpu.memory_space<hbm>> -> memref<625x32xf32, #tpu.memory_space<hbm>>
        %dma_start3A_176 = arith.constant 0 : i32
        %dma_start3A_177 = tpu.memref_slice %arg22[%mul3A_0, %dma_start3A_176] : memref<10000x32xf32, #tpu.memory_space<vmem_shared>> -> memref<625x32xf32, #tpu.memory_space<vmem_shared>>
        tpu.enqueue_dma source(%dma_start3A_177 : memref<625x32xf32, #tpu.memory_space<vmem_shared>>) target(%dma_start3A_175 : memref<625x32xf32, #tpu.memory_space<hbm>>) target_semaphore(%run_scoped3A : memref<!tpu.dma_semaphore, #tpu.memory_space<semaphore_mem>>)
        %dma_wait3A = arith.constant 0 : i32
        %dma_wait3A_178 = tpu.memref_slice %arg13[%mul3A_0, %dma_wait3A] : memref<10000x32xf32, #tpu.memory_space<hbm>> -> memref<625x32xf32, #tpu.memory_space<hbm>>
        %dma_wait3A_179 = arith.constant 0 : i32
        %dma_wait3A_180 = tpu.memref_slice %arg22[%mul3A_0, %dma_wait3A_179] : memref<10000x32xf32, #tpu.memory_space<vmem_shared>> -> memref<625x32xf32, #tpu.memory_space<vmem_shared>>
        tpu.wait_dma2 semaphore(%run_scoped3A : memref<!tpu.dma_semaphore, #tpu.memory_space<semaphore_mem>>) src(%dma_wait3A_180 : memref<625x32xf32, #tpu.memory_space<vmem_shared>>) dst(%dma_wait3A_178 : memref<625x32xf32, #tpu.memory_space<hbm>>)
        tpu.yield
      }) : () -> ()
    } else {
    }
    %eq3A_169 = arith.constant 0 : i32
    %eq3A_170 = arith.cmpi eq, %arg0, %eq3A_169 : i32
    %convert_element_type3A_171 = arith.extui %eq3A_170 : i1 to i32
    %cond3A_172 = arith.constant 0 : i32
    %cond3A_173 = arith.cmpi ne, %convert_element_type3A_171, %cond3A_172 : i32
    scf.if %cond3A_173 {
      "tpu.region"() ({
        %run_scoped3A = tpu.sem_alloc : memref<!tpu.dma_semaphore, #tpu.memory_space<semaphore_mem>>
        %dma_start3A_174 = arith.constant 0 : i32
        %dma_start3A_175 = tpu.memref_slice %arg14[%mul3A_0, %dma_start3A_174] : memref<10000x16xf32, #tpu.memory_space<hbm>> -> memref<625x16xf32, #tpu.memory_space<hbm>>
        %dma_start3A_176 = arith.constant 0 : i32
        %dma_start3A_177 = tpu.memref_slice %arg28[%mul3A_0, %dma_start3A_176] : memref<10000x16xf32, #tpu.memory_space<vmem_shared>> -> memref<625x16xf32, #tpu.memory_space<vmem_shared>>
        tpu.enqueue_dma source(%dma_start3A_177 : memref<625x16xf32, #tpu.memory_space<vmem_shared>>) target(%dma_start3A_175 : memref<625x16xf32, #tpu.memory_space<hbm>>) target_semaphore(%run_scoped3A : memref<!tpu.dma_semaphore, #tpu.memory_space<semaphore_mem>>)
        %dma_wait3A = arith.constant 0 : i32
        %dma_wait3A_178 = tpu.memref_slice %arg14[%mul3A_0, %dma_wait3A] : memref<10000x16xf32, #tpu.memory_space<hbm>> -> memref<625x16xf32, #tpu.memory_space<hbm>>
        %dma_wait3A_179 = arith.constant 0 : i32
        %dma_wait3A_180 = tpu.memref_slice %arg28[%mul3A_0, %dma_wait3A_179] : memref<10000x16xf32, #tpu.memory_space<vmem_shared>> -> memref<625x16xf32, #tpu.memory_space<vmem_shared>>
        tpu.wait_dma2 semaphore(%run_scoped3A : memref<!tpu.dma_semaphore, #tpu.memory_space<semaphore_mem>>) src(%dma_wait3A_180 : memref<625x16xf32, #tpu.memory_space<vmem_shared>>) dst(%dma_wait3A_178 : memref<625x16xf32, #tpu.memory_space<hbm>>)
        tpu.yield
      }) : () -> ()
    } else {
    }
    return
  }
}

#map = affine_map<(d0, d1) -> (0, 0)>
#map1 = affine_map<(d0, d1) -> (0, 0, 0)>
module attributes {stable_mosaic.version = 14 : i64} {
  func.func @agg(%arg0: i32, %arg1: i32, %arg2: memref<10000x32xf32, #tpu.memory_space<hbm>>, %arg3: memref<10000x32xf32, #tpu.memory_space<hbm>>, %arg4: memref<2x2500x128xi32, #tpu.memory_space<hbm>>, %arg5: memref<625x32xf32, #tpu.memory_space<hbm>>, %arg6: memref<625x16xf32, #tpu.memory_space<hbm>>, %arg7: memref<128x16xf32, #tpu.memory_space<hbm>>, %arg8: memref<10000x32xf32, #tpu.memory_space<hbm>>, %arg9: memref<10000x32xf32, #tpu.memory_space<hbm>>, %arg10: memref<160x128xi32, #tpu.memory_space<vmem>>, %arg11: memref<160x128xi32, #tpu.memory_space<vmem>>, %arg12: memref<128x32xf32, #tpu.memory_space<vmem>>, %arg13: memref<128x32xf32, #tpu.memory_space<vmem>>, %arg14: memref<128x32xf32, #tpu.memory_space<vmem>>, %arg15: memref<128x32xf32, #tpu.memory_space<vmem>>, %arg16: memref<10000x32xf32, #tpu.memory_space<vmem_shared>>, %arg17: memref<10000x32xf32, #tpu.memory_space<vmem_shared>>, %arg18: memref<!tpu.dma_semaphore, #tpu.memory_space<semaphore_mem>>, %arg19: memref<!tpu.dma_semaphore, #tpu.memory_space<semaphore_mem>>, %arg20: memref<!tpu.dma_semaphore, #tpu.memory_space<semaphore_mem>>, %arg21: memref<!tpu.dma_semaphore, #tpu.memory_space<semaphore_mem>>) attributes {dimension_semantics = [#tpu.dimension_semantics<core_parallel>, #tpu.dimension_semantics<subcore_parallel>], iteration_bounds = array<i64: 2, 16>, scalar_prefetch = 0 : i64, scratch_operands = 12 : i64, tpu.core_type = #tpu.core_type<sc_vector_subcore>, window_params = [{transform_indices = #map}, {transform_indices = #map}, {transform_indices = #map1}, {transform_indices = #map}, {transform_indices = #map}, {transform_indices = #map}, {transform_indices = #map}, {transform_indices = #map}]} {
    %mul3A = arith.constant 625 : i32
    %mul3A_0 = arith.muli %arg1, %mul3A : i32
    %lt3A = arith.constant 15 : i32
    %lt3A_1 = arith.cmpi slt, %arg1, %lt3A : i32
    %convert_element_type3A = arith.extui %lt3A_1 : i1 to i32
    %cond3A = arith.constant 0 : i32
    %cond3A_2 = arith.cmpi ne, %convert_element_type3A, %cond3A : i32
    scf.if %cond3A_2 {
      %mul3A_85 = arith.constant 160 : i32
      %mul3A_86 = arith.muli %arg1, %mul3A_85 : i32
      %run_scoped3A = arith.constant 0 : i32
      "tpu.region"() ({
        %run_scoped3A_90 = tpu.sem_alloc : memref<!tpu.dma_semaphore, #tpu.memory_space<semaphore_mem>>
        %dma_start3A_91 = arith.constant 0 : i32
        %dma_start3A_92 = tpu.memref_slice %arg4[%run_scoped3A, %mul3A_86, %dma_start3A_91] : memref<2x2500x128xi32, #tpu.memory_space<hbm>> -> memref<1x160x128xi32, #tpu.memory_space<hbm>>
        %dma_start3A_93 = tpu.memref_squeeze %dma_start3A_92 : memref<1x160x128xi32, #tpu.memory_space<hbm>> -> memref<160x128xi32, #tpu.memory_space<hbm>>
        %dma_start3A_94 = arith.constant 0 : i32
        %dma_start3A_95 = tpu.memref_slice %arg4[%run_scoped3A, %mul3A_86, %dma_start3A_94] : memref<2x2500x128xi32, #tpu.memory_space<hbm>> -> memref<1x160x128xi32, #tpu.memory_space<hbm>>
        %dma_start3A_96 = tpu.memref_squeeze %dma_start3A_95 : memref<1x160x128xi32, #tpu.memory_space<hbm>> -> memref<160x128xi32, #tpu.memory_space<hbm>>
        tpu.enqueue_dma source(%dma_start3A_96 : memref<160x128xi32, #tpu.memory_space<hbm>>) target(%arg10 : memref<160x128xi32, #tpu.memory_space<vmem>>) target_semaphore(%run_scoped3A_90 : memref<!tpu.dma_semaphore, #tpu.memory_space<semaphore_mem>>)
        %dma_wait3A = arith.constant 0 : i32
        %dma_wait3A_97 = tpu.memref_slice %arg4[%run_scoped3A, %mul3A_86, %dma_wait3A] : memref<2x2500x128xi32, #tpu.memory_space<hbm>> -> memref<1x160x128xi32, #tpu.memory_space<hbm>>
        %dma_wait3A_98 = tpu.memref_squeeze %dma_wait3A_97 : memref<1x160x128xi32, #tpu.memory_space<hbm>> -> memref<160x128xi32, #tpu.memory_space<hbm>>
        %dma_wait3A_99 = arith.constant 0 : i32
        %dma_wait3A_100 = tpu.memref_slice %arg4[%run_scoped3A, %mul3A_86, %dma_wait3A_99] : memref<2x2500x128xi32, #tpu.memory_space<hbm>> -> memref<1x160x128xi32, #tpu.memory_space<hbm>>
        %dma_wait3A_101 = tpu.memref_squeeze %dma_wait3A_100 : memref<1x160x128xi32, #tpu.memory_space<hbm>> -> memref<160x128xi32, #tpu.memory_space<hbm>>
        tpu.wait_dma2 semaphore(%run_scoped3A_90 : memref<!tpu.dma_semaphore, #tpu.memory_space<semaphore_mem>>) src(%dma_wait3A_101 : memref<160x128xi32, #tpu.memory_space<hbm>>) dst(%arg10 : memref<160x128xi32, #tpu.memory_space<vmem>>)
        tpu.yield
      }) : () -> ()
      %mul3A_87 = arith.constant 160 : i32
      %mul3A_88 = arith.muli %arg1, %mul3A_87 : i32
      %run_scoped3A_89 = arith.constant 1 : i32
      "tpu.region"() ({
        %run_scoped3A_90 = tpu.sem_alloc : memref<!tpu.dma_semaphore, #tpu.memory_space<semaphore_mem>>
        %dma_start3A_91 = arith.constant 0 : i32
        %dma_start3A_92 = tpu.memref_slice %arg4[%run_scoped3A_89, %mul3A_88, %dma_start3A_91] : memref<2x2500x128xi32, #tpu.memory_space<hbm>> -> memref<1x160x128xi32, #tpu.memory_space<hbm>>
        %dma_start3A_93 = tpu.memref_squeeze %dma_start3A_92 : memref<1x160x128xi32, #tpu.memory_space<hbm>> -> memref<160x128xi32, #tpu.memory_space<hbm>>
        %dma_start3A_94 = arith.constant 0 : i32
        %dma_start3A_95 = tpu.memref_slice %arg4[%run_scoped3A_89, %mul3A_88, %dma_start3A_94] : memref<2x2500x128xi32, #tpu.memory_space<hbm>> -> memref<1x160x128xi32, #tpu.memory_space<hbm>>
        %dma_start3A_96 = tpu.memref_squeeze %dma_start3A_95 : memref<1x160x128xi32, #tpu.memory_space<hbm>> -> memref<160x128xi32, #tpu.memory_space<hbm>>
        tpu.enqueue_dma source(%dma_start3A_96 : memref<160x128xi32, #tpu.memory_space<hbm>>) target(%arg11 : memref<160x128xi32, #tpu.memory_space<vmem>>) target_semaphore(%run_scoped3A_90 : memref<!tpu.dma_semaphore, #tpu.memory_space<semaphore_mem>>)
        %dma_wait3A = arith.constant 0 : i32
        %dma_wait3A_97 = tpu.memref_slice %arg4[%run_scoped3A_89, %mul3A_88, %dma_wait3A] : memref<2x2500x128xi32, #tpu.memory_space<hbm>> -> memref<1x160x128xi32, #tpu.memory_space<hbm>>
        %dma_wait3A_98 = tpu.memref_squeeze %dma_wait3A_97 : memref<1x160x128xi32, #tpu.memory_space<hbm>> -> memref<160x128xi32, #tpu.memory_space<hbm>>
        %dma_wait3A_99 = arith.constant 0 : i32
        %dma_wait3A_100 = tpu.memref_slice %arg4[%run_scoped3A_89, %mul3A_88, %dma_wait3A_99] : memref<2x2500x128xi32, #tpu.memory_space<hbm>> -> memref<1x160x128xi32, #tpu.memory_space<hbm>>
        %dma_wait3A_101 = tpu.memref_squeeze %dma_wait3A_100 : memref<1x160x128xi32, #tpu.memory_space<hbm>> -> memref<160x128xi32, #tpu.memory_space<hbm>>
        tpu.wait_dma2 semaphore(%run_scoped3A_90 : memref<!tpu.dma_semaphore, #tpu.memory_space<semaphore_mem>>) src(%dma_wait3A_101 : memref<160x128xi32, #tpu.memory_space<hbm>>) dst(%arg11 : memref<160x128xi32, #tpu.memory_space<vmem>>)
        tpu.yield
      }) : () -> ()
    } else {
    }
    %eq3A = arith.constant 15 : i32
    %eq3A_3 = arith.cmpi eq, %arg1, %eq3A : i32
    %convert_element_type3A_4 = arith.extui %eq3A_3 : i1 to i32
    %cond3A_5 = arith.constant 0 : i32
    %cond3A_6 = arith.cmpi ne, %convert_element_type3A_4, %cond3A_5 : i32
    scf.if %cond3A_6 {
      %run_scoped3A = arith.constant 0 : i32
      "tpu.region"() ({
        %run_scoped3A_86 = tpu.sem_alloc : memref<!tpu.dma_semaphore, #tpu.memory_space<semaphore_mem>>
        %dma_start3A_87 = arith.constant 0 : i32
        %dma_start3A_88 = arith.constant 0 : i32
        %dma_start3A_89 = tpu.memref_slice %arg10[%dma_start3A_87, %dma_start3A_88] : memref<160x128xi32, #tpu.memory_space<vmem>> -> memref<100x128xi32, #tpu.memory_space<vmem>>
        %dma_start3A_90 = arith.constant 2400 : i32
        %dma_start3A_91 = arith.constant 0 : i32
        %dma_start3A_92 = tpu.memref_slice %arg4[%run_scoped3A, %dma_start3A_90, %dma_start3A_91] : memref<2x2500x128xi32, #tpu.memory_space<hbm>> -> memref<1x100x128xi32, #tpu.memory_space<hbm>>
        %dma_start3A_93 = tpu.memref_squeeze %dma_start3A_92 : memref<1x100x128xi32, #tpu.memory_space<hbm>> -> memref<100x128xi32, #tpu.memory_space<hbm>>
        %dma_start3A_94 = arith.constant 0 : i32
        %dma_start3A_95 = arith.constant 0 : i32
        %dma_start3A_96 = tpu.memref_slice %arg10[%dma_start3A_94, %dma_start3A_95] : memref<160x128xi32, #tpu.memory_space<vmem>> -> memref<100x128xi32, #tpu.memory_space<vmem>>
        %dma_start3A_97 = arith.constant 2400 : i32
        %dma_start3A_98 = arith.constant 0 : i32
        %dma_start3A_99 = tpu.memref_slice %arg4[%run_scoped3A, %dma_start3A_97, %dma_start3A_98] : memref<2x2500x128xi32, #tpu.memory_space<hbm>> -> memref<1x100x128xi32, #tpu.memory_space<hbm>>
        %dma_start3A_100 = tpu.memref_squeeze %dma_start3A_99 : memref<1x100x128xi32, #tpu.memory_space<hbm>> -> memref<100x128xi32, #tpu.memory_space<hbm>>
        tpu.enqueue_dma source(%dma_start3A_100 : memref<100x128xi32, #tpu.memory_space<hbm>>) target(%dma_start3A_96 : memref<100x128xi32, #tpu.memory_space<vmem>>) target_semaphore(%run_scoped3A_86 : memref<!tpu.dma_semaphore, #tpu.memory_space<semaphore_mem>>)
        %dma_wait3A = arith.constant 0 : i32
        %dma_wait3A_101 = arith.constant 0 : i32
        %dma_wait3A_102 = tpu.memref_slice %arg10[%dma_wait3A, %dma_wait3A_101] : memref<160x128xi32, #tpu.memory_space<vmem>> -> memref<100x128xi32, #tpu.memory_space<vmem>>
        %dma_wait3A_103 = arith.constant 2400 : i32
        %dma_wait3A_104 = arith.constant 0 : i32
        %dma_wait3A_105 = tpu.memref_slice %arg4[%run_scoped3A, %dma_wait3A_103, %dma_wait3A_104] : memref<2x2500x128xi32, #tpu.memory_space<hbm>> -> memref<1x100x128xi32, #tpu.memory_space<hbm>>
        %dma_wait3A_106 = tpu.memref_squeeze %dma_wait3A_105 : memref<1x100x128xi32, #tpu.memory_space<hbm>> -> memref<100x128xi32, #tpu.memory_space<hbm>>
        %dma_wait3A_107 = arith.constant 0 : i32
        %dma_wait3A_108 = arith.constant 0 : i32
        %dma_wait3A_109 = tpu.memref_slice %arg10[%dma_wait3A_107, %dma_wait3A_108] : memref<160x128xi32, #tpu.memory_space<vmem>> -> memref<100x128xi32, #tpu.memory_space<vmem>>
        %dma_wait3A_110 = arith.constant 2400 : i32
        %dma_wait3A_111 = arith.constant 0 : i32
        %dma_wait3A_112 = tpu.memref_slice %arg4[%run_scoped3A, %dma_wait3A_110, %dma_wait3A_111] : memref<2x2500x128xi32, #tpu.memory_space<hbm>> -> memref<1x100x128xi32, #tpu.memory_space<hbm>>
        %dma_wait3A_113 = tpu.memref_squeeze %dma_wait3A_112 : memref<1x100x128xi32, #tpu.memory_space<hbm>> -> memref<100x128xi32, #tpu.memory_space<hbm>>
        tpu.wait_dma2 semaphore(%run_scoped3A_86 : memref<!tpu.dma_semaphore, #tpu.memory_space<semaphore_mem>>) src(%dma_wait3A_113 : memref<100x128xi32, #tpu.memory_space<hbm>>) dst(%dma_wait3A_109 : memref<100x128xi32, #tpu.memory_space<vmem>>)
        tpu.yield
      }) : () -> ()
      %run_scoped3A_85 = arith.constant 1 : i32
      "tpu.region"() ({
        %run_scoped3A_86 = tpu.sem_alloc : memref<!tpu.dma_semaphore, #tpu.memory_space<semaphore_mem>>
        %dma_start3A_87 = arith.constant 0 : i32
        %dma_start3A_88 = arith.constant 0 : i32
        %dma_start3A_89 = tpu.memref_slice %arg11[%dma_start3A_87, %dma_start3A_88] : memref<160x128xi32, #tpu.memory_space<vmem>> -> memref<100x128xi32, #tpu.memory_space<vmem>>
        %dma_start3A_90 = arith.constant 2400 : i32
        %dma_start3A_91 = arith.constant 0 : i32
        %dma_start3A_92 = tpu.memref_slice %arg4[%run_scoped3A_85, %dma_start3A_90, %dma_start3A_91] : memref<2x2500x128xi32, #tpu.memory_space<hbm>> -> memref<1x100x128xi32, #tpu.memory_space<hbm>>
        %dma_start3A_93 = tpu.memref_squeeze %dma_start3A_92 : memref<1x100x128xi32, #tpu.memory_space<hbm>> -> memref<100x128xi32, #tpu.memory_space<hbm>>
        %dma_start3A_94 = arith.constant 0 : i32
        %dma_start3A_95 = arith.constant 0 : i32
        %dma_start3A_96 = tpu.memref_slice %arg11[%dma_start3A_94, %dma_start3A_95] : memref<160x128xi32, #tpu.memory_space<vmem>> -> memref<100x128xi32, #tpu.memory_space<vmem>>
        %dma_start3A_97 = arith.constant 2400 : i32
        %dma_start3A_98 = arith.constant 0 : i32
        %dma_start3A_99 = tpu.memref_slice %arg4[%run_scoped3A_85, %dma_start3A_97, %dma_start3A_98] : memref<2x2500x128xi32, #tpu.memory_space<hbm>> -> memref<1x100x128xi32, #tpu.memory_space<hbm>>
        %dma_start3A_100 = tpu.memref_squeeze %dma_start3A_99 : memref<1x100x128xi32, #tpu.memory_space<hbm>> -> memref<100x128xi32, #tpu.memory_space<hbm>>
        tpu.enqueue_dma source(%dma_start3A_100 : memref<100x128xi32, #tpu.memory_space<hbm>>) target(%dma_start3A_96 : memref<100x128xi32, #tpu.memory_space<vmem>>) target_semaphore(%run_scoped3A_86 : memref<!tpu.dma_semaphore, #tpu.memory_space<semaphore_mem>>)
        %dma_wait3A = arith.constant 0 : i32
        %dma_wait3A_101 = arith.constant 0 : i32
        %dma_wait3A_102 = tpu.memref_slice %arg11[%dma_wait3A, %dma_wait3A_101] : memref<160x128xi32, #tpu.memory_space<vmem>> -> memref<100x128xi32, #tpu.memory_space<vmem>>
        %dma_wait3A_103 = arith.constant 2400 : i32
        %dma_wait3A_104 = arith.constant 0 : i32
        %dma_wait3A_105 = tpu.memref_slice %arg4[%run_scoped3A_85, %dma_wait3A_103, %dma_wait3A_104] : memref<2x2500x128xi32, #tpu.memory_space<hbm>> -> memref<1x100x128xi32, #tpu.memory_space<hbm>>
        %dma_wait3A_106 = tpu.memref_squeeze %dma_wait3A_105 : memref<1x100x128xi32, #tpu.memory_space<hbm>> -> memref<100x128xi32, #tpu.memory_space<hbm>>
        %dma_wait3A_107 = arith.constant 0 : i32
        %dma_wait3A_108 = arith.constant 0 : i32
        %dma_wait3A_109 = tpu.memref_slice %arg11[%dma_wait3A_107, %dma_wait3A_108] : memref<160x128xi32, #tpu.memory_space<vmem>> -> memref<100x128xi32, #tpu.memory_space<vmem>>
        %dma_wait3A_110 = arith.constant 2400 : i32
        %dma_wait3A_111 = arith.constant 0 : i32
        %dma_wait3A_112 = tpu.memref_slice %arg4[%run_scoped3A_85, %dma_wait3A_110, %dma_wait3A_111] : memref<2x2500x128xi32, #tpu.memory_space<hbm>> -> memref<1x100x128xi32, #tpu.memory_space<hbm>>
        %dma_wait3A_113 = tpu.memref_squeeze %dma_wait3A_112 : memref<1x100x128xi32, #tpu.memory_space<hbm>> -> memref<100x128xi32, #tpu.memory_space<hbm>>
        tpu.wait_dma2 semaphore(%run_scoped3A_86 : memref<!tpu.dma_semaphore, #tpu.memory_space<semaphore_mem>>) src(%dma_wait3A_113 : memref<100x128xi32, #tpu.memory_space<hbm>>) dst(%dma_wait3A_109 : memref<100x128xi32, #tpu.memory_space<vmem>>)
        tpu.yield
      }) : () -> ()
    } else {
    }
    %lt3A_7 = arith.constant 15 : i32
    %lt3A_8 = arith.cmpi slt, %arg1, %lt3A_7 : i32
    %select_n3A = arith.constant 100 : i32
    %select_n3A_9 = arith.constant 160 : i32
    %select_n3A_10 = arith.select %lt3A_8, %select_n3A_9, %select_n3A : i32
    %eq3A_11 = arith.constant 0 : i32
    %eq3A_12 = arith.cmpi eq, %arg0, %eq3A_11 : i32
    %convert_element_type3A_13 = arith.extui %eq3A_12 : i1 to i32
    %cond3A_14 = arith.constant 0 : i32
    %cond3A_15 = arith.cmpi ne, %convert_element_type3A_13, %cond3A_14 : i32
    scf.if %cond3A_15 {
      "tpu.region"() ({
        %run_scoped3A = tpu.sem_alloc : memref<!tpu.dma_semaphore, #tpu.memory_space<semaphore_mem>>
        %dma_start3A_85 = arith.constant 0 : i32
        %dma_start3A_86 = tpu.memref_slice %arg16[%mul3A_0, %dma_start3A_85] : memref<10000x32xf32, #tpu.memory_space<vmem_shared>> -> memref<625x32xf32, #tpu.memory_space<vmem_shared>>
        %dma_start3A_87 = arith.constant 0 : i32
        %dma_start3A_88 = tpu.memref_slice %arg2[%mul3A_0, %dma_start3A_87] : memref<10000x32xf32, #tpu.memory_space<hbm>> -> memref<625x32xf32, #tpu.memory_space<hbm>>
        tpu.enqueue_dma source(%dma_start3A_88 : memref<625x32xf32, #tpu.memory_space<hbm>>) target(%dma_start3A_86 : memref<625x32xf32, #tpu.memory_space<vmem_shared>>) target_semaphore(%run_scoped3A : memref<!tpu.dma_semaphore, #tpu.memory_space<semaphore_mem>>)
        %dma_wait3A = arith.constant 0 : i32
        %dma_wait3A_89 = tpu.memref_slice %arg16[%mul3A_0, %dma_wait3A] : memref<10000x32xf32, #tpu.memory_space<vmem_shared>> -> memref<625x32xf32, #tpu.memory_space<vmem_shared>>
        %dma_wait3A_90 = arith.constant 0 : i32
        %dma_wait3A_91 = tpu.memref_slice %arg2[%mul3A_0, %dma_wait3A_90] : memref<10000x32xf32, #tpu.memory_space<hbm>> -> memref<625x32xf32, #tpu.memory_space<hbm>>
        tpu.wait_dma2 semaphore(%run_scoped3A : memref<!tpu.dma_semaphore, #tpu.memory_space<semaphore_mem>>) src(%dma_wait3A_91 : memref<625x32xf32, #tpu.memory_space<hbm>>) dst(%dma_wait3A_89 : memref<625x32xf32, #tpu.memory_space<vmem_shared>>)
        tpu.yield
      }) : () -> ()
    } else {
    }
    %eq3A_16 = arith.constant 1 : i32
    %eq3A_17 = arith.cmpi eq, %arg0, %eq3A_16 : i32
    %convert_element_type3A_18 = arith.extui %eq3A_17 : i1 to i32
    %cond3A_19 = arith.constant 0 : i32
    %cond3A_20 = arith.cmpi ne, %convert_element_type3A_18, %cond3A_19 : i32
    scf.if %cond3A_20 {
      "tpu.region"() ({
        %run_scoped3A = tpu.sem_alloc : memref<!tpu.dma_semaphore, #tpu.memory_space<semaphore_mem>>
        %dma_start3A_85 = arith.constant 0 : i32
        %dma_start3A_86 = tpu.memref_slice %arg16[%mul3A_0, %dma_start3A_85] : memref<10000x32xf32, #tpu.memory_space<vmem_shared>> -> memref<625x32xf32, #tpu.memory_space<vmem_shared>>
        %dma_start3A_87 = arith.constant 0 : i32
        %dma_start3A_88 = tpu.memref_slice %arg3[%mul3A_0, %dma_start3A_87] : memref<10000x32xf32, #tpu.memory_space<hbm>> -> memref<625x32xf32, #tpu.memory_space<hbm>>
        tpu.enqueue_dma source(%dma_start3A_88 : memref<625x32xf32, #tpu.memory_space<hbm>>) target(%dma_start3A_86 : memref<625x32xf32, #tpu.memory_space<vmem_shared>>) target_semaphore(%run_scoped3A : memref<!tpu.dma_semaphore, #tpu.memory_space<semaphore_mem>>)
        %dma_wait3A = arith.constant 0 : i32
        %dma_wait3A_89 = tpu.memref_slice %arg16[%mul3A_0, %dma_wait3A] : memref<10000x32xf32, #tpu.memory_space<vmem_shared>> -> memref<625x32xf32, #tpu.memory_space<vmem_shared>>
        %dma_wait3A_90 = arith.constant 0 : i32
        %dma_wait3A_91 = tpu.memref_slice %arg3[%mul3A_0, %dma_wait3A_90] : memref<10000x32xf32, #tpu.memory_space<hbm>> -> memref<625x32xf32, #tpu.memory_space<hbm>>
        tpu.wait_dma2 semaphore(%run_scoped3A : memref<!tpu.dma_semaphore, #tpu.memory_space<semaphore_mem>>) src(%dma_wait3A_91 : memref<625x32xf32, #tpu.memory_space<hbm>>) dst(%dma_wait3A_89 : memref<625x32xf32, #tpu.memory_space<vmem_shared>>)
        tpu.yield
      }) : () -> ()
    } else {
    }
    "tpu.region"() ({
      %run_scoped3A = tpu.sem_alloc : memref<!tpu.dma_semaphore, #tpu.memory_space<semaphore_mem>>
      %dma_start3A_85 = arith.constant 0 : i32
      %dma_start3A_86 = tpu.memref_slice %arg17[%mul3A_0, %dma_start3A_85] : memref<10000x32xf32, #tpu.memory_space<vmem_shared>> -> memref<625x32xf32, #tpu.memory_space<vmem_shared>>
      tpu.enqueue_dma source(%arg5 : memref<625x32xf32, #tpu.memory_space<hbm>>) target(%dma_start3A_86 : memref<625x32xf32, #tpu.memory_space<vmem_shared>>) target_semaphore(%run_scoped3A : memref<!tpu.dma_semaphore, #tpu.memory_space<semaphore_mem>>)
      %dma_wait3A = arith.constant 0 : i32
      %dma_wait3A_87 = tpu.memref_slice %arg17[%mul3A_0, %dma_wait3A] : memref<10000x32xf32, #tpu.memory_space<vmem_shared>> -> memref<625x32xf32, #tpu.memory_space<vmem_shared>>
      tpu.wait_dma2 semaphore(%run_scoped3A : memref<!tpu.dma_semaphore, #tpu.memory_space<semaphore_mem>>) src(%arg5 : memref<625x32xf32, #tpu.memory_space<hbm>>) dst(%dma_wait3A_87 : memref<625x32xf32, #tpu.memory_space<vmem_shared>>)
      tpu.yield
    }) : () -> ()
    %barrier3A = arith.constant 0 : index
    tpu.barrier barrier_id(%barrier3A)
    %dma_start3A = arith.constant 0 : i32
    %dma_start3A_21 = arith.constant 0 : i32
    %dma_start3A_22 = tpu.memref_slice %arg10[%dma_start3A, %dma_start3A_21] : memref<160x128xi32, #tpu.memory_space<vmem>> -> memref<1x128xi32, #tpu.memory_space<vmem>>
    %dma_start3A_23 = tpu.memref_squeeze %dma_start3A_22 : memref<1x128xi32, #tpu.memory_space<vmem>> -> memref<128xi32, #tpu.memory_space<vmem>>
    %dma_start3A_24 = arith.constant 0 : i32
    %dma_start3A_25 = arith.constant 0 : i32
    %dma_start3A_26 = tpu.memref_slice %arg16[%dma_start3A_24, %dma_start3A_25] : memref<10000x32xf32, #tpu.memory_space<vmem_shared>> -> memref<10000x32xf32, #tpu.memory_space<vmem_shared>>
    tpu.enqueue_indirect_dma source(%dma_start3A_26 : memref<10000x32xf32, #tpu.memory_space<vmem_shared>>) target(%arg12 : memref<128x32xf32, #tpu.memory_space<vmem>>) offsets(%dma_start3A_23 : memref<128xi32, #tpu.memory_space<vmem>>) semaphore(%arg18 : memref<!tpu.dma_semaphore, #tpu.memory_space<semaphore_mem>>)
    %dma_start3A_27 = arith.constant 1 : i32
    %dma_start3A_28 = arith.constant 0 : i32
    %dma_start3A_29 = tpu.memref_slice %arg10[%dma_start3A_27, %dma_start3A_28] : memref<160x128xi32, #tpu.memory_space<vmem>> -> memref<1x128xi32, #tpu.memory_space<vmem>>
    %dma_start3A_30 = tpu.memref_squeeze %dma_start3A_29 : memref<1x128xi32, #tpu.memory_space<vmem>> -> memref<128xi32, #tpu.memory_space<vmem>>
    %dma_start3A_31 = arith.constant 0 : i32
    %dma_start3A_32 = arith.constant 0 : i32
    %dma_start3A_33 = tpu.memref_slice %arg16[%dma_start3A_31, %dma_start3A_32] : memref<10000x32xf32, #tpu.memory_space<vmem_shared>> -> memref<10000x32xf32, #tpu.memory_space<vmem_shared>>
    tpu.enqueue_indirect_dma source(%dma_start3A_33 : memref<10000x32xf32, #tpu.memory_space<vmem_shared>>) target(%arg13 : memref<128x32xf32, #tpu.memory_space<vmem>>) offsets(%dma_start3A_30 : memref<128xi32, #tpu.memory_space<vmem>>) semaphore(%arg19 : memref<!tpu.dma_semaphore, #tpu.memory_space<semaphore_mem>>)
    %dma_start3A_34 = arith.constant 2 : i32
    %dma_start3A_35 = arith.constant 0 : i32
    %dma_start3A_36 = tpu.memref_slice %arg10[%dma_start3A_34, %dma_start3A_35] : memref<160x128xi32, #tpu.memory_space<vmem>> -> memref<1x128xi32, #tpu.memory_space<vmem>>
    %dma_start3A_37 = tpu.memref_squeeze %dma_start3A_36 : memref<1x128xi32, #tpu.memory_space<vmem>> -> memref<128xi32, #tpu.memory_space<vmem>>
    %dma_start3A_38 = arith.constant 0 : i32
    %dma_start3A_39 = arith.constant 0 : i32
    %dma_start3A_40 = tpu.memref_slice %arg16[%dma_start3A_38, %dma_start3A_39] : memref<10000x32xf32, #tpu.memory_space<vmem_shared>> -> memref<10000x32xf32, #tpu.memory_space<vmem_shared>>
    tpu.enqueue_indirect_dma source(%dma_start3A_40 : memref<10000x32xf32, #tpu.memory_space<vmem_shared>>) target(%arg14 : memref<128x32xf32, #tpu.memory_space<vmem>>) offsets(%dma_start3A_37 : memref<128xi32, #tpu.memory_space<vmem>>) semaphore(%arg20 : memref<!tpu.dma_semaphore, #tpu.memory_space<semaphore_mem>>)
    %dma_start3A_41 = arith.constant 3 : i32
    %dma_start3A_42 = arith.constant 0 : i32
    %dma_start3A_43 = tpu.memref_slice %arg10[%dma_start3A_41, %dma_start3A_42] : memref<160x128xi32, #tpu.memory_space<vmem>> -> memref<1x128xi32, #tpu.memory_space<vmem>>
    %dma_start3A_44 = tpu.memref_squeeze %dma_start3A_43 : memref<1x128xi32, #tpu.memory_space<vmem>> -> memref<128xi32, #tpu.memory_space<vmem>>
    %dma_start3A_45 = arith.constant 0 : i32
    %dma_start3A_46 = arith.constant 0 : i32
    %dma_start3A_47 = tpu.memref_slice %arg16[%dma_start3A_45, %dma_start3A_46] : memref<10000x32xf32, #tpu.memory_space<vmem_shared>> -> memref<10000x32xf32, #tpu.memory_space<vmem_shared>>
    tpu.enqueue_indirect_dma source(%dma_start3A_47 : memref<10000x32xf32, #tpu.memory_space<vmem_shared>>) target(%arg15 : memref<128x32xf32, #tpu.memory_space<vmem>>) offsets(%dma_start3A_44 : memref<128xi32, #tpu.memory_space<vmem>>) semaphore(%arg21 : memref<!tpu.dma_semaphore, #tpu.memory_space<semaphore_mem>>)
    %jit3A = arith.constant 4 : i32
    %div3A = arith.divsi %select_n3A_10, %jit3A : i32
    %sign3A = arith.constant 0 : i32
    %sign3A_48 = arith.cmpi sgt, %select_n3A_10, %sign3A : i32
    %sign3A_49 = arith.extui %sign3A_48 : i1 to i32
    %sign3A_50 = arith.constant 0 : i32
    %sign3A_51 = arith.cmpi slt, %select_n3A_10, %sign3A_50 : i32
    %sign3A_52 = arith.extui %sign3A_51 : i1 to i32
    %sign3A_53 = arith.subi %sign3A_49, %sign3A_52 : i32
    %sign3A_54 = arith.constant 0 : i32
    %sign3A_55 = arith.cmpi sgt, %jit3A, %sign3A_54 : i32
    %sign3A_56 = arith.extui %sign3A_55 : i1 to i32
    %sign3A_57 = arith.constant 0 : i32
    %sign3A_58 = arith.cmpi slt, %jit3A, %sign3A_57 : i32
    %sign3A_59 = arith.extui %sign3A_58 : i1 to i32
    %sign3A_60 = arith.subi %sign3A_56, %sign3A_59 : i32
    %ne3A = arith.cmpi ne, %sign3A_53, %sign3A_60 : i32
    %rem3A = arith.remsi %select_n3A_10, %jit3A : i32
    %ne3A_61 = arith.constant 0 : i32
    %ne3A_62 = arith.cmpi ne, %rem3A, %ne3A_61 : i32
    %and3A = arith.andi %ne3A, %ne3A_62 : i1
    %sub3A = arith.constant 1 : i32
    %sub3A_63 = arith.subi %div3A, %sub3A : i32
    %select_n3A_64 = arith.select %and3A, %sub3A_63, %div3A : i32
    %while3A = arith.constant 0 : i32
    %while3A_65 = arith.constant 0 : i32
    %while3A_66 = arith.subi %select_n3A_64, %while3A_65 : i32
    %while3A_67 = arith.addi %while3A_65, %while3A_66 : i32
    %while3A_68 = arith.constant 1 : i32
    %while3A_69 = arith.divsi %while3A_66, %while3A_68 : i32
    %while3A_70 = arith.muli %while3A_69, %while3A_68 : i32
    %while3A_71 = arith.addi %while3A_65, %while3A_70 : i32
    %while3A_72 = arith.constant 1 : i32
    scf.for %while3A_85 = %while3A_65 to %while3A_71 step %while3A_72  : i32 {
      %mul3A_86 = arith.constant 4 : i32
      %mul3A_87 = arith.muli %while3A_85, %mul3A_86 : i32
      %add3A = arith.constant 0 : i32
      %add3A_88 = arith.addi %mul3A_87, %add3A : i32
      %dma_wait3A = arith.constant 0 : i32
      %dma_wait3A_89 = tpu.memref_slice %arg10[%add3A_88, %dma_wait3A] : memref<160x128xi32, #tpu.memory_space<vmem>> -> memref<1x128xi32, #tpu.memory_space<vmem>>
      %dma_wait3A_90 = tpu.memref_squeeze %dma_wait3A_89 : memref<1x128xi32, #tpu.memory_space<vmem>> -> memref<128xi32, #tpu.memory_space<vmem>>
      %dma_wait3A_91 = arith.constant 0 : i32
      %dma_wait3A_92 = arith.constant 0 : i32
      %dma_wait3A_93 = tpu.memref_slice %arg16[%dma_wait3A_91, %dma_wait3A_92] : memref<10000x32xf32, #tpu.memory_space<vmem_shared>> -> memref<10000x32xf32, #tpu.memory_space<vmem_shared>>
      tpu.wait_indirect_dma semaphore(%arg18 : memref<!tpu.dma_semaphore, #tpu.memory_space<semaphore_mem>>) src(%dma_wait3A_93 : memref<10000x32xf32, #tpu.memory_space<vmem_shared>>) dst(%arg12 : memref<128x32xf32, #tpu.memory_space<vmem>>)
      "tpu.region"() ({
        %run_scoped3A = tpu.sem_alloc : memref<!tpu.dma_semaphore, #tpu.memory_space<semaphore_mem>>
        %dma_start3A_142 = arith.constant 0 : i32
        %dma_start3A_143 = tpu.memref_slice %arg11[%add3A_88, %dma_start3A_142] : memref<160x128xi32, #tpu.memory_space<vmem>> -> memref<1x128xi32, #tpu.memory_space<vmem>>
        %dma_start3A_144 = tpu.memref_squeeze %dma_start3A_143 : memref<1x128xi32, #tpu.memory_space<vmem>> -> memref<128xi32, #tpu.memory_space<vmem>>
        %dma_start3A_145 = arith.constant 0 : i32
        %dma_start3A_146 = arith.constant 0 : i32
        %dma_start3A_147 = tpu.memref_slice %arg17[%dma_start3A_145, %dma_start3A_146] : memref<10000x32xf32, #tpu.memory_space<vmem_shared>> -> memref<10000x32xf32, #tpu.memory_space<vmem_shared>>
        tpu.enqueue_indirect_dma source(%arg12 : memref<128x32xf32, #tpu.memory_space<vmem>>) target(%dma_start3A_147 : memref<10000x32xf32, #tpu.memory_space<vmem_shared>>) offsets(%dma_start3A_144 : memref<128xi32, #tpu.memory_space<vmem>>) semaphore(%run_scoped3A : memref<!tpu.dma_semaphore, #tpu.memory_space<semaphore_mem>>) {add = true}
        %dma_wait3A_148 = arith.constant 0 : i32
        %dma_wait3A_149 = tpu.memref_slice %arg11[%add3A_88, %dma_wait3A_148] : memref<160x128xi32, #tpu.memory_space<vmem>> -> memref<1x128xi32, #tpu.memory_space<vmem>>
        %dma_wait3A_150 = tpu.memref_squeeze %dma_wait3A_149 : memref<1x128xi32, #tpu.memory_space<vmem>> -> memref<128xi32, #tpu.memory_space<vmem>>
        %dma_wait3A_151 = arith.constant 0 : i32
        %dma_wait3A_152 = arith.constant 0 : i32
        %dma_wait3A_153 = tpu.memref_slice %arg17[%dma_wait3A_151, %dma_wait3A_152] : memref<10000x32xf32, #tpu.memory_space<vmem_shared>> -> memref<10000x32xf32, #tpu.memory_space<vmem_shared>>
        tpu.wait_indirect_dma semaphore(%run_scoped3A : memref<!tpu.dma_semaphore, #tpu.memory_space<semaphore_mem>>) src(%arg12 : memref<128x32xf32, #tpu.memory_space<vmem>>) dst(%dma_wait3A_153 : memref<10000x32xf32, #tpu.memory_space<vmem_shared>>)
        tpu.yield
      }) : () -> ()
      %add3A_94 = arith.constant 4 : i32
      %add3A_95 = arith.addi %add3A_88, %add3A_94 : i32
      %lt3A_96 = arith.cmpi slt, %add3A_95, %select_n3A_10 : i32
      %convert_element_type3A_97 = arith.extui %lt3A_96 : i1 to i32
      %cond3A_98 = arith.constant 0 : i32
      %cond3A_99 = arith.cmpi ne, %convert_element_type3A_97, %cond3A_98 : i32
      scf.if %cond3A_99 {
        %add3A_142 = arith.constant 4 : i32
        %add3A_143 = arith.addi %add3A_88, %add3A_142 : i32
        %dma_start3A_144 = arith.constant 0 : i32
        %dma_start3A_145 = tpu.memref_slice %arg10[%add3A_143, %dma_start3A_144] : memref<160x128xi32, #tpu.memory_space<vmem>> -> memref<1x128xi32, #tpu.memory_space<vmem>>
        %dma_start3A_146 = tpu.memref_squeeze %dma_start3A_145 : memref<1x128xi32, #tpu.memory_space<vmem>> -> memref<128xi32, #tpu.memory_space<vmem>>
        %dma_start3A_147 = arith.constant 0 : i32
        %dma_start3A_148 = arith.constant 0 : i32
        %dma_start3A_149 = tpu.memref_slice %arg16[%dma_start3A_147, %dma_start3A_148] : memref<10000x32xf32, #tpu.memory_space<vmem_shared>> -> memref<10000x32xf32, #tpu.memory_space<vmem_shared>>
        tpu.enqueue_indirect_dma source(%dma_start3A_149 : memref<10000x32xf32, #tpu.memory_space<vmem_shared>>) target(%arg12 : memref<128x32xf32, #tpu.memory_space<vmem>>) offsets(%dma_start3A_146 : memref<128xi32, #tpu.memory_space<vmem>>) semaphore(%arg18 : memref<!tpu.dma_semaphore, #tpu.memory_space<semaphore_mem>>)
      } else {
      }
      %add3A_100 = arith.constant 1 : i32
      %add3A_101 = arith.addi %mul3A_87, %add3A_100 : i32
      %dma_wait3A_102 = arith.constant 0 : i32
      %dma_wait3A_103 = tpu.memref_slice %arg10[%add3A_101, %dma_wait3A_102] : memref<160x128xi32, #tpu.memory_space<vmem>> -> memref<1x128xi32, #tpu.memory_space<vmem>>
      %dma_wait3A_104 = tpu.memref_squeeze %dma_wait3A_103 : memref<1x128xi32, #tpu.memory_space<vmem>> -> memref<128xi32, #tpu.memory_space<vmem>>
      %dma_wait3A_105 = arith.constant 0 : i32
      %dma_wait3A_106 = arith.constant 0 : i32
      %dma_wait3A_107 = tpu.memref_slice %arg16[%dma_wait3A_105, %dma_wait3A_106] : memref<10000x32xf32, #tpu.memory_space<vmem_shared>> -> memref<10000x32xf32, #tpu.memory_space<vmem_shared>>
      tpu.wait_indirect_dma semaphore(%arg19 : memref<!tpu.dma_semaphore, #tpu.memory_space<semaphore_mem>>) src(%dma_wait3A_107 : memref<10000x32xf32, #tpu.memory_space<vmem_shared>>) dst(%arg13 : memref<128x32xf32, #tpu.memory_space<vmem>>)
      "tpu.region"() ({
        %run_scoped3A = tpu.sem_alloc : memref<!tpu.dma_semaphore, #tpu.memory_space<semaphore_mem>>
        %dma_start3A_142 = arith.constant 0 : i32
        %dma_start3A_143 = tpu.memref_slice %arg11[%add3A_101, %dma_start3A_142] : memref<160x128xi32, #tpu.memory_space<vmem>> -> memref<1x128xi32, #tpu.memory_space<vmem>>
        %dma_start3A_144 = tpu.memref_squeeze %dma_start3A_143 : memref<1x128xi32, #tpu.memory_space<vmem>> -> memref<128xi32, #tpu.memory_space<vmem>>
        %dma_start3A_145 = arith.constant 0 : i32
        %dma_start3A_146 = arith.constant 0 : i32
        %dma_start3A_147 = tpu.memref_slice %arg17[%dma_start3A_145, %dma_start3A_146] : memref<10000x32xf32, #tpu.memory_space<vmem_shared>> -> memref<10000x32xf32, #tpu.memory_space<vmem_shared>>
        tpu.enqueue_indirect_dma source(%arg13 : memref<128x32xf32, #tpu.memory_space<vmem>>) target(%dma_start3A_147 : memref<10000x32xf32, #tpu.memory_space<vmem_shared>>) offsets(%dma_start3A_144 : memref<128xi32, #tpu.memory_space<vmem>>) semaphore(%run_scoped3A : memref<!tpu.dma_semaphore, #tpu.memory_space<semaphore_mem>>) {add = true}
        %dma_wait3A_148 = arith.constant 0 : i32
        %dma_wait3A_149 = tpu.memref_slice %arg11[%add3A_101, %dma_wait3A_148] : memref<160x128xi32, #tpu.memory_space<vmem>> -> memref<1x128xi32, #tpu.memory_space<vmem>>
        %dma_wait3A_150 = tpu.memref_squeeze %dma_wait3A_149 : memref<1x128xi32, #tpu.memory_space<vmem>> -> memref<128xi32, #tpu.memory_space<vmem>>
        %dma_wait3A_151 = arith.constant 0 : i32
        %dma_wait3A_152 = arith.constant 0 : i32
        %dma_wait3A_153 = tpu.memref_slice %arg17[%dma_wait3A_151, %dma_wait3A_152] : memref<10000x32xf32, #tpu.memory_space<vmem_shared>> -> memref<10000x32xf32, #tpu.memory_space<vmem_shared>>
        tpu.wait_indirect_dma semaphore(%run_scoped3A : memref<!tpu.dma_semaphore, #tpu.memory_space<semaphore_mem>>) src(%arg13 : memref<128x32xf32, #tpu.memory_space<vmem>>) dst(%dma_wait3A_153 : memref<10000x32xf32, #tpu.memory_space<vmem_shared>>)
        tpu.yield
      }) : () -> ()
      %add3A_108 = arith.constant 4 : i32
      %add3A_109 = arith.addi %add3A_101, %add3A_108 : i32
      %lt3A_110 = arith.cmpi slt, %add3A_109, %select_n3A_10 : i32
      %convert_element_type3A_111 = arith.extui %lt3A_110 : i1 to i32
      %cond3A_112 = arith.constant 0 : i32
      %cond3A_113 = arith.cmpi ne, %convert_element_type3A_111, %cond3A_112 : i32
      scf.if %cond3A_113 {
        %add3A_142 = arith.constant 4 : i32
        %add3A_143 = arith.addi %add3A_101, %add3A_142 : i32
        %dma_start3A_144 = arith.constant 0 : i32
        %dma_start3A_145 = tpu.memref_slice %arg10[%add3A_143, %dma_start3A_144] : memref<160x128xi32, #tpu.memory_space<vmem>> -> memref<1x128xi32, #tpu.memory_space<vmem>>
        %dma_start3A_146 = tpu.memref_squeeze %dma_start3A_145 : memref<1x128xi32, #tpu.memory_space<vmem>> -> memref<128xi32, #tpu.memory_space<vmem>>
        %dma_start3A_147 = arith.constant 0 : i32
        %dma_start3A_148 = arith.constant 0 : i32
        %dma_start3A_149 = tpu.memref_slice %arg16[%dma_start3A_147, %dma_start3A_148] : memref<10000x32xf32, #tpu.memory_space<vmem_shared>> -> memref<10000x32xf32, #tpu.memory_space<vmem_shared>>
        tpu.enqueue_indirect_dma source(%dma_start3A_149 : memref<10000x32xf32, #tpu.memory_space<vmem_shared>>) target(%arg13 : memref<128x32xf32, #tpu.memory_space<vmem>>) offsets(%dma_start3A_146 : memref<128xi32, #tpu.memory_space<vmem>>) semaphore(%arg19 : memref<!tpu.dma_semaphore, #tpu.memory_space<semaphore_mem>>)
      } else {
      }
      %add3A_114 = arith.constant 2 : i32
      %add3A_115 = arith.addi %mul3A_87, %add3A_114 : i32
      %dma_wait3A_116 = arith.constant 0 : i32
      %dma_wait3A_117 = tpu.memref_slice %arg10[%add3A_115, %dma_wait3A_116] : memref<160x128xi32, #tpu.memory_space<vmem>> -> memref<1x128xi32, #tpu.memory_space<vmem>>
      %dma_wait3A_118 = tpu.memref_squeeze %dma_wait3A_117 : memref<1x128xi32, #tpu.memory_space<vmem>> -> memref<128xi32, #tpu.memory_space<vmem>>
      %dma_wait3A_119 = arith.constant 0 : i32
      %dma_wait3A_120 = arith.constant 0 : i32
      %dma_wait3A_121 = tpu.memref_slice %arg16[%dma_wait3A_119, %dma_wait3A_120] : memref<10000x32xf32, #tpu.memory_space<vmem_shared>> -> memref<10000x32xf32, #tpu.memory_space<vmem_shared>>
      tpu.wait_indirect_dma semaphore(%arg20 : memref<!tpu.dma_semaphore, #tpu.memory_space<semaphore_mem>>) src(%dma_wait3A_121 : memref<10000x32xf32, #tpu.memory_space<vmem_shared>>) dst(%arg14 : memref<128x32xf32, #tpu.memory_space<vmem>>)
      "tpu.region"() ({
        %run_scoped3A = tpu.sem_alloc : memref<!tpu.dma_semaphore, #tpu.memory_space<semaphore_mem>>
        %dma_start3A_142 = arith.constant 0 : i32
        %dma_start3A_143 = tpu.memref_slice %arg11[%add3A_115, %dma_start3A_142] : memref<160x128xi32, #tpu.memory_space<vmem>> -> memref<1x128xi32, #tpu.memory_space<vmem>>
        %dma_start3A_144 = tpu.memref_squeeze %dma_start3A_143 : memref<1x128xi32, #tpu.memory_space<vmem>> -> memref<128xi32, #tpu.memory_space<vmem>>
        %dma_start3A_145 = arith.constant 0 : i32
        %dma_start3A_146 = arith.constant 0 : i32
        %dma_start3A_147 = tpu.memref_slice %arg17[%dma_start3A_145, %dma_start3A_146] : memref<10000x32xf32, #tpu.memory_space<vmem_shared>> -> memref<10000x32xf32, #tpu.memory_space<vmem_shared>>
        tpu.enqueue_indirect_dma source(%arg14 : memref<128x32xf32, #tpu.memory_space<vmem>>) target(%dma_start3A_147 : memref<10000x32xf32, #tpu.memory_space<vmem_shared>>) offsets(%dma_start3A_144 : memref<128xi32, #tpu.memory_space<vmem>>) semaphore(%run_scoped3A : memref<!tpu.dma_semaphore, #tpu.memory_space<semaphore_mem>>) {add = true}
        %dma_wait3A_148 = arith.constant 0 : i32
        %dma_wait3A_149 = tpu.memref_slice %arg11[%add3A_115, %dma_wait3A_148] : memref<160x128xi32, #tpu.memory_space<vmem>> -> memref<1x128xi32, #tpu.memory_space<vmem>>
        %dma_wait3A_150 = tpu.memref_squeeze %dma_wait3A_149 : memref<1x128xi32, #tpu.memory_space<vmem>> -> memref<128xi32, #tpu.memory_space<vmem>>
        %dma_wait3A_151 = arith.constant 0 : i32
        %dma_wait3A_152 = arith.constant 0 : i32
        %dma_wait3A_153 = tpu.memref_slice %arg17[%dma_wait3A_151, %dma_wait3A_152] : memref<10000x32xf32, #tpu.memory_space<vmem_shared>> -> memref<10000x32xf32, #tpu.memory_space<vmem_shared>>
        tpu.wait_indirect_dma semaphore(%run_scoped3A : memref<!tpu.dma_semaphore, #tpu.memory_space<semaphore_mem>>) src(%arg14 : memref<128x32xf32, #tpu.memory_space<vmem>>) dst(%dma_wait3A_153 : memref<10000x32xf32, #tpu.memory_space<vmem_shared>>)
        tpu.yield
      }) : () -> ()
      %add3A_122 = arith.constant 4 : i32
      %add3A_123 = arith.addi %add3A_115, %add3A_122 : i32
      %lt3A_124 = arith.cmpi slt, %add3A_123, %select_n3A_10 : i32
      %convert_element_type3A_125 = arith.extui %lt3A_124 : i1 to i32
      %cond3A_126 = arith.constant 0 : i32
      %cond3A_127 = arith.cmpi ne, %convert_element_type3A_125, %cond3A_126 : i32
      scf.if %cond3A_127 {
        %add3A_142 = arith.constant 4 : i32
        %add3A_143 = arith.addi %add3A_115, %add3A_142 : i32
        %dma_start3A_144 = arith.constant 0 : i32
        %dma_start3A_145 = tpu.memref_slice %arg10[%add3A_143, %dma_start3A_144] : memref<160x128xi32, #tpu.memory_space<vmem>> -> memref<1x128xi32, #tpu.memory_space<vmem>>
        %dma_start3A_146 = tpu.memref_squeeze %dma_start3A_145 : memref<1x128xi32, #tpu.memory_space<vmem>> -> memref<128xi32, #tpu.memory_space<vmem>>
        %dma_start3A_147 = arith.constant 0 : i32
        %dma_start3A_148 = arith.constant 0 : i32
        %dma_start3A_149 = tpu.memref_slice %arg16[%dma_start3A_147, %dma_start3A_148] : memref<10000x32xf32, #tpu.memory_space<vmem_shared>> -> memref<10000x32xf32, #tpu.memory_space<vmem_shared>>
        tpu.enqueue_indirect_dma source(%dma_start3A_149 : memref<10000x32xf32, #tpu.memory_space<vmem_shared>>) target(%arg14 : memref<128x32xf32, #tpu.memory_space<vmem>>) offsets(%dma_start3A_146 : memref<128xi32, #tpu.memory_space<vmem>>) semaphore(%arg20 : memref<!tpu.dma_semaphore, #tpu.memory_space<semaphore_mem>>)
      } else {
      }
      %add3A_128 = arith.constant 3 : i32
      %add3A_129 = arith.addi %mul3A_87, %add3A_128 : i32
      %dma_wait3A_130 = arith.constant 0 : i32
      %dma_wait3A_131 = tpu.memref_slice %arg10[%add3A_129, %dma_wait3A_130] : memref<160x128xi32, #tpu.memory_space<vmem>> -> memref<1x128xi32, #tpu.memory_space<vmem>>
      %dma_wait3A_132 = tpu.memref_squeeze %dma_wait3A_131 : memref<1x128xi32, #tpu.memory_space<vmem>> -> memref<128xi32, #tpu.memory_space<vmem>>
      %dma_wait3A_133 = arith.constant 0 : i32
      %dma_wait3A_134 = arith.constant 0 : i32
      %dma_wait3A_135 = tpu.memref_slice %arg16[%dma_wait3A_133, %dma_wait3A_134] : memref<10000x32xf32, #tpu.memory_space<vmem_shared>> -> memref<10000x32xf32, #tpu.memory_space<vmem_shared>>
      tpu.wait_indirect_dma semaphore(%arg21 : memref<!tpu.dma_semaphore, #tpu.memory_space<semaphore_mem>>) src(%dma_wait3A_135 : memref<10000x32xf32, #tpu.memory_space<vmem_shared>>) dst(%arg15 : memref<128x32xf32, #tpu.memory_space<vmem>>)
      "tpu.region"() ({
        %run_scoped3A = tpu.sem_alloc : memref<!tpu.dma_semaphore, #tpu.memory_space<semaphore_mem>>
        %dma_start3A_142 = arith.constant 0 : i32
        %dma_start3A_143 = tpu.memref_slice %arg11[%add3A_129, %dma_start3A_142] : memref<160x128xi32, #tpu.memory_space<vmem>> -> memref<1x128xi32, #tpu.memory_space<vmem>>
        %dma_start3A_144 = tpu.memref_squeeze %dma_start3A_143 : memref<1x128xi32, #tpu.memory_space<vmem>> -> memref<128xi32, #tpu.memory_space<vmem>>
        %dma_start3A_145 = arith.constant 0 : i32
        %dma_start3A_146 = arith.constant 0 : i32
        %dma_start3A_147 = tpu.memref_slice %arg17[%dma_start3A_145, %dma_start3A_146] : memref<10000x32xf32, #tpu.memory_space<vmem_shared>> -> memref<10000x32xf32, #tpu.memory_space<vmem_shared>>
        tpu.enqueue_indirect_dma source(%arg15 : memref<128x32xf32, #tpu.memory_space<vmem>>) target(%dma_start3A_147 : memref<10000x32xf32, #tpu.memory_space<vmem_shared>>) offsets(%dma_start3A_144 : memref<128xi32, #tpu.memory_space<vmem>>) semaphore(%run_scoped3A : memref<!tpu.dma_semaphore, #tpu.memory_space<semaphore_mem>>) {add = true}
        %dma_wait3A_148 = arith.constant 0 : i32
        %dma_wait3A_149 = tpu.memref_slice %arg11[%add3A_129, %dma_wait3A_148] : memref<160x128xi32, #tpu.memory_space<vmem>> -> memref<1x128xi32, #tpu.memory_space<vmem>>
        %dma_wait3A_150 = tpu.memref_squeeze %dma_wait3A_149 : memref<1x128xi32, #tpu.memory_space<vmem>> -> memref<128xi32, #tpu.memory_space<vmem>>
        %dma_wait3A_151 = arith.constant 0 : i32
        %dma_wait3A_152 = arith.constant 0 : i32
        %dma_wait3A_153 = tpu.memref_slice %arg17[%dma_wait3A_151, %dma_wait3A_152] : memref<10000x32xf32, #tpu.memory_space<vmem_shared>> -> memref<10000x32xf32, #tpu.memory_space<vmem_shared>>
        tpu.wait_indirect_dma semaphore(%run_scoped3A : memref<!tpu.dma_semaphore, #tpu.memory_space<semaphore_mem>>) src(%arg15 : memref<128x32xf32, #tpu.memory_space<vmem>>) dst(%dma_wait3A_153 : memref<10000x32xf32, #tpu.memory_space<vmem_shared>>)
        tpu.yield
      }) : () -> ()
      %add3A_136 = arith.constant 4 : i32
      %add3A_137 = arith.addi %add3A_129, %add3A_136 : i32
      %lt3A_138 = arith.cmpi slt, %add3A_137, %select_n3A_10 : i32
      %convert_element_type3A_139 = arith.extui %lt3A_138 : i1 to i32
      %cond3A_140 = arith.constant 0 : i32
      %cond3A_141 = arith.cmpi ne, %convert_element_type3A_139, %cond3A_140 : i32
      scf.if %cond3A_141 {
        %add3A_142 = arith.constant 4 : i32
        %add3A_143 = arith.addi %add3A_129, %add3A_142 : i32
        %dma_start3A_144 = arith.constant 0 : i32
        %dma_start3A_145 = tpu.memref_slice %arg10[%add3A_143, %dma_start3A_144] : memref<160x128xi32, #tpu.memory_space<vmem>> -> memref<1x128xi32, #tpu.memory_space<vmem>>
        %dma_start3A_146 = tpu.memref_squeeze %dma_start3A_145 : memref<1x128xi32, #tpu.memory_space<vmem>> -> memref<128xi32, #tpu.memory_space<vmem>>
        %dma_start3A_147 = arith.constant 0 : i32
        %dma_start3A_148 = arith.constant 0 : i32
        %dma_start3A_149 = tpu.memref_slice %arg16[%dma_start3A_147, %dma_start3A_148] : memref<10000x32xf32, #tpu.memory_space<vmem_shared>> -> memref<10000x32xf32, #tpu.memory_space<vmem_shared>>
        tpu.enqueue_indirect_dma source(%dma_start3A_149 : memref<10000x32xf32, #tpu.memory_space<vmem_shared>>) target(%arg15 : memref<128x32xf32, #tpu.memory_space<vmem>>) offsets(%dma_start3A_146 : memref<128xi32, #tpu.memory_space<vmem>>) semaphore(%arg21 : memref<!tpu.dma_semaphore, #tpu.memory_space<semaphore_mem>>)
      } else {
      }
    }
    %while3A_73 = arith.constant 1 : i32
    scf.for %while3A_85 = %while3A_71 to %while3A_67 step %while3A_73  : i32 {
      %mul3A_86 = arith.constant 4 : i32
      %mul3A_87 = arith.muli %while3A_85, %mul3A_86 : i32
      %add3A = arith.constant 0 : i32
      %add3A_88 = arith.addi %mul3A_87, %add3A : i32
      %dma_wait3A = arith.constant 0 : i32
      %dma_wait3A_89 = tpu.memref_slice %arg10[%add3A_88, %dma_wait3A] : memref<160x128xi32, #tpu.memory_space<vmem>> -> memref<1x128xi32, #tpu.memory_space<vmem>>
      %dma_wait3A_90 = tpu.memref_squeeze %dma_wait3A_89 : memref<1x128xi32, #tpu.memory_space<vmem>> -> memref<128xi32, #tpu.memory_space<vmem>>
      %dma_wait3A_91 = arith.constant 0 : i32
      %dma_wait3A_92 = arith.constant 0 : i32
      %dma_wait3A_93 = tpu.memref_slice %arg16[%dma_wait3A_91, %dma_wait3A_92] : memref<10000x32xf32, #tpu.memory_space<vmem_shared>> -> memref<10000x32xf32, #tpu.memory_space<vmem_shared>>
      tpu.wait_indirect_dma semaphore(%arg18 : memref<!tpu.dma_semaphore, #tpu.memory_space<semaphore_mem>>) src(%dma_wait3A_93 : memref<10000x32xf32, #tpu.memory_space<vmem_shared>>) dst(%arg12 : memref<128x32xf32, #tpu.memory_space<vmem>>)
      "tpu.region"() ({
        %run_scoped3A = tpu.sem_alloc : memref<!tpu.dma_semaphore, #tpu.memory_space<semaphore_mem>>
        %dma_start3A_142 = arith.constant 0 : i32
        %dma_start3A_143 = tpu.memref_slice %arg11[%add3A_88, %dma_start3A_142] : memref<160x128xi32, #tpu.memory_space<vmem>> -> memref<1x128xi32, #tpu.memory_space<vmem>>
        %dma_start3A_144 = tpu.memref_squeeze %dma_start3A_143 : memref<1x128xi32, #tpu.memory_space<vmem>> -> memref<128xi32, #tpu.memory_space<vmem>>
        %dma_start3A_145 = arith.constant 0 : i32
        %dma_start3A_146 = arith.constant 0 : i32
        %dma_start3A_147 = tpu.memref_slice %arg17[%dma_start3A_145, %dma_start3A_146] : memref<10000x32xf32, #tpu.memory_space<vmem_shared>> -> memref<10000x32xf32, #tpu.memory_space<vmem_shared>>
        tpu.enqueue_indirect_dma source(%arg12 : memref<128x32xf32, #tpu.memory_space<vmem>>) target(%dma_start3A_147 : memref<10000x32xf32, #tpu.memory_space<vmem_shared>>) offsets(%dma_start3A_144 : memref<128xi32, #tpu.memory_space<vmem>>) semaphore(%run_scoped3A : memref<!tpu.dma_semaphore, #tpu.memory_space<semaphore_mem>>) {add = true}
        %dma_wait3A_148 = arith.constant 0 : i32
        %dma_wait3A_149 = tpu.memref_slice %arg11[%add3A_88, %dma_wait3A_148] : memref<160x128xi32, #tpu.memory_space<vmem>> -> memref<1x128xi32, #tpu.memory_space<vmem>>
        %dma_wait3A_150 = tpu.memref_squeeze %dma_wait3A_149 : memref<1x128xi32, #tpu.memory_space<vmem>> -> memref<128xi32, #tpu.memory_space<vmem>>
        %dma_wait3A_151 = arith.constant 0 : i32
        %dma_wait3A_152 = arith.constant 0 : i32
        %dma_wait3A_153 = tpu.memref_slice %arg17[%dma_wait3A_151, %dma_wait3A_152] : memref<10000x32xf32, #tpu.memory_space<vmem_shared>> -> memref<10000x32xf32, #tpu.memory_space<vmem_shared>>
        tpu.wait_indirect_dma semaphore(%run_scoped3A : memref<!tpu.dma_semaphore, #tpu.memory_space<semaphore_mem>>) src(%arg12 : memref<128x32xf32, #tpu.memory_space<vmem>>) dst(%dma_wait3A_153 : memref<10000x32xf32, #tpu.memory_space<vmem_shared>>)
        tpu.yield
      }) : () -> ()
      %add3A_94 = arith.constant 4 : i32
      %add3A_95 = arith.addi %add3A_88, %add3A_94 : i32
      %lt3A_96 = arith.cmpi slt, %add3A_95, %select_n3A_10 : i32
      %convert_element_type3A_97 = arith.extui %lt3A_96 : i1 to i32
      %cond3A_98 = arith.constant 0 : i32
      %cond3A_99 = arith.cmpi ne, %convert_element_type3A_97, %cond3A_98 : i32
      scf.if %cond3A_99 {
        %add3A_142 = arith.constant 4 : i32
        %add3A_143 = arith.addi %add3A_88, %add3A_142 : i32
        %dma_start3A_144 = arith.constant 0 : i32
        %dma_start3A_145 = tpu.memref_slice %arg10[%add3A_143, %dma_start3A_144] : memref<160x128xi32, #tpu.memory_space<vmem>> -> memref<1x128xi32, #tpu.memory_space<vmem>>
        %dma_start3A_146 = tpu.memref_squeeze %dma_start3A_145 : memref<1x128xi32, #tpu.memory_space<vmem>> -> memref<128xi32, #tpu.memory_space<vmem>>
        %dma_start3A_147 = arith.constant 0 : i32
        %dma_start3A_148 = arith.constant 0 : i32
        %dma_start3A_149 = tpu.memref_slice %arg16[%dma_start3A_147, %dma_start3A_148] : memref<10000x32xf32, #tpu.memory_space<vmem_shared>> -> memref<10000x32xf32, #tpu.memory_space<vmem_shared>>
        tpu.enqueue_indirect_dma source(%dma_start3A_149 : memref<10000x32xf32, #tpu.memory_space<vmem_shared>>) target(%arg12 : memref<128x32xf32, #tpu.memory_space<vmem>>) offsets(%dma_start3A_146 : memref<128xi32, #tpu.memory_space<vmem>>) semaphore(%arg18 : memref<!tpu.dma_semaphore, #tpu.memory_space<semaphore_mem>>)
      } else {
      }
      %add3A_100 = arith.constant 1 : i32
      %add3A_101 = arith.addi %mul3A_87, %add3A_100 : i32
      %dma_wait3A_102 = arith.constant 0 : i32
      %dma_wait3A_103 = tpu.memref_slice %arg10[%add3A_101, %dma_wait3A_102] : memref<160x128xi32, #tpu.memory_space<vmem>> -> memref<1x128xi32, #tpu.memory_space<vmem>>
      %dma_wait3A_104 = tpu.memref_squeeze %dma_wait3A_103 : memref<1x128xi32, #tpu.memory_space<vmem>> -> memref<128xi32, #tpu.memory_space<vmem>>
      %dma_wait3A_105 = arith.constant 0 : i32
      %dma_wait3A_106 = arith.constant 0 : i32
      %dma_wait3A_107 = tpu.memref_slice %arg16[%dma_wait3A_105, %dma_wait3A_106] : memref<10000x32xf32, #tpu.memory_space<vmem_shared>> -> memref<10000x32xf32, #tpu.memory_space<vmem_shared>>
      tpu.wait_indirect_dma semaphore(%arg19 : memref<!tpu.dma_semaphore, #tpu.memory_space<semaphore_mem>>) src(%dma_wait3A_107 : memref<10000x32xf32, #tpu.memory_space<vmem_shared>>) dst(%arg13 : memref<128x32xf32, #tpu.memory_space<vmem>>)
      "tpu.region"() ({
        %run_scoped3A = tpu.sem_alloc : memref<!tpu.dma_semaphore, #tpu.memory_space<semaphore_mem>>
        %dma_start3A_142 = arith.constant 0 : i32
        %dma_start3A_143 = tpu.memref_slice %arg11[%add3A_101, %dma_start3A_142] : memref<160x128xi32, #tpu.memory_space<vmem>> -> memref<1x128xi32, #tpu.memory_space<vmem>>
        %dma_start3A_144 = tpu.memref_squeeze %dma_start3A_143 : memref<1x128xi32, #tpu.memory_space<vmem>> -> memref<128xi32, #tpu.memory_space<vmem>>
        %dma_start3A_145 = arith.constant 0 : i32
        %dma_start3A_146 = arith.constant 0 : i32
        %dma_start3A_147 = tpu.memref_slice %arg17[%dma_start3A_145, %dma_start3A_146] : memref<10000x32xf32, #tpu.memory_space<vmem_shared>> -> memref<10000x32xf32, #tpu.memory_space<vmem_shared>>
        tpu.enqueue_indirect_dma source(%arg13 : memref<128x32xf32, #tpu.memory_space<vmem>>) target(%dma_start3A_147 : memref<10000x32xf32, #tpu.memory_space<vmem_shared>>) offsets(%dma_start3A_144 : memref<128xi32, #tpu.memory_space<vmem>>) semaphore(%run_scoped3A : memref<!tpu.dma_semaphore, #tpu.memory_space<semaphore_mem>>) {add = true}
        %dma_wait3A_148 = arith.constant 0 : i32
        %dma_wait3A_149 = tpu.memref_slice %arg11[%add3A_101, %dma_wait3A_148] : memref<160x128xi32, #tpu.memory_space<vmem>> -> memref<1x128xi32, #tpu.memory_space<vmem>>
        %dma_wait3A_150 = tpu.memref_squeeze %dma_wait3A_149 : memref<1x128xi32, #tpu.memory_space<vmem>> -> memref<128xi32, #tpu.memory_space<vmem>>
        %dma_wait3A_151 = arith.constant 0 : i32
        %dma_wait3A_152 = arith.constant 0 : i32
        %dma_wait3A_153 = tpu.memref_slice %arg17[%dma_wait3A_151, %dma_wait3A_152] : memref<10000x32xf32, #tpu.memory_space<vmem_shared>> -> memref<10000x32xf32, #tpu.memory_space<vmem_shared>>
        tpu.wait_indirect_dma semaphore(%run_scoped3A : memref<!tpu.dma_semaphore, #tpu.memory_space<semaphore_mem>>) src(%arg13 : memref<128x32xf32, #tpu.memory_space<vmem>>) dst(%dma_wait3A_153 : memref<10000x32xf32, #tpu.memory_space<vmem_shared>>)
        tpu.yield
      }) : () -> ()
      %add3A_108 = arith.constant 4 : i32
      %add3A_109 = arith.addi %add3A_101, %add3A_108 : i32
      %lt3A_110 = arith.cmpi slt, %add3A_109, %select_n3A_10 : i32
      %convert_element_type3A_111 = arith.extui %lt3A_110 : i1 to i32
      %cond3A_112 = arith.constant 0 : i32
      %cond3A_113 = arith.cmpi ne, %convert_element_type3A_111, %cond3A_112 : i32
      scf.if %cond3A_113 {
        %add3A_142 = arith.constant 4 : i32
        %add3A_143 = arith.addi %add3A_101, %add3A_142 : i32
        %dma_start3A_144 = arith.constant 0 : i32
        %dma_start3A_145 = tpu.memref_slice %arg10[%add3A_143, %dma_start3A_144] : memref<160x128xi32, #tpu.memory_space<vmem>> -> memref<1x128xi32, #tpu.memory_space<vmem>>
        %dma_start3A_146 = tpu.memref_squeeze %dma_start3A_145 : memref<1x128xi32, #tpu.memory_space<vmem>> -> memref<128xi32, #tpu.memory_space<vmem>>
        %dma_start3A_147 = arith.constant 0 : i32
        %dma_start3A_148 = arith.constant 0 : i32
        %dma_start3A_149 = tpu.memref_slice %arg16[%dma_start3A_147, %dma_start3A_148] : memref<10000x32xf32, #tpu.memory_space<vmem_shared>> -> memref<10000x32xf32, #tpu.memory_space<vmem_shared>>
        tpu.enqueue_indirect_dma source(%dma_start3A_149 : memref<10000x32xf32, #tpu.memory_space<vmem_shared>>) target(%arg13 : memref<128x32xf32, #tpu.memory_space<vmem>>) offsets(%dma_start3A_146 : memref<128xi32, #tpu.memory_space<vmem>>) semaphore(%arg19 : memref<!tpu.dma_semaphore, #tpu.memory_space<semaphore_mem>>)
      } else {
      }
      %add3A_114 = arith.constant 2 : i32
      %add3A_115 = arith.addi %mul3A_87, %add3A_114 : i32
      %dma_wait3A_116 = arith.constant 0 : i32
      %dma_wait3A_117 = tpu.memref_slice %arg10[%add3A_115, %dma_wait3A_116] : memref<160x128xi32, #tpu.memory_space<vmem>> -> memref<1x128xi32, #tpu.memory_space<vmem>>
      %dma_wait3A_118 = tpu.memref_squeeze %dma_wait3A_117 : memref<1x128xi32, #tpu.memory_space<vmem>> -> memref<128xi32, #tpu.memory_space<vmem>>
      %dma_wait3A_119 = arith.constant 0 : i32
      %dma_wait3A_120 = arith.constant 0 : i32
      %dma_wait3A_121 = tpu.memref_slice %arg16[%dma_wait3A_119, %dma_wait3A_120] : memref<10000x32xf32, #tpu.memory_space<vmem_shared>> -> memref<10000x32xf32, #tpu.memory_space<vmem_shared>>
      tpu.wait_indirect_dma semaphore(%arg20 : memref<!tpu.dma_semaphore, #tpu.memory_space<semaphore_mem>>) src(%dma_wait3A_121 : memref<10000x32xf32, #tpu.memory_space<vmem_shared>>) dst(%arg14 : memref<128x32xf32, #tpu.memory_space<vmem>>)
      "tpu.region"() ({
        %run_scoped3A = tpu.sem_alloc : memref<!tpu.dma_semaphore, #tpu.memory_space<semaphore_mem>>
        %dma_start3A_142 = arith.constant 0 : i32
        %dma_start3A_143 = tpu.memref_slice %arg11[%add3A_115, %dma_start3A_142] : memref<160x128xi32, #tpu.memory_space<vmem>> -> memref<1x128xi32, #tpu.memory_space<vmem>>
        %dma_start3A_144 = tpu.memref_squeeze %dma_start3A_143 : memref<1x128xi32, #tpu.memory_space<vmem>> -> memref<128xi32, #tpu.memory_space<vmem>>
        %dma_start3A_145 = arith.constant 0 : i32
        %dma_start3A_146 = arith.constant 0 : i32
        %dma_start3A_147 = tpu.memref_slice %arg17[%dma_start3A_145, %dma_start3A_146] : memref<10000x32xf32, #tpu.memory_space<vmem_shared>> -> memref<10000x32xf32, #tpu.memory_space<vmem_shared>>
        tpu.enqueue_indirect_dma source(%arg14 : memref<128x32xf32, #tpu.memory_space<vmem>>) target(%dma_start3A_147 : memref<10000x32xf32, #tpu.memory_space<vmem_shared>>) offsets(%dma_start3A_144 : memref<128xi32, #tpu.memory_space<vmem>>) semaphore(%run_scoped3A : memref<!tpu.dma_semaphore, #tpu.memory_space<semaphore_mem>>) {add = true}
        %dma_wait3A_148 = arith.constant 0 : i32
        %dma_wait3A_149 = tpu.memref_slice %arg11[%add3A_115, %dma_wait3A_148] : memref<160x128xi32, #tpu.memory_space<vmem>> -> memref<1x128xi32, #tpu.memory_space<vmem>>
        %dma_wait3A_150 = tpu.memref_squeeze %dma_wait3A_149 : memref<1x128xi32, #tpu.memory_space<vmem>> -> memref<128xi32, #tpu.memory_space<vmem>>
        %dma_wait3A_151 = arith.constant 0 : i32
        %dma_wait3A_152 = arith.constant 0 : i32
        %dma_wait3A_153 = tpu.memref_slice %arg17[%dma_wait3A_151, %dma_wait3A_152] : memref<10000x32xf32, #tpu.memory_space<vmem_shared>> -> memref<10000x32xf32, #tpu.memory_space<vmem_shared>>
        tpu.wait_indirect_dma semaphore(%run_scoped3A : memref<!tpu.dma_semaphore, #tpu.memory_space<semaphore_mem>>) src(%arg14 : memref<128x32xf32, #tpu.memory_space<vmem>>) dst(%dma_wait3A_153 : memref<10000x32xf32, #tpu.memory_space<vmem_shared>>)
        tpu.yield
      }) : () -> ()
      %add3A_122 = arith.constant 4 : i32
      %add3A_123 = arith.addi %add3A_115, %add3A_122 : i32
      %lt3A_124 = arith.cmpi slt, %add3A_123, %select_n3A_10 : i32
      %convert_element_type3A_125 = arith.extui %lt3A_124 : i1 to i32
      %cond3A_126 = arith.constant 0 : i32
      %cond3A_127 = arith.cmpi ne, %convert_element_type3A_125, %cond3A_126 : i32
      scf.if %cond3A_127 {
        %add3A_142 = arith.constant 4 : i32
        %add3A_143 = arith.addi %add3A_115, %add3A_142 : i32
        %dma_start3A_144 = arith.constant 0 : i32
        %dma_start3A_145 = tpu.memref_slice %arg10[%add3A_143, %dma_start3A_144] : memref<160x128xi32, #tpu.memory_space<vmem>> -> memref<1x128xi32, #tpu.memory_space<vmem>>
        %dma_start3A_146 = tpu.memref_squeeze %dma_start3A_145 : memref<1x128xi32, #tpu.memory_space<vmem>> -> memref<128xi32, #tpu.memory_space<vmem>>
        %dma_start3A_147 = arith.constant 0 : i32
        %dma_start3A_148 = arith.constant 0 : i32
        %dma_start3A_149 = tpu.memref_slice %arg16[%dma_start3A_147, %dma_start3A_148] : memref<10000x32xf32, #tpu.memory_space<vmem_shared>> -> memref<10000x32xf32, #tpu.memory_space<vmem_shared>>
        tpu.enqueue_indirect_dma source(%dma_start3A_149 : memref<10000x32xf32, #tpu.memory_space<vmem_shared>>) target(%arg14 : memref<128x32xf32, #tpu.memory_space<vmem>>) offsets(%dma_start3A_146 : memref<128xi32, #tpu.memory_space<vmem>>) semaphore(%arg20 : memref<!tpu.dma_semaphore, #tpu.memory_space<semaphore_mem>>)
      } else {
      }
      %add3A_128 = arith.constant 3 : i32
      %add3A_129 = arith.addi %mul3A_87, %add3A_128 : i32
      %dma_wait3A_130 = arith.constant 0 : i32
      %dma_wait3A_131 = tpu.memref_slice %arg10[%add3A_129, %dma_wait3A_130] : memref<160x128xi32, #tpu.memory_space<vmem>> -> memref<1x128xi32, #tpu.memory_space<vmem>>
      %dma_wait3A_132 = tpu.memref_squeeze %dma_wait3A_131 : memref<1x128xi32, #tpu.memory_space<vmem>> -> memref<128xi32, #tpu.memory_space<vmem>>
      %dma_wait3A_133 = arith.constant 0 : i32
      %dma_wait3A_134 = arith.constant 0 : i32
      %dma_wait3A_135 = tpu.memref_slice %arg16[%dma_wait3A_133, %dma_wait3A_134] : memref<10000x32xf32, #tpu.memory_space<vmem_shared>> -> memref<10000x32xf32, #tpu.memory_space<vmem_shared>>
      tpu.wait_indirect_dma semaphore(%arg21 : memref<!tpu.dma_semaphore, #tpu.memory_space<semaphore_mem>>) src(%dma_wait3A_135 : memref<10000x32xf32, #tpu.memory_space<vmem_shared>>) dst(%arg15 : memref<128x32xf32, #tpu.memory_space<vmem>>)
      "tpu.region"() ({
        %run_scoped3A = tpu.sem_alloc : memref<!tpu.dma_semaphore, #tpu.memory_space<semaphore_mem>>
        %dma_start3A_142 = arith.constant 0 : i32
        %dma_start3A_143 = tpu.memref_slice %arg11[%add3A_129, %dma_start3A_142] : memref<160x128xi32, #tpu.memory_space<vmem>> -> memref<1x128xi32, #tpu.memory_space<vmem>>
        %dma_start3A_144 = tpu.memref_squeeze %dma_start3A_143 : memref<1x128xi32, #tpu.memory_space<vmem>> -> memref<128xi32, #tpu.memory_space<vmem>>
        %dma_start3A_145 = arith.constant 0 : i32
        %dma_start3A_146 = arith.constant 0 : i32
        %dma_start3A_147 = tpu.memref_slice %arg17[%dma_start3A_145, %dma_start3A_146] : memref<10000x32xf32, #tpu.memory_space<vmem_shared>> -> memref<10000x32xf32, #tpu.memory_space<vmem_shared>>
        tpu.enqueue_indirect_dma source(%arg15 : memref<128x32xf32, #tpu.memory_space<vmem>>) target(%dma_start3A_147 : memref<10000x32xf32, #tpu.memory_space<vmem_shared>>) offsets(%dma_start3A_144 : memref<128xi32, #tpu.memory_space<vmem>>) semaphore(%run_scoped3A : memref<!tpu.dma_semaphore, #tpu.memory_space<semaphore_mem>>) {add = true}
        %dma_wait3A_148 = arith.constant 0 : i32
        %dma_wait3A_149 = tpu.memref_slice %arg11[%add3A_129, %dma_wait3A_148] : memref<160x128xi32, #tpu.memory_space<vmem>> -> memref<1x128xi32, #tpu.memory_space<vmem>>
        %dma_wait3A_150 = tpu.memref_squeeze %dma_wait3A_149 : memref<1x128xi32, #tpu.memory_space<vmem>> -> memref<128xi32, #tpu.memory_space<vmem>>
        %dma_wait3A_151 = arith.constant 0 : i32
        %dma_wait3A_152 = arith.constant 0 : i32
        %dma_wait3A_153 = tpu.memref_slice %arg17[%dma_wait3A_151, %dma_wait3A_152] : memref<10000x32xf32, #tpu.memory_space<vmem_shared>> -> memref<10000x32xf32, #tpu.memory_space<vmem_shared>>
        tpu.wait_indirect_dma semaphore(%run_scoped3A : memref<!tpu.dma_semaphore, #tpu.memory_space<semaphore_mem>>) src(%arg15 : memref<128x32xf32, #tpu.memory_space<vmem>>) dst(%dma_wait3A_153 : memref<10000x32xf32, #tpu.memory_space<vmem_shared>>)
        tpu.yield
      }) : () -> ()
      %add3A_136 = arith.constant 4 : i32
      %add3A_137 = arith.addi %add3A_129, %add3A_136 : i32
      %lt3A_138 = arith.cmpi slt, %add3A_137, %select_n3A_10 : i32
      %convert_element_type3A_139 = arith.extui %lt3A_138 : i1 to i32
      %cond3A_140 = arith.constant 0 : i32
      %cond3A_141 = arith.cmpi ne, %convert_element_type3A_139, %cond3A_140 : i32
      scf.if %cond3A_141 {
        %add3A_142 = arith.constant 4 : i32
        %add3A_143 = arith.addi %add3A_129, %add3A_142 : i32
        %dma_start3A_144 = arith.constant 0 : i32
        %dma_start3A_145 = tpu.memref_slice %arg10[%add3A_143, %dma_start3A_144] : memref<160x128xi32, #tpu.memory_space<vmem>> -> memref<1x128xi32, #tpu.memory_space<vmem>>
        %dma_start3A_146 = tpu.memref_squeeze %dma_start3A_145 : memref<1x128xi32, #tpu.memory_space<vmem>> -> memref<128xi32, #tpu.memory_space<vmem>>
        %dma_start3A_147 = arith.constant 0 : i32
        %dma_start3A_148 = arith.constant 0 : i32
        %dma_start3A_149 = tpu.memref_slice %arg16[%dma_start3A_147, %dma_start3A_148] : memref<10000x32xf32, #tpu.memory_space<vmem_shared>> -> memref<10000x32xf32, #tpu.memory_space<vmem_shared>>
        tpu.enqueue_indirect_dma source(%dma_start3A_149 : memref<10000x32xf32, #tpu.memory_space<vmem_shared>>) target(%arg15 : memref<128x32xf32, #tpu.memory_space<vmem>>) offsets(%dma_start3A_146 : memref<128xi32, #tpu.memory_space<vmem>>) semaphore(%arg21 : memref<!tpu.dma_semaphore, #tpu.memory_space<semaphore_mem>>)
      } else {
      }
    }
    %barrier3A_74 = arith.constant 0 : index
    tpu.barrier barrier_id(%barrier3A_74)
    %eq3A_75 = arith.constant 0 : i32
    %eq3A_76 = arith.cmpi eq, %arg0, %eq3A_75 : i32
    %convert_element_type3A_77 = arith.extui %eq3A_76 : i1 to i32
    %cond3A_78 = arith.constant 0 : i32
    %cond3A_79 = arith.cmpi ne, %convert_element_type3A_77, %cond3A_78 : i32
    scf.if %cond3A_79 {
      "tpu.region"() ({
        %run_scoped3A = tpu.sem_alloc : memref<!tpu.dma_semaphore, #tpu.memory_space<semaphore_mem>>
        %dma_start3A_85 = arith.constant 0 : i32
        %dma_start3A_86 = tpu.memref_slice %arg8[%mul3A_0, %dma_start3A_85] : memref<10000x32xf32, #tpu.memory_space<hbm>> -> memref<625x32xf32, #tpu.memory_space<hbm>>
        %dma_start3A_87 = arith.constant 0 : i32
        %dma_start3A_88 = tpu.memref_slice %arg17[%mul3A_0, %dma_start3A_87] : memref<10000x32xf32, #tpu.memory_space<vmem_shared>> -> memref<625x32xf32, #tpu.memory_space<vmem_shared>>
        tpu.enqueue_dma source(%dma_start3A_88 : memref<625x32xf32, #tpu.memory_space<vmem_shared>>) target(%dma_start3A_86 : memref<625x32xf32, #tpu.memory_space<hbm>>) target_semaphore(%run_scoped3A : memref<!tpu.dma_semaphore, #tpu.memory_space<semaphore_mem>>)
        %dma_wait3A = arith.constant 0 : i32
        %dma_wait3A_89 = tpu.memref_slice %arg8[%mul3A_0, %dma_wait3A] : memref<10000x32xf32, #tpu.memory_space<hbm>> -> memref<625x32xf32, #tpu.memory_space<hbm>>
        %dma_wait3A_90 = arith.constant 0 : i32
        %dma_wait3A_91 = tpu.memref_slice %arg17[%mul3A_0, %dma_wait3A_90] : memref<10000x32xf32, #tpu.memory_space<vmem_shared>> -> memref<625x32xf32, #tpu.memory_space<vmem_shared>>
        tpu.wait_dma2 semaphore(%run_scoped3A : memref<!tpu.dma_semaphore, #tpu.memory_space<semaphore_mem>>) src(%dma_wait3A_91 : memref<625x32xf32, #tpu.memory_space<vmem_shared>>) dst(%dma_wait3A_89 : memref<625x32xf32, #tpu.memory_space<hbm>>)
        tpu.yield
      }) : () -> ()
    } else {
    }
    %eq3A_80 = arith.constant 1 : i32
    %eq3A_81 = arith.cmpi eq, %arg0, %eq3A_80 : i32
    %convert_element_type3A_82 = arith.extui %eq3A_81 : i1 to i32
    %cond3A_83 = arith.constant 0 : i32
    %cond3A_84 = arith.cmpi ne, %convert_element_type3A_82, %cond3A_83 : i32
    scf.if %cond3A_84 {
      "tpu.region"() ({
        %run_scoped3A = tpu.sem_alloc : memref<!tpu.dma_semaphore, #tpu.memory_space<semaphore_mem>>
        %dma_start3A_85 = arith.constant 0 : i32
        %dma_start3A_86 = tpu.memref_slice %arg9[%mul3A_0, %dma_start3A_85] : memref<10000x32xf32, #tpu.memory_space<hbm>> -> memref<625x32xf32, #tpu.memory_space<hbm>>
        %dma_start3A_87 = arith.constant 0 : i32
        %dma_start3A_88 = tpu.memref_slice %arg17[%mul3A_0, %dma_start3A_87] : memref<10000x32xf32, #tpu.memory_space<vmem_shared>> -> memref<625x32xf32, #tpu.memory_space<vmem_shared>>
        tpu.enqueue_dma source(%dma_start3A_88 : memref<625x32xf32, #tpu.memory_space<vmem_shared>>) target(%dma_start3A_86 : memref<625x32xf32, #tpu.memory_space<hbm>>) target_semaphore(%run_scoped3A : memref<!tpu.dma_semaphore, #tpu.memory_space<semaphore_mem>>)
        %dma_wait3A = arith.constant 0 : i32
        %dma_wait3A_89 = tpu.memref_slice %arg9[%mul3A_0, %dma_wait3A] : memref<10000x32xf32, #tpu.memory_space<hbm>> -> memref<625x32xf32, #tpu.memory_space<hbm>>
        %dma_wait3A_90 = arith.constant 0 : i32
        %dma_wait3A_91 = tpu.memref_slice %arg17[%mul3A_0, %dma_wait3A_90] : memref<10000x32xf32, #tpu.memory_space<vmem_shared>> -> memref<625x32xf32, #tpu.memory_space<vmem_shared>>
        tpu.wait_dma2 semaphore(%run_scoped3A : memref<!tpu.dma_semaphore, #tpu.memory_space<semaphore_mem>>) src(%dma_wait3A_91 : memref<625x32xf32, #tpu.memory_space<vmem_shared>>) dst(%dma_wait3A_89 : memref<625x32xf32, #tpu.memory_space<hbm>>)
        tpu.yield
      }) : () -> ()
    } else {
    }
    return
  }
}

module attributes {stable_mosaic.version = 14 : i64} {
  func.func @body(%arg0: i32, %arg1: memref<1000x128xf32, #tpu.memory_space<vmem>>, %arg2: memref<128x128xf32, #tpu.memory_space<vmem>>, %arg3: memref<1000x32xf32, #tpu.memory_space<vmem>>, %arg4: memref<1000x32xf32, #tpu.memory_space<vmem>>, %arg5: memref<1000x32xf32, #tpu.memory_space<vmem>>, %arg6: memref<1000x32xf32, #tpu.memory_space<vmem>>) attributes {dimension_semantics = [#tpu.dimension_semantics<arbitrary>], iteration_bounds = array<i64: 10>, scalar_prefetch = 0 : i64, scratch_operands = 0 : i64, tpu.core_type = #tpu.core_type<tc>, window_params = [{transform_indices = @transform_0, window_bounds = array<i64: 1000, 128>}, {pipeline_mode = #tpu.pipeline_mode<synchronous>, transform_indices = @transform_1, window_bounds = array<i64: 128, 128>}, {transform_indices = @transform_2, window_bounds = array<i64: 1000, 32>}, {transform_indices = @transform_3, window_bounds = array<i64: 1000, 32>}, {transform_indices = @transform_4, window_bounds = array<i64: 1000, 32>}, {transform_indices = @transform_5, window_bounds = array<i64: 1000, 32>}]} {
    %get3A = arith.constant 0 : index
    %get3A_0 = arith.constant 0 : index
    %get3A_1 = vector.load %arg1[%get3A, %get3A_0] : memref<1000x128xf32, #tpu.memory_space<vmem>>, vector<1000x128xf32>
    %get3A_2 = arith.constant 0 : index
    %get3A_3 = arith.constant 0 : index
    %get3A_4 = vector.load %arg2[%get3A_2, %get3A_3] : memref<128x128xf32, #tpu.memory_space<vmem>>, vector<128x128xf32>
    %dot_general3A = arith.constant dense<0.000000e+00> : vector<1000x128xf32>
    %dot_general3A_5 = tpu.matmul %get3A_1, %get3A_4, %dot_general3A {dimension_numbers = #tpu.dot_dimension_numbers<[1], [0], [0], [1], [0, 0, 1, 1], [], []>, transpose_lhs_hint = false} : vector<1000x128xf32>, vector<128x128xf32>, vector<1000x128xf32> -> vector<1000x128xf32>
    %slice3A = vector.extract_strided_slice %dot_general3A_5 {offsets = [0, 0], sizes = [1000, 32], strides = [1, 1]} : vector<1000x128xf32> to vector<1000x32xf32>
    %swap3A = arith.constant 0 : index
    %swap3A_6 = arith.constant 0 : index
    %swap3A_7 = vector.load %arg3[%swap3A, %swap3A_6] : memref<1000x32xf32, #tpu.memory_space<vmem>>, vector<1000x32xf32>
    tpu.vector_store %arg3[%swap3A, %swap3A_6], %slice3A {strides = array<i32>} : memref<1000x32xf32, #tpu.memory_space<vmem>>, vector<1000x32xf32>,
    %slice3A_8 = vector.extract_strided_slice %dot_general3A_5 {offsets = [0, 32], sizes = [1000, 32], strides = [1, 1]} : vector<1000x128xf32> to vector<1000x32xf32>
    %swap3A_9 = arith.constant 0 : index
    %swap3A_10 = arith.constant 0 : index
    %swap3A_11 = vector.load %arg4[%swap3A_9, %swap3A_10] : memref<1000x32xf32, #tpu.memory_space<vmem>>, vector<1000x32xf32>
    tpu.vector_store %arg4[%swap3A_9, %swap3A_10], %slice3A_8 {strides = array<i32>} : memref<1000x32xf32, #tpu.memory_space<vmem>>, vector<1000x32xf32>,
    %slice3A_12 = vector.extract_strided_slice %dot_general3A_5 {offsets = [0, 64], sizes = [1000, 32], strides = [1, 1]} : vector<1000x128xf32> to vector<1000x32xf32>
    %swap3A_13 = arith.constant 0 : index
    %swap3A_14 = arith.constant 0 : index
    %swap3A_15 = vector.load %arg5[%swap3A_13, %swap3A_14] : memref<1000x32xf32, #tpu.memory_space<vmem>>, vector<1000x32xf32>
    tpu.vector_store %arg5[%swap3A_13, %swap3A_14], %slice3A_12 {strides = array<i32>} : memref<1000x32xf32, #tpu.memory_space<vmem>>, vector<1000x32xf32>,
    %slice3A_16 = vector.extract_strided_slice %dot_general3A_5 {offsets = [0, 96], sizes = [1000, 32], strides = [1, 1]} : vector<1000x128xf32> to vector<1000x32xf32>
    %swap3A_17 = arith.constant 0 : index
    %swap3A_18 = arith.constant 0 : index
    %swap3A_19 = vector.load %arg6[%swap3A_17, %swap3A_18] : memref<1000x32xf32, #tpu.memory_space<vmem>>, vector<1000x32xf32>
    tpu.vector_store %arg6[%swap3A_17, %swap3A_18], %slice3A_16 {strides = array<i32>} : memref<1000x32xf32, #tpu.memory_space<vmem>>, vector<1000x32xf32>,
    return
  }
  func.func @transform_0(%arg0: i32) -> (i32, i32) {
    %c0_i32 = arith.constant 0 : i32
    %c0_i32_0 = arith.constant 0 : i32
    return %arg0, %c0_i32 : i32, i32
  }
  func.func @transform_1(%arg0: i32) -> (i32, i32) {
    %c0_i32 = arith.constant 0 : i32
    %c0_i32_0 = arith.constant 0 : i32
    %c0_i32_1 = arith.constant 0 : i32
    return %c0_i32, %c0_i32_0 : i32, i32
  }
  func.func @transform_2(%arg0: i32) -> (i32, i32) {
    %c0_i32 = arith.constant 0 : i32
    %c0_i32_0 = arith.constant 0 : i32
    return %arg0, %c0_i32 : i32, i32
  }
  func.func @transform_3(%arg0: i32) -> (i32, i32) {
    %c0_i32 = arith.constant 0 : i32
    %c0_i32_0 = arith.constant 0 : i32
    return %arg0, %c0_i32 : i32, i32
  }
  func.func @transform_4(%arg0: i32) -> (i32, i32) {
    %c0_i32 = arith.constant 0 : i32
    %c0_i32_0 = arith.constant 0 : i32
    return %arg0, %c0_i32 : i32, i32
  }
  func.func @transform_5(%arg0: i32) -> (i32, i32) {
    %c0_i32 = arith.constant 0 : i32
    %c0_i32_0 = arith.constant 0 : i32
    return %arg0, %c0_i32 : i32, i32
  }
}

module attributes {stable_mosaic.version = 14 : i64} {
  func.func @body(%arg0: i32, %arg1: memref<1000x32xf32, #tpu.memory_space<vmem>>, %arg2: memref<1000x32xf32, #tpu.memory_space<vmem>>, %arg3: memref<1000x32xf32, #tpu.memory_space<vmem>>, %arg4: memref<1000x32xf32, #tpu.memory_space<vmem>>, %arg5: memref<1000x32xf32, #tpu.memory_space<vmem>>, %arg6: memref<1000x32xf32, #tpu.memory_space<vmem>>, %arg7: memref<1000x32xf32, #tpu.memory_space<vmem>>, %arg8: memref<1000x32xf32, #tpu.memory_space<vmem>>, %arg9: memref<1000x16xf32, #tpu.memory_space<vmem>>, %arg10: memref<1x128xf32, #tpu.memory_space<vmem>>, %arg11: memref<128x64xf32, #tpu.memory_space<vmem>>, %arg12: memref<1000x32xf32, #tpu.memory_space<vmem>>, %arg13: memref<1000x32xf32, #tpu.memory_space<vmem>>) attributes {dimension_semantics = [#tpu.dimension_semantics<arbitrary>], iteration_bounds = array<i64: 10>, scalar_prefetch = 0 : i64, scratch_operands = 0 : i64, tpu.core_type = #tpu.core_type<tc>, window_params = [{transform_indices = @transform_0, window_bounds = array<i64: 1000, 32>}, {transform_indices = @transform_1, window_bounds = array<i64: 1000, 32>}, {transform_indices = @transform_2, window_bounds = array<i64: 1000, 32>}, {transform_indices = @transform_3, window_bounds = array<i64: 1000, 32>}, {transform_indices = @transform_4, window_bounds = array<i64: 1000, 32>}, {transform_indices = @transform_5, window_bounds = array<i64: 1000, 32>}, {transform_indices = @transform_6, window_bounds = array<i64: 1000, 32>}, {transform_indices = @transform_7, window_bounds = array<i64: 1000, 32>}, {transform_indices = @transform_8, window_bounds = array<i64: 1000, 16>}, {pipeline_mode = #tpu.pipeline_mode<synchronous>, transform_indices = @transform_9, window_bounds = array<i64: 1, 128>}, {pipeline_mode = #tpu.pipeline_mode<synchronous>, transform_indices = @transform_10, window_bounds = array<i64: 128, 64>}, {transform_indices = @transform_11, window_bounds = array<i64: 1000, 32>}, {transform_indices = @transform_12, window_bounds = array<i64: 1000, 32>}]} {
    %get3A = arith.constant 0 : index
    %get3A_0 = arith.constant 0 : index
    %get3A_1 = vector.load %arg9[%get3A, %get3A_0] : memref<1000x16xf32, #tpu.memory_space<vmem>>, vector<1000x16xf32>
    %slice3A = vector.extract_strided_slice %get3A_1 {offsets = [0, 0], sizes = [1000, 1], strides = [1, 1]} : vector<1000x16xf32> to vector<1000x1xf32>
    %add3A = arith.constant 1.000000e+00 : f32
    %add3A_2 = vector.broadcast %add3A : f32 to vector<1000x1xf32>
    %add3A_3 = arith.addf %slice3A, %add3A_2 : vector<1000x1xf32>
    %get3A_4 = arith.constant 0 : index
    %get3A_5 = arith.constant 0 : index
    %get3A_6 = vector.load %arg10[%get3A_4, %get3A_5] : memref<1x128xf32, #tpu.memory_space<vmem>>, vector<1x128xf32>
    %get3A_7 = arith.constant 0 : index
    %get3A_8 = arith.constant 0 : index
    %get3A_9 = vector.load %arg1[%get3A_7, %get3A_8] : memref<1000x32xf32, #tpu.memory_space<vmem>>, vector<1000x32xf32>
    %get3A_10 = arith.constant 0 : index
    %get3A_11 = arith.constant 0 : index
    %get3A_12 = vector.load %arg5[%get3A_10, %get3A_11] : memref<1000x32xf32, #tpu.memory_space<vmem>>, vector<1000x32xf32>
    %add3A_13 = arith.addf %get3A_9, %get3A_12 : vector<1000x32xf32>
    %div3A = vector.broadcast %add3A_3 : vector<1000x1xf32> to vector<1000x32xf32>
    %div3A_14 = arith.divf %add3A_13, %div3A : vector<1000x32xf32>
    %slice3A_15 = vector.extract_strided_slice %get3A_6 {offsets = [0, 0], sizes = [1, 32], strides = [1, 1]} : vector<1x128xf32> to vector<1x32xf32>
    %add3A_16 = vector.broadcast %slice3A_15 : vector<1x32xf32> to vector<1000x32xf32>
    %add3A_17 = arith.addf %div3A_14, %add3A_16 : vector<1000x32xf32>
    %get3A_18 = arith.constant 0 : index
    %get3A_19 = arith.constant 0 : index
    %get3A_20 = vector.load %arg2[%get3A_18, %get3A_19] : memref<1000x32xf32, #tpu.memory_space<vmem>>, vector<1000x32xf32>
    %get3A_21 = arith.constant 0 : index
    %get3A_22 = arith.constant 0 : index
    %get3A_23 = vector.load %arg6[%get3A_21, %get3A_22] : memref<1000x32xf32, #tpu.memory_space<vmem>>, vector<1000x32xf32>
    %add3A_24 = arith.addf %get3A_20, %get3A_23 : vector<1000x32xf32>
    %div3A_25 = vector.broadcast %add3A_3 : vector<1000x1xf32> to vector<1000x32xf32>
    %div3A_26 = arith.divf %add3A_24, %div3A_25 : vector<1000x32xf32>
    %slice3A_27 = vector.extract_strided_slice %get3A_6 {offsets = [0, 32], sizes = [1, 32], strides = [1, 1]} : vector<1x128xf32> to vector<1x32xf32>
    %add3A_28 = vector.broadcast %slice3A_27 : vector<1x32xf32> to vector<1000x32xf32>
    %add3A_29 = arith.addf %div3A_26, %add3A_28 : vector<1000x32xf32>
    %get3A_30 = arith.constant 0 : index
    %get3A_31 = arith.constant 0 : index
    %get3A_32 = vector.load %arg3[%get3A_30, %get3A_31] : memref<1000x32xf32, #tpu.memory_space<vmem>>, vector<1000x32xf32>
    %get3A_33 = arith.constant 0 : index
    %get3A_34 = arith.constant 0 : index
    %get3A_35 = vector.load %arg7[%get3A_33, %get3A_34] : memref<1000x32xf32, #tpu.memory_space<vmem>>, vector<1000x32xf32>
    %add3A_36 = arith.addf %get3A_32, %get3A_35 : vector<1000x32xf32>
    %div3A_37 = vector.broadcast %add3A_3 : vector<1000x1xf32> to vector<1000x32xf32>
    %div3A_38 = arith.divf %add3A_36, %div3A_37 : vector<1000x32xf32>
    %slice3A_39 = vector.extract_strided_slice %get3A_6 {offsets = [0, 64], sizes = [1, 32], strides = [1, 1]} : vector<1x128xf32> to vector<1x32xf32>
    %add3A_40 = vector.broadcast %slice3A_39 : vector<1x32xf32> to vector<1000x32xf32>
    %add3A_41 = arith.addf %div3A_38, %add3A_40 : vector<1000x32xf32>
    %get3A_42 = arith.constant 0 : index
    %get3A_43 = arith.constant 0 : index
    %get3A_44 = vector.load %arg4[%get3A_42, %get3A_43] : memref<1000x32xf32, #tpu.memory_space<vmem>>, vector<1000x32xf32>
    %get3A_45 = arith.constant 0 : index
    %get3A_46 = arith.constant 0 : index
    %get3A_47 = vector.load %arg8[%get3A_45, %get3A_46] : memref<1000x32xf32, #tpu.memory_space<vmem>>, vector<1000x32xf32>
    %add3A_48 = arith.addf %get3A_44, %get3A_47 : vector<1000x32xf32>
    %div3A_49 = vector.broadcast %add3A_3 : vector<1000x1xf32> to vector<1000x32xf32>
    %div3A_50 = arith.divf %add3A_48, %div3A_49 : vector<1000x32xf32>
    %slice3A_51 = vector.extract_strided_slice %get3A_6 {offsets = [0, 96], sizes = [1, 32], strides = [1, 1]} : vector<1x128xf32> to vector<1x32xf32>
    %add3A_52 = vector.broadcast %slice3A_51 : vector<1x32xf32> to vector<1000x32xf32>
    %add3A_53 = arith.addf %div3A_50, %add3A_52 : vector<1000x32xf32>
    %concatenate3A = tpu.concatenate %add3A_17, %add3A_29, %add3A_41, %add3A_53 in 1 : vector<1000x32xf32>, vector<1000x32xf32>, vector<1000x32xf32>, vector<1000x32xf32> -> vector<1000x128xf32>
    %max3A = arith.constant 0.000000e+00 : f32
    %max3A_54 = vector.broadcast %max3A : f32 to vector<1000x128xf32>
    %max3A_55 = arith.maximumf %concatenate3A, %max3A_54 : vector<1000x128xf32>
    %get3A_56 = arith.constant 0 : index
    %get3A_57 = arith.constant 0 : index
    %get3A_58 = vector.load %arg11[%get3A_56, %get3A_57] : memref<128x64xf32, #tpu.memory_space<vmem>>, vector<128x64xf32>
    %dot_general3A = arith.constant dense<0.000000e+00> : vector<1000x64xf32>
    %dot_general3A_59 = tpu.matmul %max3A_55, %get3A_58, %dot_general3A {dimension_numbers = #tpu.dot_dimension_numbers<[1], [0], [0], [1], [0, 0, 1, 1], [], []>, transpose_lhs_hint = false} : vector<1000x128xf32>, vector<128x64xf32>, vector<1000x64xf32> -> vector<1000x64xf32>
    %slice3A_60 = vector.extract_strided_slice %dot_general3A_59 {offsets = [0, 0], sizes = [1000, 32], strides = [1, 1]} : vector<1000x64xf32> to vector<1000x32xf32>
    %swap3A = arith.constant 0 : index
    %swap3A_61 = arith.constant 0 : index
    %swap3A_62 = vector.load %arg12[%swap3A, %swap3A_61] : memref<1000x32xf32, #tpu.memory_space<vmem>>, vector<1000x32xf32>
    tpu.vector_store %arg12[%swap3A, %swap3A_61], %slice3A_60 {strides = array<i32>} : memref<1000x32xf32, #tpu.memory_space<vmem>>, vector<1000x32xf32>,
    %slice3A_63 = vector.extract_strided_slice %dot_general3A_59 {offsets = [0, 32], sizes = [1000, 32], strides = [1, 1]} : vector<1000x64xf32> to vector<1000x32xf32>
    %swap3A_64 = arith.constant 0 : index
    %swap3A_65 = arith.constant 0 : index
    %swap3A_66 = vector.load %arg13[%swap3A_64, %swap3A_65] : memref<1000x32xf32, #tpu.memory_space<vmem>>, vector<1000x32xf32>
    tpu.vector_store %arg13[%swap3A_64, %swap3A_65], %slice3A_63 {strides = array<i32>} : memref<1000x32xf32, #tpu.memory_space<vmem>>, vector<1000x32xf32>,
    return
  }
  func.func @transform_0(%arg0: i32) -> (i32, i32) {
    %c0_i32 = arith.constant 0 : i32
    %c0_i32_0 = arith.constant 0 : i32
    return %arg0, %c0_i32 : i32, i32
  }
  func.func @transform_1(%arg0: i32) -> (i32, i32) {
    %c0_i32 = arith.constant 0 : i32
    %c0_i32_0 = arith.constant 0 : i32
    return %arg0, %c0_i32 : i32, i32
  }
  func.func @transform_2(%arg0: i32) -> (i32, i32) {
    %c0_i32 = arith.constant 0 : i32
    %c0_i32_0 = arith.constant 0 : i32
    return %arg0, %c0_i32 : i32, i32
  }
  func.func @transform_3(%arg0: i32) -> (i32, i32) {
    %c0_i32 = arith.constant 0 : i32
    %c0_i32_0 = arith.constant 0 : i32
    return %arg0, %c0_i32 : i32, i32
  }
  func.func @transform_4(%arg0: i32) -> (i32, i32) {
    %c0_i32 = arith.constant 0 : i32
    %c0_i32_0 = arith.constant 0 : i32
    return %arg0, %c0_i32 : i32, i32
  }
  func.func @transform_5(%arg0: i32) -> (i32, i32) {
    %c0_i32 = arith.constant 0 : i32
    %c0_i32_0 = arith.constant 0 : i32
    return %arg0, %c0_i32 : i32, i32
  }
  func.func @transform_6(%arg0: i32) -> (i32, i32) {
    %c0_i32 = arith.constant 0 : i32
    %c0_i32_0 = arith.constant 0 : i32
    return %arg0, %c0_i32 : i32, i32
  }
  func.func @transform_7(%arg0: i32) -> (i32, i32) {
    %c0_i32 = arith.constant 0 : i32
    %c0_i32_0 = arith.constant 0 : i32
    return %arg0, %c0_i32 : i32, i32
  }
  func.func @transform_8(%arg0: i32) -> (i32, i32) {
    %c0_i32 = arith.constant 0 : i32
    %c0_i32_0 = arith.constant 0 : i32
    return %arg0, %c0_i32 : i32, i32
  }
  func.func @transform_9(%arg0: i32) -> (i32, i32) {
    %c0_i32 = arith.constant 0 : i32
    %c0_i32_0 = arith.constant 0 : i32
    %c0_i32_1 = arith.constant 0 : i32
    return %c0_i32, %c0_i32_0 : i32, i32
  }
  func.func @transform_10(%arg0: i32) -> (i32, i32) {
    %c0_i32 = arith.constant 0 : i32
    %c0_i32_0 = arith.constant 0 : i32
    %c0_i32_1 = arith.constant 0 : i32
    return %c0_i32, %c0_i32_0 : i32, i32
  }
  func.func @transform_11(%arg0: i32) -> (i32, i32) {
    %c0_i32 = arith.constant 0 : i32
    %c0_i32_0 = arith.constant 0 : i32
    return %arg0, %c0_i32 : i32, i32
  }
  func.func @transform_12(%arg0: i32) -> (i32, i32) {
    %c0_i32 = arith.constant 0 : i32
    %c0_i32_0 = arith.constant 0 : i32
    return %arg0, %c0_i32 : i32, i32
  }
}

module attributes {stable_mosaic.version = 14 : i64} {
  func.func @body(%arg0: i32, %arg1: memref<1000x32xf32, #tpu.memory_space<vmem>>, %arg2: memref<1000x32xf32, #tpu.memory_space<vmem>>, %arg3: memref<1000x32xf32, #tpu.memory_space<vmem>>, %arg4: memref<1000x32xf32, #tpu.memory_space<vmem>>, %arg5: memref<1000x16xf32, #tpu.memory_space<vmem>>, %arg6: memref<1x64xf32, #tpu.memory_space<vmem>>, %arg7: memref<1000x64xf32, #tpu.memory_space<vmem>>) attributes {dimension_semantics = [#tpu.dimension_semantics<arbitrary>], iteration_bounds = array<i64: 10>, scalar_prefetch = 0 : i64, scratch_operands = 0 : i64, tpu.core_type = #tpu.core_type<tc>, window_params = [{transform_indices = @transform_0, window_bounds = array<i64: 1000, 32>}, {transform_indices = @transform_1, window_bounds = array<i64: 1000, 32>}, {transform_indices = @transform_2, window_bounds = array<i64: 1000, 32>}, {transform_indices = @transform_3, window_bounds = array<i64: 1000, 32>}, {transform_indices = @transform_4, window_bounds = array<i64: 1000, 16>}, {pipeline_mode = #tpu.pipeline_mode<synchronous>, transform_indices = @transform_5, window_bounds = array<i64: 1, 64>}, {transform_indices = @transform_6, window_bounds = array<i64: 1000, 64>}]} {
    %get3A = arith.constant 0 : index
    %get3A_0 = arith.constant 0 : index
    %get3A_1 = vector.load %arg5[%get3A, %get3A_0] : memref<1000x16xf32, #tpu.memory_space<vmem>>, vector<1000x16xf32>
    %slice3A = vector.extract_strided_slice %get3A_1 {offsets = [0, 0], sizes = [1000, 1], strides = [1, 1]} : vector<1000x16xf32> to vector<1000x1xf32>
    %add3A = arith.constant 1.000000e+00 : f32
    %add3A_2 = vector.broadcast %add3A : f32 to vector<1000x1xf32>
    %add3A_3 = arith.addf %slice3A, %add3A_2 : vector<1000x1xf32>
    %get3A_4 = arith.constant 0 : index
    %get3A_5 = arith.constant 0 : index
    %get3A_6 = vector.load %arg6[%get3A_4, %get3A_5] : memref<1x64xf32, #tpu.memory_space<vmem>>, vector<1x64xf32>
    %get3A_7 = arith.constant 0 : index
    %get3A_8 = arith.constant 0 : index
    %get3A_9 = vector.load %arg1[%get3A_7, %get3A_8] : memref<1000x32xf32, #tpu.memory_space<vmem>>, vector<1000x32xf32>
    %get3A_10 = arith.constant 0 : index
    %get3A_11 = arith.constant 0 : index
    %get3A_12 = vector.load %arg3[%get3A_10, %get3A_11] : memref<1000x32xf32, #tpu.memory_space<vmem>>, vector<1000x32xf32>
    %add3A_13 = arith.addf %get3A_9, %get3A_12 : vector<1000x32xf32>
    %div3A = vector.broadcast %add3A_3 : vector<1000x1xf32> to vector<1000x32xf32>
    %div3A_14 = arith.divf %add3A_13, %div3A : vector<1000x32xf32>
    %slice3A_15 = vector.extract_strided_slice %get3A_6 {offsets = [0, 0], sizes = [1, 32], strides = [1, 1]} : vector<1x64xf32> to vector<1x32xf32>
    %add3A_16 = vector.broadcast %slice3A_15 : vector<1x32xf32> to vector<1000x32xf32>
    %add3A_17 = arith.addf %div3A_14, %add3A_16 : vector<1000x32xf32>
    %get3A_18 = arith.constant 0 : index
    %get3A_19 = arith.constant 0 : index
    %get3A_20 = vector.load %arg2[%get3A_18, %get3A_19] : memref<1000x32xf32, #tpu.memory_space<vmem>>, vector<1000x32xf32>
    %get3A_21 = arith.constant 0 : index
    %get3A_22 = arith.constant 0 : index
    %get3A_23 = vector.load %arg4[%get3A_21, %get3A_22] : memref<1000x32xf32, #tpu.memory_space<vmem>>, vector<1000x32xf32>
    %add3A_24 = arith.addf %get3A_20, %get3A_23 : vector<1000x32xf32>
    %div3A_25 = vector.broadcast %add3A_3 : vector<1000x1xf32> to vector<1000x32xf32>
    %div3A_26 = arith.divf %add3A_24, %div3A_25 : vector<1000x32xf32>
    %slice3A_27 = vector.extract_strided_slice %get3A_6 {offsets = [0, 32], sizes = [1, 32], strides = [1, 1]} : vector<1x64xf32> to vector<1x32xf32>
    %add3A_28 = vector.broadcast %slice3A_27 : vector<1x32xf32> to vector<1000x32xf32>
    %add3A_29 = arith.addf %div3A_26, %add3A_28 : vector<1000x32xf32>
    %concatenate3A = tpu.concatenate %add3A_17, %add3A_29 in 1 : vector<1000x32xf32>, vector<1000x32xf32> -> vector<1000x64xf32>
    %swap3A = arith.constant 0 : index
    %swap3A_30 = arith.constant 0 : index
    %swap3A_31 = vector.load %arg7[%swap3A, %swap3A_30] : memref<1000x64xf32, #tpu.memory_space<vmem>>, vector<1000x64xf32>
    tpu.vector_store %arg7[%swap3A, %swap3A_30], %concatenate3A {strides = array<i32>} : memref<1000x64xf32, #tpu.memory_space<vmem>>, vector<1000x64xf32>,
    return
  }
  func.func @transform_0(%arg0: i32) -> (i32, i32) {
    %c0_i32 = arith.constant 0 : i32
    %c0_i32_0 = arith.constant 0 : i32
    return %arg0, %c0_i32 : i32, i32
  }
  func.func @transform_1(%arg0: i32) -> (i32, i32) {
    %c0_i32 = arith.constant 0 : i32
    %c0_i32_0 = arith.constant 0 : i32
    return %arg0, %c0_i32 : i32, i32
  }
  func.func @transform_2(%arg0: i32) -> (i32, i32) {
    %c0_i32 = arith.constant 0 : i32
    %c0_i32_0 = arith.constant 0 : i32
    return %arg0, %c0_i32 : i32, i32
  }
  func.func @transform_3(%arg0: i32) -> (i32, i32) {
    %c0_i32 = arith.constant 0 : i32
    %c0_i32_0 = arith.constant 0 : i32
    return %arg0, %c0_i32 : i32, i32
  }
  func.func @transform_4(%arg0: i32) -> (i32, i32) {
    %c0_i32 = arith.constant 0 : i32
    %c0_i32_0 = arith.constant 0 : i32
    return %arg0, %c0_i32 : i32, i32
  }
  func.func @transform_5(%arg0: i32) -> (i32, i32) {
    %c0_i32 = arith.constant 0 : i32
    %c0_i32_0 = arith.constant 0 : i32
    %c0_i32_1 = arith.constant 0 : i32
    return %c0_i32, %c0_i32_0 : i32, i32
  }
  func.func @transform_6(%arg0: i32) -> (i32, i32) {
    %c0_i32 = arith.constant 0 : i32
    %c0_i32_0 = arith.constant 0 : i32
    return %arg0, %c0_i32 : i32, i32
  }
}

</mosaic_0001>

<sc_bundles>
// kernel: kernel.10.cloned.1.call-start
scs
__scs_entry_jumppad:
0x0: {  	(pc) =	sbr.rel $0x88, $3  }
0x1: {  	(tag) =	ssettag $0x0;
	lr =	simm.s32 $0x1  }
0x2: {  	[smem:$0x3F9B] =	sst lr;
	_ =	strace $0xD0000000  }
0x3: {  	_ = 	snop  }
0x4: {  	_ = 	snop  }
0x5: {  	_ = 	snop  }
0x6: {  	_ = 	snop  }
0x7: {  	_ = 	snop  }
__scs_overlays_trampoline_lowered:
0x8: {  	[smem:$0x3FAA] =	sst s0  }
0x9: {  	[smem:$0x3FAB] =	sst s1  }
0xa: {  	[smem:$0x3FAC] =	sst s2  }
0xb: {  	[smem:$0x3FAD] =	sst s3  }
0xc: {  	[smem:$0x3FAE] =	sst s4  }
0xd: {  	[smem:$0x3FAF] =	sst s5  }
0xe: {  	[smem:$0x3FB0] =	sst s6  }
0xf: {  	[smem:$0x3FB1] =	sst s7  }
0x10: {  	[smem:$0x3FB2] =	sst s8  }
0x11: {  	[smem:$0x3FB3] =	sst s9;
	s0 =	simm.s32 @!p0 $0x0  }
0x12: {  	s1 =	sld [smem:$0x3F99];
	s0 =	simm.s32 @p0 $0x1  }
0x13: {  	[smem:$0x3FB4] =	sst s0;
	s0 =	simm.s32 @!p1 $0x0  }
0x14: {  	s2 =	sld [smem:$0x3F98];
	s0 =	simm.s32 @p1 $0x1  }
0x15: {  	[smem:$0x3FB5] =	sst s0;
	s0 =	simm.s32 @!p2 $0x0  }
0x16: {  	s3 =	sld [smem:$0x3FDB];
	s0 =	simm.s32 @p2 $0x1  }
0x17: {  	s4 =	simm.s32 $0x1BF5;
	[smem:$0x3FB7] =	sst s0  }
0x18: {  	s0 =	sld [smem:$0x3F9A];
	_ =	swait.ge [sflag:s4], $0x0  }
0x19: {  	s7 =	sld [smem:$0x3F9B]  }
0x1a: {  	s8 =	sadd.s32 $0xFFFFE003, lr  }
0x1b: {  	s9 =	sadd.s32 $0xFFFFFEF7, lr;
	s5 =	simm.s32 $0xFFFFFFFF;
	p2 =	slt.u32 s8, $0xFFFFF086  }
0x1c: {  	p1 =	slt.u32 s9, $0xF7A;
	s5 =	simm.s32 @!p2 $0x0  }
0x1d: {  	s5 =	simm.s32 @p1 $0x1;
	p0 =	seq.s32 s7, s2  }
0x1e: {  	s7 =	smul.u32 @!p0 $0xF7A, s2;
	p2 =	seq.s32 @!p0 s5, $0x0  }
0x1f: {  	s9 =	smul.u32 $0xF7A, s1;
	s8 =	simm.s32 @!p0 $0x1BF5;
	p2 =	por !p2, p0  }
0x20: {  	[sflag:s8] =	ssyncset.s32 @!p0 $0xFFFFF086;
	s6 =	sadd.s32 @!p0 s3, s7;
	s7 =	simm.s32 @!p0 $0x108  }
0x21: {  	s3 =	sadd.s32 s3, s9;
	s6 =	sadd.s32 @!p0 $0x88, s6;
	s7 =	simm.s32 @p2 $0x1082  }
0x22: {  	[simem:s7], [sflag:s8] =	dma.local @!p0 [hbm:s6], $0xF7A  }
0x23: {  	s9 =	sor.u32 $0xD0000000, s2;
	s6 =	simm.s32 $0x108;
	_ =	swait.ge @!p0 [sflag:s8], $0x0  }
0x24: {  	s3 =	sadd.s32 $0x88, s3;
	s6 =	simm.s32 @!p1 $0x1082;
	[sflag:s4] =	ssyncset.s32 $0xFFFFF086  }
0x25: {  	[simem:s6], [sflag:s4] =	dma.local [hbm:s3], $0xF7A  }
0x26: {  	[smem:$0x3F9B] =	sst s1;
	(tag) =	ssettag s2;
	_ =	strace s9  }
0x27: {  	s1 =	sld [smem:$0x3FAB]  }
0x28: {  	s2 =	sld [smem:$0x3FAC]  }
0x29: {  	s4 =	sld [smem:$0x3FAE]  }
0x2a: {  	p0 =	seq.s32 s5, $0x0;
	s5 =	sld [smem:$0x3FAF]  }
0x2b: {  	s6 =	sld [smem:$0x3FB0]  }
0x2c: {  	s7 =	sld [smem:$0x3FB1]  }
0x2d: {  	s3 =	simm.s32 $0x108;
	s8 =	sld [smem:$0x3FB2]  }
0x2e: {  	s3 =	simm.s32 @!p0 $0x1082;
	s9 =	sld [smem:$0x3FB3]  }
0x2f: {  	lr =	sadd.s32 s0, s3;
	s0 =	sld [smem:$0x3FAA]  }
0x30: {  	s3 =	sld [smem:$0x3FAD]  }
0x31: {  	[smem:$0x3FB6] =	sst s10  }
0x32: {  	s10 =	sld [smem:$0x3FB4];
	_ =	sdelay $0x3  }
0x33: {  	p0 =	seq.s32 s10, $0x1;
	s10 =	sld [smem:$0x3FB6];
	_ =	sdelay $0x3  }
0x34: {  	[smem:$0x3FB6] =	sst s10  }
0x35: {  	s10 =	sld [smem:$0x3FB5];
	_ =	sdelay $0x3  }
0x36: {  	p1 =	seq.s32 s10, $0x1;
	s10 =	sld [smem:$0x3FB6];
	_ =	sdelay $0x3  }
0x37: {  	[smem:$0x3FB6] =	sst s10  }
0x38: {  	s10 =	sld [smem:$0x3FB7]  }
0x39: {  	_ = 	snop;
	(pc) =	sbr.ind lr, $3  }
0x3a: {  	_ = 	snop  }
0x3b: {  	_ = 	snop  }
0x3c: {  	p2 =	seq.s32 s10, $0x1;
	s10 =	sld [smem:$0x3FB6]  }
0x3d: {  	_ =	shalt  }
0x3e: {  	_ =	shalt  }
0x3f: {  	_ =	shalt  }
0x40: {  	_ =	shalt  }
0x41: {  	_ =	shalt  }
0x42: {  	_ =	shalt  }
0x43: {  	_ =	shalt  }
0x44: {  	_ =	shalt  }
0x45: {  	_ =	shalt  }
0x46: {  	_ =	shalt  }
0x47: {  	_ =	shalt  }
0x48: {  	_ =	shalt  }
0x49: {  	_ =	shalt  }
0x4a: {  	_ =	shalt  }
0x4b: {  	_ =	shalt  }
0x4c: {  	_ =	shalt  }
0x4d: {  	_ =	shalt  }
0x4e: {  	_ =	shalt  }
0x4f: {  	_ =	shalt  }
0x50: {  	_ =	shalt  }
0x51: {  	_ =	shalt  }
0x52: {  	_ =	shalt  }
0x53: {  	_ =	shalt  }
0x54: {  	_ =	shalt  }
0x55: {  	_ =	shalt  }
0x56: {  	_ =	shalt  }
0x57: {  	_ =	shalt  }
0x58: {  	_ =	shalt  }
0x59: {  	_ =	shalt  }
0x5a: {  	_ =	shalt  }
0x5b: {  	_ =	shalt  }
0x5c: {  	_ =	shalt  }
0x5d: {  	_ =	shalt  }
0x5e: {  	_ =	shalt  }
0x5f: {  	_ =	shalt  }
0x60: {  	_ =	shalt  }
0x61: {  	_ =	shalt  }
0x62: {  	_ =	shalt  }
0x63: {  	_ =	shalt  }
0x64: {  	_ =	shalt  }
0x65: {  	_ =	shalt  }
0x66: {  	_ =	shalt  }
0x67: {  	_ =	shalt  }
0x68: {  	_ =	shalt  }
0x69: {  	_ =	shalt  }
0x6a: {  	_ =	shalt  }
0x6b: {  	_ =	shalt  }
0x6c: {  	_ =	shalt  }
0x6d: {  	_ =	shalt  }
0x6e: {  	_ =	shalt  }
0x6f: {  	_ =	shalt  }
0x70: {  	_ =	shalt  }
0x71: {  	_ =	shalt  }
0x72: {  	_ =	shalt  }
0x73: {  	_ =	shalt  }
0x74: {  	_ =	shalt  }
0x75: {  	_ =	shalt  }
0x76: {  	_ =	shalt  }
0x77: {  	_ =	shalt  }
0x78: {  	_ =	shalt  }
0x79: {  	_ =	shalt  }
0x7a: {  	_ =	shalt  }
0x7b: {  	_ =	shalt  }
0x7c: {  	_ =	shalt  }
0x7d: {  	_ =	shalt  }
0x7e: {  	_ =	shalt  }
0x7f: {  	_ =	shalt  }
0x80: {  	_ =	shalt  }
0x81: {  	_ =	shalt  }
0x82: {  	_ =	shalt  }
0x83: {  	_ =	shalt  }
0x84: {  	_ =	shalt  }
0x85: {  	_ =	shalt  }
0x86: {  	_ =	shalt  }
0x87: {  	_ =	shalt  }
.Lfunc_end0:
.L_simem_size_0:
called_computation.1_lowered:
.L_overlay_start_0:
0x88: {  	s2 =	sld [smem:$0x3FD9]  }
0x89: {  	s3 =	sld [smem:$0x3FFE];
	_ =	sdelay $0x1  }
0x8a: {  	s1 =	srdreg.scid  }
0x8b: {  	s0 =	sand.u32 $0x1, s1  }
0x8c: {  	s17 =	sshll.u32 s0, $0xA;
	s2 =	sadd.s32 s3, s2  }
0x8d: {  	s2 =	sadd.s32 s2, s17  }
0x8e: {  	[smem:$0x3FC2] =	sst s2  }
0x8f: {  	_ = 	snop  }
0x90: {  	s2 =	sld [smem:$0x3FD0];
	(tm) =	ssettm $0x1  }
0x91: {  	s18 =	sld [smem:$0x3FFB];
	_ =	sdelay $0x3  }
0x92: {  	_ =	strace s18  }
0x93: {  	s3 =	sld [smem:$0x3FFC];
	_ =	sdelay $0x3  }
0x94: {  	_ =	strace s3  }
0x95: {  	s3 =	sld [smem:$0x3FFD];
	_ =	sdelay $0x3  }
0x96: {  	_ =	strace s3  }
0x97: {  	_ =	strace $0x8FFFFFFF  }
0x98: {  	s19 =	sld [smem:$0x3FDB];
	_ =	sdelay $0x1  }
0x99: {  	s4 =	simm.s32 $_scs_section_size  }
0x9a: {  	s5 =	simm.s32 $_size__tile_overlayer_lowered;
	s6 =	simm.s32 $_tile_overlayer_lowered  }
0x9b: {  	s22 =	simm.s32 $0x1BFF;
	s21 =	sshll.u32 s6, $0x1;
	s3 =	sadd.s32 s4, s19  }
0x9c: {  	s7 =	simm.s32 $0x0;
	s20 =	sshll.u32 s5, $0x1;
	s5 =	sadd.s32 s21, s3  }
0x9d: {  	[timem:s7], [sflag:s22] =	dma.local [hbm:s5], s20  }
0x9e: {  	_ =	swait.ge [sflag:s22], s20  }
0x9f: {  	s4 =	ssub.s32 $0x0, s20;
	[sflag:s22] =	ssyncset.done $0x0  }
0xa0: {  	[sflag:s22] =	ssyncadd.s32 s4;
	_ =	sdelay $0x1  }
0xa1: {  	s23 =	simm.s32 $0x1B8B  }
0xa2: {  	_ =	swait.ge [sflag:s23], $0x1  }
0xa3: {  	[sflag:s23] =	ssyncset.done $0x0  }
0xa4: {  	s25 =	simm.s32 $0x1B8E;
	s24 =	sld [smem:$0x3FFE];
	[sflag:s23] =	ssyncadd.s32 $0xFFFFFFFF  }
0xa5: {  	s26 =	simm.s32 $execute0_lowered;
	[smem:$0x3FD2] =	sst s25  }
0xa6: {  	s5 =	sshll.u32 s26, $0x1;
	_ =	strace $0x80000049;
	[dreg:$0x1] =	wrdreg $0xFFFFFFFF  }
0xa7: {  	s28 =	simm.s32 $_size_execute0_lowered;
	s3 =	sadd.s32 s3, s5;
	[dreg:$0x0] =	wrdreg $0x0  }
0xa8: {  	s5 =	sshll.u32 s28, $0x1;
	[dreg:$0x2] =	wrdreg s3  }
0xa9: {  	[dreg:$0x3] =	wrdreg s5  }
0xaa: {  	[dreg:$0x4] =	wrdreg $0xC0  }
0xab: {  	_ =	task [dreg:s7], $0x5FFFF  }
0xac: {  	[dreg:$0x1] =	wrdreg $0xFFFFFFFF  }
0xad: {  	[dreg:$0x0] =	wrdreg $0x60  }
0xae: {  	[dreg:$0x2] =	wrdreg s24  }
0xaf: {  	[dreg:$0x3] =	wrdreg s2  }
0xb0: {  	[dreg:$0x4] =	wrdreg $0xE0000  }
0xb1: {  	[dreg:$0x5] =	wrdreg $0x12E200  }
0xb2: {  	[dreg:$0x6] =	wrdreg $0x9  }
0xb3: {  	_ =	task.clear_ibuf [dreg:s7], $0x7FFFF;
	_ =	strace $0x90000049  }
0xb4: {  	s29 =	simm.s32 $0x9;
	_ =	strace $0x8000004B  }
0xb5: {  	_ =	swait.ge [sflag:s29], $0x1  }
0xb6: {  	[sflag:s29] =	ssyncadd.s32 $0xFFFFFFFF  }
0xb7: {  	_ =	strace $0x9000004B  }
0xb8: {  	_ =	sfence  }
0xb9: {  	s30 =	sld [smem:$0x0];
	_ =	sdelay $0x2  }
0xba: {  	s31 =	sshll.u32 s1, $0xD;
	s1 =	sshrl.u32 s1, $0x2  }
0xbb: {  	s3 =	sand.u32 $0x4000, s31;
	s1 =	sadd.s32 s1, s30  }
0xbc: {  	s0 =	sor.u32 s3, s0;
	s1 =	sshll.u32 s1, $0x11  }
0xbd: {  	s0 =	sor.u32 s1, s0  }
0xbe: {  	s0 =	sadd.s32 $0x8F2B, s0  }
0xbf: {  	[sflag:s0] =	ssyncadd.remote.s32 $0x1  }
0xc0: {  	_ =	sfence.sel $0xFFFF  }
0xc1: {  	[dreg:$0x0] =	wrdreg $0xFFFFFFFF;
	(pc) =	sbr.abs _section_cstart, $3  }
0xc2: {  	[dreg:$0x1] =	wrdreg $0xFFFFFFFF  }
0xc3: {  	_ =	task.clear_ibuf [dreg:s7], $0x2FFFF;
	_ =	strace $0x9FFFFFFF  }
0xc4: {  	(tm) =	ssettm $0x7FFFFFFF  }
0xc5: {  	_ =	shalt  }
tec
execute0_lowered:
.L_overlay_start_1:
0x0: {  	(tag) =	ssettag $0x1  }
0x1: {  	s0 =	rddreg [dreg:$0x0]  }
0x2: {  	s9 =	rddreg [dreg:$0x1]  }
0x3: {  	s1 =	rddreg [dreg:$0x2]  }
0x4: {  	s2 =	rddreg [dreg:$0x3];
	s3 =	simm.s32 $0x0  }
0x5: {  	s5 =	srdreg.scid;
	s30 =	stileid.u32;
	s19 =	simm.s32 $0xB000  }
0x6: {  	s21 =	simm.s32 $0xC000;
	s23 =	simm.s32 $0xD000;
	s24 =	simm.s32 $0x1  }
0x7: {  	s25 =	simm.s32 $0x2;
	s26 =	simm.s32 $0x3;
	s28 =	simm.s32 $0x4  }
0x8: {  	s29 =	simm.s32 $0x0;
	[smem:$0x7FF] =	sst s3;
	s11 =	sadd.s32 $0x2A200, s0  }
0x9: {  	s12 =	sadd.s32 $0x34000, s0;
	s10 =	sand.u32 $0x1, s5;
	s6 =	smul.u32 $0x5000, s30  }
0xa: {  	s5 =	sadd.s32 $0xC7800, s0;
	s13 =	sadd.s32 $0x47C00, s0;
	s0 =	sadd.s32 $0x3DE00, s0  }
0xb: {  	s15 =	smul.u32 $0x4E20, s30;
	s31 =	sshll.u32 s30, $0x6;
	s7 =	ssub.s32 $0x2, s10  }
0xc: {  	_ =	strace $0x8000004A;
	p0 =	seq.s32 s10, $0x0;
	s8 =	sshrl.u32 s7, $0x1  }
0xd: {  	s6 =	sshrl.u32 s6, $0x3;
	s16 =	sadd.s32 s15, s1;
	s17 =	sshrl.u32 s15, $0x3  }
0xe: {  	s18 =	sadd.s32 s15, s2;
	s12 =	smov.u32 @p0 s11;
	s0 =	smov.u32 @p0 s13  }
0xf: {  	p0 =	seq.s32 s30, $0xF;
	s13 =	sor.u32 $0x1C05, s31;
	s15 =	simm.s32 $0x5  }
0x10: {  	s14 =	ssub.s32 s7, s8;
	s6 =	sadd.s32 s9, s6;
	s8 =	sadd.s32 $0x9600, s9  }
0x11: {  	s9 =	sadd.s32 $0x13240, s9;
	s11 =	sadd.s32 s12, s17;
	s12 =	sadd.s32 s0, s17  }
0x12: {  	s17 =	simm.s32 $0x80;
	s7 =	sadd.s32 $0x9C40, s6;
	s10 =	smax.u32 s14, $0x1  }
0x13: {  	s14 =	sshrl.u32 s16, $0x3;
	s16 =	sshrl.u32 s18, $0x3;
	s18 =	simm.s32 $0xA000  }
.LBB2_1:
0x14: {  	s0 =	simm.s32 @p0 $0x0;
	s30 =	simm.s32 @p0 $0x5  }
0x15: {  	[tilespmem:s0], [sflag:$0x5] =	stream.linear.gather @p0 [hbm4b:s8+s0], $0x3200, $0x38;
	[tilespmem:$0x17C40] =	vst v63  }
0x16: {  	_ =	swait.ge @p0 [sflag:s30], $0x3200  }
0x17: {  	[sflag:s30] =	ssyncset.done @p0 $0x0  }
0x18: {  	s31 =	simm.s32 @p0 $0x5000;
	[sflag:s30] =	ssyncadd.s32 @p0 $0xFFFFCE00  }
0x19: {  	[tilespmem:s31], [sflag:$0x5] =	stream.linear.gather @p0 [hbm4b:s9+s0], $0x3200, $0x38;
	[tilespmem:$0x17C40] =	vst v63  }
0x1a: {  	_ =	swait.ge @p0 [sflag:s30], $0x3200  }
0x1b: {  	[sflag:s30] =	ssyncset.done @p0 $0x0  }
0x1c: {  	s0 =	simm.s32 @!p0 $0x0;
	[sflag:s30] =	ssyncadd.s32 @p0 $0xFFFFCE00;
	s30 =	simm.s32 @!p0 $0x5  }
0x1d: {  	[tilespmem:s0], [sflag:$0x5] =	stream.linear.gather @!p0 [hbm4b:s6+s0], $0x5000, $0x38;
	[tilespmem:$0x17C40] =	vst v63  }
0x1e: {  	_ =	swait.ge @!p0 [sflag:s30], $0x5000  }
0x1f: {  	[sflag:s30] =	ssyncset.done @!p0 $0x0  }
0x20: {  	s31 =	simm.s32 @!p0 $0x5000;
	[sflag:s30] =	ssyncadd.s32 @!p0 $0xFFFFB000  }
0x21: {  	[tilespmem:s31], [sflag:$0x5] =	stream.linear.gather @!p0 [hbm4b:s7+s0], $0x5000, $0x38;
	[tilespmem:$0x17C40] =	vst v63  }
0x22: {  	_ =	swait.ge @!p0 [sflag:s30], $0x5000  }
0x23: {  	[sflag:s30] =	ssyncset.done @!p0 $0x0  }
0x24: {  	[sflag:s30] =	ssyncadd.s32 @!p0 $0xFFFFB000  }
0x25: {  	[spmem:s14], [sflag:s13] =	dma.local [hbm:s11], $0x9C4  }
0x26: {  	_ =	swait.ge [sflag:s15], $0x9C4  }
0x27: {  	[sflag:s15] =	ssyncset.done $0x0  }
0x28: {  	[sflag:s15] =	ssyncadd.s32 $0xFFFFF63C  }
0x29: {  	[spmem:s16], [sflag:s13] =	dma.local [hbm:s5], $0x9C4  }
0x2a: {  	_ =	swait.ge [sflag:s15], $0x9C4  }
0x2b: {  	s30 =	simm.s32 @!p0 $0xA0;
	[sflag:s15] =	ssyncset.done $0x0  }
0x2c: {  	s30 =	simm.s32 @p0 $0x64;
	[sflag:s15] =	ssyncadd.s32 $0xFFFFF63C  }
0x2d: {  	s3 =	simm.s32 $0x0;
	s22 =	sshll.u32 s30, $0x9;
	[bflag:$0x0] =	sbarrier.arrive $0xFFFF  }
0x2e: {  	[tilespmem:s18], [sflag:$0x1] =	stream.indirect.gather [spmem:s1], $0x20, s3, s17, $0xb8;
	[tilespmem:$0x17C40] =	vst v63  }
0x2f: {  	s0 =	sand.u32 $0x1F800, s22  }
0x30: {  	[tilespmem:s19], [sflag:$0x2] =	stream.indirect.gather [spmem:s1], $0x20, s17, s17, $0xb8;
	[tilespmem:$0x17C40] =	vst v63  }
0x31: {  	s4 =	simm.s32 $0x100;
	s20 =	simm.s32 $0x180;
	s0 =	sadd.s32 $0xFFFFF800, s0  }
0x32: {  	[tilespmem:s21], [sflag:$0x3] =	stream.indirect.gather [spmem:s1], $0x20, s4, s17, $0xb8;
	[tilespmem:$0x17C40] =	vst v63  }
0x33: {  	s31 =	simm.s32 $0x0;
	[dreg:$0x5] =	wrdreg s0;
	s0 =	simm.s32 $0x7  }
0x34: {  	[tilespmem:s23], [sflag:$0x4] =	stream.indirect.gather [spmem:s1], $0x20, s20, s17, $0xb8;
	[tilespmem:$0x17C40] =	vst v63  }
.LBB2_2:
0x35: {  	_ =	swait.ge [sflag:s24], $0x1000  }
0x36: {  	s4 =	sshra.s32 s31, $0x2;
	[sflag:s24] =	ssyncset.done $0x0  }
0x37: {  	s20 =	sadd.s32 $0xFFFFFFFD, s0;
	s3 =	sadd.s32 $0x5000, s4;
	[sflag:s24] =	ssyncadd.s32 $0xFFFFF000  }
0x38: {  	[spmem:s2] =	stream.indirect.scatter.add.f32 [tilespmem:s18], [sflag:$0x5], $0x20, s3, s17, $0xb8;
	[tilespmem:$0x17C40] =	vst v63  }
0x39: {  	p1 =	sge.u32 s20, s30;
	_ =	swait.ge [sflag:s15], $0x1000  }
0x3a: {  	s20 =	simm.s32 @!p1 $0x80;
	s3 =	sshra.s32 @!p1 s31, $0x2;
	[sflag:s15] =	ssyncset.done $0x0  }
0x3b: {  	s22 =	simm.s32 @!p1 $0xA000;
	s3 =	sadd.s32 @!p1 $0x200, s3;
	[sflag:s15] =	ssyncadd.s32 $0xFFFFF000  }
0x3c: {  	[tilespmem:s22], [sflag:$0x1] =	stream.indirect.gather @!p1 [spmem:s1], $0x20, s3, s20, $0xb8;
	[tilespmem:$0x17C40] =	vst v63  }
0x3d: {  	_ =	swait.ge [sflag:s25], $0x1000  }
0x3e: {  	[sflag:s25] =	ssyncset.done $0x0  }
0x3f: {  	s22 =	sadd.s32 $0x5080, s4;
	s20 =	sadd.s32 $0xFFFFFFFE, s0;
	[sflag:s25] =	ssyncadd.s32 $0xFFFFF000  }
0x40: {  	[spmem:s2] =	stream.indirect.scatter.add.f32 [tilespmem:s19], [sflag:$0x5], $0x20, s22, s17, $0xb8;
	[tilespmem:$0x17C40] =	vst v63  }
0x41: {  	p1 =	sge.u32 s20, s30;
	_ =	swait.ge [sflag:s15], $0x1000  }
0x42: {  	s3 =	sshra.s32 @!p1 s31, $0x2;
	s20 =	simm.s32 @!p1 $0x80;
	[sflag:s15] =	ssyncset.done $0x0  }
0x43: {  	s3 =	sadd.s32 @!p1 $0x280, s3;
	s22 =	simm.s32 @!p1 $0xB000;
	[sflag:s15] =	ssyncadd.s32 $0xFFFFF000  }
0x44: {  	[tilespmem:s22], [sflag:$0x2] =	stream.indirect.gather @!p1 [spmem:s1], $0x20, s3, s20, $0xb8;
	[tilespmem:$0x17C40] =	vst v63  }
0x45: {  	_ =	swait.ge [sflag:s26], $0x1000  }
0x46: {  	[sflag:s26] =	ssyncset.done $0x0  }
0x47: {  	s22 =	sadd.s32 $0x5100, s4;
	s20 =	sadd.s32 $0xFFFFFFFF, s0;
	[sflag:s26] =	ssyncadd.s32 $0xFFFFF000  }
0x48: {  	[spmem:s2] =	stream.indirect.scatter.add.f32 [tilespmem:s21], [sflag:$0x5], $0x20, s22, s17, $0xb8;
	[tilespmem:$0x17C40] =	vst v63  }
0x49: {  	p1 =	sge.u32 s20, s30;
	_ =	swait.ge [sflag:s15], $0x1000  }
0x4a: {  	s3 =	sshra.s32 @!p1 s31, $0x2;
	s20 =	simm.s32 @!p1 $0x80;
	[sflag:s15] =	ssyncset.done $0x0  }
0x4b: {  	s3 =	sadd.s32 @!p1 $0x300, s3;
	s22 =	simm.s32 @!p1 $0xC000;
	[sflag:s15] =	ssyncadd.s32 $0xFFFFF000  }
0x4c: {  	[tilespmem:s22], [sflag:$0x3] =	stream.indirect.gather @!p1 [spmem:s1], $0x20, s3, s20, $0xb8;
	[tilespmem:$0x17C40] =	vst v63  }
0x4d: {  	_ =	swait.ge [sflag:s28], $0x1000  }
0x4e: {  	[sflag:s28] =	ssyncset.done $0x0  }
0x4f: {  	s22 =	sadd.s32 $0x5180, s4;
	p1 =	sge.u32 s0, s30;
	[sflag:s28] =	ssyncadd.s32 $0xFFFFF000  }
0x50: {  	[spmem:s2] =	stream.indirect.scatter.add.f32 [tilespmem:s23], [sflag:$0x5], $0x20, s22, s17, $0xb8;
	[tilespmem:$0x17C40] =	vst v63  }
0x51: {  	s3 =	sshra.s32 @!p1 s31, $0x2;
	s4 =	simm.s32 @!p1 $0x80;
	_ =	swait.ge [sflag:s15], $0x1000  }
0x52: {  	s20 =	simm.s32 @!p1 $0xD000;
	s31 =	sadd.s32 $0x800, s31;
	[sflag:s15] =	ssyncset.done $0x0  }
0x53: {  	s3 =	sadd.s32 @!p1 $0x380, s3;
	s22 =	rddreg [dreg:$0x5];
	[sflag:s15] =	ssyncadd.s32 $0xFFFFF000  }
0x54: {  	[tilespmem:s20], [sflag:$0x4] =	stream.indirect.gather @!p1 [spmem:s1], $0x20, s3, s4, $0xb8;
	[tilespmem:$0x17C40] =	vst v63  }
0x55: {  	p1 =	sne.s32 s22, s31  }
.Ltmp0:
0x56: {  	_ = 	snop;
	(pc) =	sbr.rel @p1 .LBB2_2-.Ltmp0, $2  }
0x57: {  	_ =	sdelay $0x2  }
0x58: {  	s0 =	sadd.s32 $0x4, s0  }
0x59: {  	_ =	swait.ge [sflag:s24], $0x1000  }
0x5a: {  	s3 =	sshra.s32 s31, $0x2;
	[sflag:s24] =	ssyncset.done $0x0  }
0x5b: {  	s22 =	sadd.s32 $0xFFFFFFFD, s0;
	s4 =	sadd.s32 $0x5000, s3;
	[sflag:s24] =	ssyncadd.s32 $0xFFFFF000  }
0x5c: {  	[spmem:s2] =	stream.indirect.scatter.add.f32 [tilespmem:s18], [sflag:$0x5], $0x20, s4, s17, $0xb8;
	[tilespmem:$0x17C40] =	vst v63  }
0x5d: {  	p1 =	sge.u32 s22, s30;
	_ =	swait.ge [sflag:s15], $0x1000  }
0x5e: {  	s20 =	simm.s32 @!p1 $0x80;
	s4 =	sshra.s32 @!p1 s31, $0x2;
	[sflag:s15] =	ssyncset.done $0x0  }
0x5f: {  	s22 =	simm.s32 @!p1 $0xA000;
	s4 =	sadd.s32 @!p1 $0x200, s4;
	[sflag:s15] =	ssyncadd.s32 $0xFFFFF000  }
0x60: {  	[tilespmem:s22], [sflag:$0x1] =	stream.indirect.gather @!p1 [spmem:s1], $0x20, s4, s20, $0xb8;
	[tilespmem:$0x17C40] =	vst v63  }
0x61: {  	_ =	swait.ge [sflag:s25], $0x1000  }
0x62: {  	[sflag:s25] =	ssyncset.done $0x0  }
0x63: {  	s20 =	sadd.s32 $0x5080, s3;
	s22 =	sadd.s32 $0xFFFFFFFE, s0;
	[sflag:s25] =	ssyncadd.s32 $0xFFFFF000  }
0x64: {  	[spmem:s2] =	stream.indirect.scatter.add.f32 [tilespmem:s19], [sflag:$0x5], $0x20, s20, s17, $0xb8;
	[tilespmem:$0x17C40] =	vst v63  }
0x65: {  	p1 =	sge.u32 s22, s30;
	_ =	swait.ge [sflag:s15], $0x1000  }
0x66: {  	s4 =	sshra.s32 @!p1 s31, $0x2;
	s22 =	simm.s32 @!p1 $0xB000;
	[sflag:s15] =	ssyncset.done $0x0  }
0x67: {  	s4 =	sadd.s32 @!p1 $0x280, s4;
	s20 =	simm.s32 @!p1 $0x80;
	[sflag:s15] =	ssyncadd.s32 $0xFFFFF000  }
0x68: {  	[tilespmem:s22], [sflag:$0x2] =	stream.indirect.gather @!p1 [spmem:s1], $0x20, s4, s20, $0xb8;
	[tilespmem:$0x17C40] =	vst v63  }
0x69: {  	_ =	swait.ge [sflag:s26], $0x1000  }
0x6a: {  	[sflag:s26] =	ssyncset.done $0x0  }
0x6b: {  	s20 =	sadd.s32 $0x5100, s3;
	s22 =	sadd.s32 $0xFFFFFFFF, s0;
	[sflag:s26] =	ssyncadd.s32 $0xFFFFF000  }
0x6c: {  	[spmem:s2] =	stream.indirect.scatter.add.f32 [tilespmem:s21], [sflag:$0x5], $0x20, s20, s17, $0xb8;
	[tilespmem:$0x17C40] =	vst v63  }
0x6d: {  	p1 =	sge.u32 s22, s30;
	_ =	swait.ge [sflag:s15], $0x1000  }
0x6e: {  	s4 =	sshra.s32 @!p1 s31, $0x2;
	s22 =	simm.s32 @!p1 $0xC000;
	[sflag:s15] =	ssyncset.done $0x0  }
0x6f: {  	s4 =	sadd.s32 @!p1 $0x300, s4;
	s20 =	simm.s32 @!p1 $0x80;
	[sflag:s15] =	ssyncadd.s32 $0xFFFFF000  }
0x70: {  	[tilespmem:s22], [sflag:$0x3] =	stream.indirect.gather @!p1 [spmem:s1], $0x20, s4, s20, $0xb8;
	[tilespmem:$0x17C40] =	vst v63  }
0x71: {  	_ =	swait.ge [sflag:s28], $0x1000  }
0x72: {  	[sflag:s28] =	ssyncset.done $0x0  }
0x73: {  	s3 =	sadd.s32 $0x5180, s3;
	[sflag:s28] =	ssyncadd.s32 $0xFFFFF000  }
0x74: {  	[spmem:s2] =	stream.indirect.scatter.add.f32 [tilespmem:s23], [sflag:$0x5], $0x20, s3, s17, $0xb8;
	[tilespmem:$0x17C40] =	vst v63  }
0x75: {  	s29 =	sadd.s32 $0x1, s29;
	p1 =	sge.u32 s0, s30;
	_ =	swait.ge [sflag:s15], $0x1000  }
0x76: {  	s0 =	sshra.s32 @!p1 s31, $0x2;
	s4 =	simm.s32 @!p1 $0xD000;
	[sflag:s15] =	ssyncset.done $0x0  }
0x77: {  	s0 =	sadd.s32 @!p1 $0x380, s0;
	s3 =	simm.s32 @!p1 $0x80;
	[sflag:s15] =	ssyncadd.s32 $0xFFFFF000  }
0x78: {  	[tilespmem:s4], [sflag:$0x4] =	stream.indirect.gather @!p1 [spmem:s1], $0x20, s0, s3, $0xb8;
	[tilespmem:$0x17C40] =	vst v63  }
0x79: {  	p1 =	sne.s32 s29, s10  }
.Ltmp1:
0x7a: {  	[bflag:$0x0] =	sbarrier.arrive $0xFFFF;
	(pc) =	sbr.rel @p1 .LBB2_1-.Ltmp1, $4  }
0x7b: {  	[hbm:s12], [sflag:s13] =	dma.local [spmem:s16], $0x9C4  }
0x7c: {  	_ =	swait.ge [sflag:s15], $0x9C4  }
0x7d: {  	[sflag:s15] =	ssyncset.done $0x0  }
0x7e: {  	[sflag:s15] =	ssyncadd.s32 $0xFFFFF63C  }
0x7f: {  	_ =	sfence.sel $0x180000  }
0x80: {  	[bflag:$0x0] =	sbarrier.arrive $0xFFFF  }
0x81: {  	_ =	strace $0x9000004A  }
0x82: {  	s0 =	stileid.u32;
	[bflag:$0x2] =	sbarrier.arrive $0xFFFF  }
0x83: {  	p0 =	sne.s32 s0, $0x0;
	s0 =	rddreg [dreg:$0x4]  }
0x84: {  	s0 =	sadd.s32 @!p0 $0x100000, s0  }
0x85: {  	[sflag:s0] =	ssyncadd.tile.s32 @!p0 $0x1;
	_ =	shalt  }
.Lfunc_end2:
_tile_overlayer_lowered:
.L_overlay_start_2:
0x86: {  	(tag) =	ssettag $0x2  }
0x87: {  	s0 =	rddreg [dreg:$0x0];
	s2 =	stileid.u32  }
0x88: {  	s1 =	rddreg [dreg:$0x1];
	p0 =	sne.s32 s2, $0x0  }
0x89: {  	s3 =	rddreg [dreg:$0x2];
	[bflag:$0x3] =	sbarrier.arrive $0xFFFF;
	s2 =	simm.s32 @!p0 $0x1C05  }
0x8a: {  	[timem:s3], [sflag:s2] =	dma.local @!p0 [hbm:s0], s1  }
0x8b: {  	s0 =	simm.s32 @!p0 $0x5  }
0x8c: {  	_ =	swait.ge @!p0 [sflag:s0], s1  }
0x8d: {  	s1 =	ssub.s32 @!p0 $0x0, s1;
	[sflag:s0] =	ssyncset.done @!p0 $0x0  }
0x8e: {  	[sflag:s0] =	ssyncadd.s32 @!p0 s1  }
0x8f: {  	[bflag:$0x3] =	sbarrier.arrive $0xFFFF  }
0x90: {  	_ =	shalt  }

// kernel: kernel.7.cloned.1.call-start
scs
__scs_entry_jumppad:
0x0: {  	(pc) =	sbr.rel $0x88, $3  }
0x1: {  	(tag) =	ssettag $0x0;
	lr =	simm.s32 $0x1  }
0x2: {  	[smem:$0x3F9B] =	sst lr;
	_ =	strace $0xD0000000  }
0x3: {  	_ = 	snop  }
0x4: {  	_ = 	snop  }
0x5: {  	_ = 	snop  }
0x6: {  	_ = 	snop  }
0x7: {  	_ = 	snop  }
__scs_overlays_trampoline_lowered:
0x8: {  	[smem:$0x3FAA] =	sst s0  }
0x9: {  	[smem:$0x3FAB] =	sst s1  }
0xa: {  	[smem:$0x3FAC] =	sst s2  }
0xb: {  	[smem:$0x3FAD] =	sst s3  }
0xc: {  	[smem:$0x3FAE] =	sst s4  }
0xd: {  	[smem:$0x3FAF] =	sst s5  }
0xe: {  	[smem:$0x3FB0] =	sst s6  }
0xf: {  	[smem:$0x3FB1] =	sst s7  }
0x10: {  	[smem:$0x3FB2] =	sst s8  }
0x11: {  	[smem:$0x3FB3] =	sst s9;
	s0 =	simm.s32 @!p0 $0x0  }
0x12: {  	s1 =	sld [smem:$0x3F99];
	s0 =	simm.s32 @p0 $0x1  }
0x13: {  	[smem:$0x3FB4] =	sst s0;
	s0 =	simm.s32 @!p1 $0x0  }
0x14: {  	s2 =	sld [smem:$0x3F98];
	s0 =	simm.s32 @p1 $0x1  }
0x15: {  	[smem:$0x3FB5] =	sst s0;
	s0 =	simm.s32 @!p2 $0x0  }
0x16: {  	s3 =	sld [smem:$0x3FDB];
	s0 =	simm.s32 @p2 $0x1  }
0x17: {  	s4 =	simm.s32 $0x1BF5;
	[smem:$0x3FB7] =	sst s0  }
0x18: {  	s0 =	sld [smem:$0x3F9A];
	_ =	swait.ge [sflag:s4], $0x0  }
0x19: {  	s7 =	sld [smem:$0x3F9B]  }
0x1a: {  	s8 =	sadd.s32 $0xFFFFE003, lr  }
0x1b: {  	s9 =	sadd.s32 $0xFFFFFEF7, lr;
	s5 =	simm.s32 $0xFFFFFFFF;
	p2 =	slt.u32 s8, $0xFFFFF086  }
0x1c: {  	p1 =	slt.u32 s9, $0xF7A;
	s5 =	simm.s32 @!p2 $0x0  }
0x1d: {  	s5 =	simm.s32 @p1 $0x1;
	p0 =	seq.s32 s7, s2  }
0x1e: {  	s7 =	smul.u32 @!p0 $0xF7A, s2;
	p2 =	seq.s32 @!p0 s5, $0x0  }
0x1f: {  	s9 =	smul.u32 $0xF7A, s1;
	s8 =	simm.s32 @!p0 $0x1BF5;
	p2 =	por !p2, p0  }
0x20: {  	[sflag:s8] =	ssyncset.s32 @!p0 $0xFFFFF086;
	s6 =	sadd.s32 @!p0 s3, s7;
	s7 =	simm.s32 @!p0 $0x108  }
0x21: {  	s3 =	sadd.s32 s3, s9;
	s6 =	sadd.s32 @!p0 $0x88, s6;
	s7 =	simm.s32 @p2 $0x1082  }
0x22: {  	[simem:s7], [sflag:s8] =	dma.local @!p0 [hbm:s6], $0xF7A  }
0x23: {  	s9 =	sor.u32 $0xD0000000, s2;
	s6 =	simm.s32 $0x108;
	_ =	swait.ge @!p0 [sflag:s8], $0x0  }
0x24: {  	s3 =	sadd.s32 $0x88, s3;
	s6 =	simm.s32 @!p1 $0x1082;
	[sflag:s4] =	ssyncset.s32 $0xFFFFF086  }
0x25: {  	[simem:s6], [sflag:s4] =	dma.local [hbm:s3], $0xF7A  }
0x26: {  	[smem:$0x3F9B] =	sst s1;
	(tag) =	ssettag s2;
	_ =	strace s9  }
0x27: {  	s1 =	sld [smem:$0x3FAB]  }
0x28: {  	s2 =	sld [smem:$0x3FAC]  }
0x29: {  	s4 =	sld [smem:$0x3FAE]  }
0x2a: {  	p0 =	seq.s32 s5, $0x0;
	s5 =	sld [smem:$0x3FAF]  }
0x2b: {  	s6 =	sld [smem:$0x3FB0]  }
0x2c: {  	s7 =	sld [smem:$0x3FB1]  }
0x2d: {  	s3 =	simm.s32 $0x108;
	s8 =	sld [smem:$0x3FB2]  }
0x2e: {  	s3 =	simm.s32 @!p0 $0x1082;
	s9 =	sld [smem:$0x3FB3]  }
0x2f: {  	lr =	sadd.s32 s0, s3;
	s0 =	sld [smem:$0x3FAA]  }
0x30: {  	s3 =	sld [smem:$0x3FAD]  }
0x31: {  	[smem:$0x3FB6] =	sst s10  }
0x32: {  	s10 =	sld [smem:$0x3FB4];
	_ =	sdelay $0x3  }
0x33: {  	p0 =	seq.s32 s10, $0x1;
	s10 =	sld [smem:$0x3FB6];
	_ =	sdelay $0x3  }
0x34: {  	[smem:$0x3FB6] =	sst s10  }
0x35: {  	s10 =	sld [smem:$0x3FB5];
	_ =	sdelay $0x3  }
0x36: {  	p1 =	seq.s32 s10, $0x1;
	s10 =	sld [smem:$0x3FB6];
	_ =	sdelay $0x3  }
0x37: {  	[smem:$0x3FB6] =	sst s10  }
0x38: {  	s10 =	sld [smem:$0x3FB7]  }
0x39: {  	_ = 	snop;
	(pc) =	sbr.ind lr, $3  }
0x3a: {  	_ = 	snop  }
0x3b: {  	_ = 	snop  }
0x3c: {  	p2 =	seq.s32 s10, $0x1;
	s10 =	sld [smem:$0x3FB6]  }
0x3d: {  	_ =	shalt  }
0x3e: {  	_ =	shalt  }
0x3f: {  	_ =	shalt  }
0x40: {  	_ =	shalt  }
0x41: {  	_ =	shalt  }
0x42: {  	_ =	shalt  }
0x43: {  	_ =	shalt  }
0x44: {  	_ =	shalt  }
0x45: {  	_ =	shalt  }
0x46: {  	_ =	shalt  }
0x47: {  	_ =	shalt  }
0x48: {  	_ =	shalt  }
0x49: {  	_ =	shalt  }
0x4a: {  	_ =	shalt  }
0x4b: {  	_ =	shalt  }
0x4c: {  	_ =	shalt  }
0x4d: {  	_ =	shalt  }
0x4e: {  	_ =	shalt  }
0x4f: {  	_ =	shalt  }
0x50: {  	_ =	shalt  }
0x51: {  	_ =	shalt  }
0x52: {  	_ =	shalt  }
0x53: {  	_ =	shalt  }
0x54: {  	_ =	shalt  }
0x55: {  	_ =	shalt  }
0x56: {  	_ =	shalt  }
0x57: {  	_ =	shalt  }
0x58: {  	_ =	shalt  }
0x59: {  	_ =	shalt  }
0x5a: {  	_ =	shalt  }
0x5b: {  	_ =	shalt  }
0x5c: {  	_ =	shalt  }
0x5d: {  	_ =	shalt  }
0x5e: {  	_ =	shalt  }
0x5f: {  	_ =	shalt  }
0x60: {  	_ =	shalt  }
0x61: {  	_ =	shalt  }
0x62: {  	_ =	shalt  }
0x63: {  	_ =	shalt  }
0x64: {  	_ =	shalt  }
0x65: {  	_ =	shalt  }
0x66: {  	_ =	shalt  }
0x67: {  	_ =	shalt  }
0x68: {  	_ =	shalt  }
0x69: {  	_ =	shalt  }
0x6a: {  	_ =	shalt  }
0x6b: {  	_ =	shalt  }
0x6c: {  	_ =	shalt  }
0x6d: {  	_ =	shalt  }
0x6e: {  	_ =	shalt  }
0x6f: {  	_ =	shalt  }
0x70: {  	_ =	shalt  }
0x71: {  	_ =	shalt  }
0x72: {  	_ =	shalt  }
0x73: {  	_ =	shalt  }
0x74: {  	_ =	shalt  }
0x75: {  	_ =	shalt  }
0x76: {  	_ =	shalt  }
0x77: {  	_ =	shalt  }
0x78: {  	_ =	shalt  }
0x79: {  	_ =	shalt  }
0x7a: {  	_ =	shalt  }
0x7b: {  	_ =	shalt  }
0x7c: {  	_ =	shalt  }
0x7d: {  	_ =	shalt  }
0x7e: {  	_ =	shalt  }
0x7f: {  	_ =	shalt  }
0x80: {  	_ =	shalt  }
0x81: {  	_ =	shalt  }
0x82: {  	_ =	shalt  }
0x83: {  	_ =	shalt  }
0x84: {  	_ =	shalt  }
0x85: {  	_ =	shalt  }
0x86: {  	_ =	shalt  }
0x87: {  	_ =	shalt  }
.Lfunc_end0:
.L_simem_size_0:
called_computation_lowered:
.L_overlay_start_0:
0x88: {  	s2 =	sld [smem:$0x3FD9]  }
0x89: {  	s3 =	sld [smem:$0x3FFE];
	_ =	sdelay $0x1  }
0x8a: {  	s1 =	srdreg.scid  }
0x8b: {  	s0 =	sand.u32 $0x1, s1  }
0x8c: {  	s17 =	sshll.u32 s0, $0xA;
	s2 =	sadd.s32 s3, s2  }
0x8d: {  	s2 =	sadd.s32 s2, s17  }
0x8e: {  	[smem:$0x3FC2] =	sst s2  }
0x8f: {  	_ = 	snop  }
0x90: {  	s2 =	sld [smem:$0x3FD0];
	(tm) =	ssettm $0x1  }
0x91: {  	s18 =	sld [smem:$0x3FFB];
	_ =	sdelay $0x3  }
0x92: {  	_ =	strace s18  }
0x93: {  	s3 =	sld [smem:$0x3FFC];
	_ =	sdelay $0x3  }
0x94: {  	_ =	strace s3  }
0x95: {  	s3 =	sld [smem:$0x3FFD];
	_ =	sdelay $0x3  }
0x96: {  	_ =	strace s3  }
0x97: {  	_ =	strace $0x8FFFFFFF  }
0x98: {  	s19 =	sld [smem:$0x3FDB];
	_ =	sdelay $0x1  }
0x99: {  	s4 =	simm.s32 $_scs_section_size  }
0x9a: {  	s5 =	simm.s32 $_size__tile_overlayer_lowered;
	s6 =	simm.s32 $_tile_overlayer_lowered  }
0x9b: {  	s22 =	simm.s32 $0x1BFF;
	s21 =	sshll.u32 s6, $0x1;
	s3 =	sadd.s32 s4, s19  }
0x9c: {  	s7 =	simm.s32 $0x0;
	s20 =	sshll.u32 s5, $0x1;
	s5 =	sadd.s32 s21, s3  }
0x9d: {  	[timem:s7], [sflag:s22] =	dma.local [hbm:s5], s20  }
0x9e: {  	_ =	swait.ge [sflag:s22], s20  }
0x9f: {  	s4 =	ssub.s32 $0x0, s20;
	[sflag:s22] =	ssyncset.done $0x0  }
0xa0: {  	[sflag:s22] =	ssyncadd.s32 s4;
	_ =	sdelay $0x1  }
0xa1: {  	s23 =	simm.s32 $0x1B8B  }
0xa2: {  	_ =	swait.ge [sflag:s23], $0x1  }
0xa3: {  	[sflag:s23] =	ssyncset.done $0x0  }
0xa4: {  	s25 =	simm.s32 $0x1B8E;
	s24 =	sld [smem:$0x3FFE];
	[sflag:s23] =	ssyncadd.s32 $0xFFFFFFFF  }
0xa5: {  	s26 =	simm.s32 $execute0_lowered;
	[smem:$0x3FD2] =	sst s25  }
0xa6: {  	s5 =	sshll.u32 s26, $0x1;
	_ =	strace $0x80000046;
	[dreg:$0x1] =	wrdreg $0xFFFFFFFF  }
0xa7: {  	s28 =	simm.s32 $_size_execute0_lowered;
	s3 =	sadd.s32 s3, s5;
	[dreg:$0x0] =	wrdreg $0x0  }
0xa8: {  	s5 =	sshll.u32 s28, $0x1;
	[dreg:$0x2] =	wrdreg s3  }
0xa9: {  	[dreg:$0x3] =	wrdreg s5  }
0xaa: {  	[dreg:$0x4] =	wrdreg $0xC0  }
0xab: {  	_ =	task [dreg:s7], $0x5FFFF  }
0xac: {  	[dreg:$0x1] =	wrdreg $0xFFFFFFFF  }
0xad: {  	[dreg:$0x0] =	wrdreg $0x60  }
0xae: {  	[dreg:$0x2] =	wrdreg s24  }
0xaf: {  	[dreg:$0x3] =	wrdreg s2  }
0xb0: {  	[dreg:$0x4] =	wrdreg $0x184400  }
0xb1: {  	[dreg:$0x5] =	wrdreg $0xE0000  }
0xb2: {  	[dreg:$0x6] =	wrdreg $0x12E200  }
0xb3: {  	[dreg:$0x7] =	wrdreg $0x9  }
0xb4: {  	_ =	task.clear_ibuf [dreg:s7], $0x8FFFF;
	_ =	strace $0x90000046  }
0xb5: {  	s29 =	simm.s32 $0x9;
	_ =	strace $0x80000048  }
0xb6: {  	_ =	swait.ge [sflag:s29], $0x1  }
0xb7: {  	[sflag:s29] =	ssyncadd.s32 $0xFFFFFFFF  }
0xb8: {  	_ =	strace $0x90000048  }
0xb9: {  	_ =	sfence  }
0xba: {  	s30 =	sld [smem:$0x0];
	_ =	sdelay $0x2  }
0xbb: {  	s31 =	sshll.u32 s1, $0xD;
	s1 =	sshrl.u32 s1, $0x2  }
0xbc: {  	s3 =	sand.u32 $0x4000, s31;
	s1 =	sadd.s32 s1, s30  }
0xbd: {  	s0 =	sor.u32 s3, s0;
	s1 =	sshll.u32 s1, $0x11  }
0xbe: {  	s0 =	sor.u32 s1, s0  }
0xbf: {  	s0 =	sadd.s32 $0x8F2B, s0  }
0xc0: {  	[sflag:s0] =	ssyncadd.remote.s32 $0x1  }
0xc1: {  	_ =	sfence.sel $0xFFFF  }
0xc2: {  	[dreg:$0x0] =	wrdreg $0xFFFFFFFF;
	(pc) =	sbr.abs _section_cstart, $3  }
0xc3: {  	[dreg:$0x1] =	wrdreg $0xFFFFFFFF  }
0xc4: {  	_ =	task.clear_ibuf [dreg:s7], $0x2FFFF;
	_ =	strace $0x9FFFFFFF  }
0xc5: {  	(tm) =	ssettm $0x7FFFFFFF  }
tec
execute0_lowered:
.L_overlay_start_1:
0x0: {  	(tag) =	ssettag $0x1  }
0x1: {  	s0 =	rddreg [dreg:$0x0]  }
0x2: {  	s4 =	rddreg [dreg:$0x1]  }
0x3: {  	s1 =	rddreg [dreg:$0x2]  }
0x4: {  	s2 =	rddreg [dreg:$0x3]  }
0x5: {  	s3 =	rddreg [dreg:$0x4];
	s5 =	simm.s32 $0x0;
	s19 =	stileid.u32  }
0x6: {  	s13 =	srdreg.scid;
	s28 =	simm.s32 $0xB000;
	[smem:$0x7FF] =	sst s5  }
0x7: {  	s5 =	sadd.s32 $0x9F800, s0;
	s6 =	sadd.s32 $0xA9600, s0;
	s7 =	sadd.s32 $0xB3400, s0  }
0x8: {  	s8 =	sadd.s32 $0xBD200, s0;
	s20 =	sadd.s32 $0xC7800, s0;
	s26 =	smul.u32 $0x4E20, s19  }
0x9: {  	s9 =	sadd.s32 $0xC7200, s0;
	s10 =	sadd.s32 $0xC7000, s0;
	s11 =	smul.u32 $0x2710, s19  }
0xa: {  	s14 =	smul.u32 $0x5000, s19;
	_ =	strace $0x80000047;
	[dreg:$0x8] =	wrdreg s9  }
0xb: {  	s15 =	sadd.s32 $0xC8200, s0;
	s13 =	sand.u32 $0x1, s13;
	[dreg:$0x9] =	wrdreg s10  }
0xc: {  	s10 =	sadd.s32 $0xD2000, s0;
	s18 =	ssub.s32 $0x2, s13;
	p0 =	seq.s32 s13, $0x0  }
0xd: {  	[dreg:$0x7] =	wrdreg s20;
	s12 =	sshrl.u32 s26, $0x3;
	s17 =	sshrl.u32 s11, $0x3  }
0xe: {  	s14 =	sshrl.u32 s14, $0x3;
	s29 =	sshrl.u32 s18, $0x1;
	s22 =	sadd.s32 s26, s2  }
0xf: {  	s13 =	sadd.s32 s26, s3;
	s6 =	smov.u32 @p0 s5;
	[dreg:$0xf] =	wrdreg s22  }
0x10: {  	s15 =	smov.u32 @p0 s10;
	s21 =	sadd.s32 s4, s14;
	[dreg:$0x10] =	wrdreg s13  }
0x11: {  	s16 =	sadd.s32 s12, s0;
	s26 =	sadd.s32 s6, s12;
	[dreg:$0xa] =	wrdreg s21  }
0x12: {  	s31 =	ssub.s32 s18, s29;
	s29 =	sadd.s32 s15, s12;
	[dreg:$0x15] =	wrdreg s26  }
0x13: {  	s0 =	sadd.s32 s17, s0;
	s17 =	sadd.s32 s11, s1;
	[dreg:$0x16] =	wrdreg s29  }
0x14: {  	s30 =	simm.s32 $0xC000;
	s18 =	sadd.s32 $0x9C40, s21;
	[dreg:$0xe] =	wrdreg s17  }
0x15: {  	p1 =	seq.s32 s19, $0xF;
	s21 =	sadd.s32 $0x9600, s4;
	[dreg:$0xb] =	wrdreg s18  }
0x16: {  	s8 =	smov.u32 @p0 s7;
	s4 =	sadd.s32 $0x13240, s4;
	[dreg:$0xc] =	wrdreg s21  }
0x17: {  	s5 =	simm.s32 $0x1;
	s23 =	sadd.s32 $0xEAC00, s16;
	[dreg:$0xd] =	wrdreg s4  }
0x18: {  	s7 =	simm.s32 $0x3;
	s24 =	sadd.s32 $0xE0E00, s16;
	[dreg:$0x11] =	wrdreg s23  }
0x19: {  	s10 =	simm.s32 $0x0;
	s0 =	sadd.s32 $0xDBE00, s0;
	[dreg:$0x12] =	wrdreg s24  }
0x1a: {  	s25 =	smax.u32 s31, $0x1;
	s31 =	sadd.s32 s8, s12;
	[dreg:$0x13] =	wrdreg s0  }
0x1b: {  	s26 =	simm.s32 $0xA000;
	s8 =	simm.s32 $0x4;
	[dreg:$0x14] =	wrdreg s25  }
0x1c: {  	[dreg:$0x17] =	wrdreg s31;
	s23 =	simm.s32 $0x17C40;
	s24 =	simm.s32 $0x5  }
0x1d: {  	s25 =	simm.s32 $0x80;
	s0 =	simm.s32 $0xD000;
	s4 =	simm.s32 $0x2  }
.LBB2_1:
0x1e: {  	s6 =	simm.s32 @p1 $0x0;
	s9 =	rddreg [dreg:$0xc]  }
0x1f: {  	[tilespmem:s6], [sflag:$0x5] =	stream.linear.gather @p1 [hbm4b:s9+s6], $0x3200, $0x38;
	[tilespmem:$0x1AB50] =	vst v63  }
0x20: {  	s9 =	simm.s32 @p1 $0x5  }
0x21: {  	_ =	swait.ge @p1 [sflag:s9], $0x3200  }
0x22: {  	[sflag:s9] =	ssyncset.done @p1 $0x0  }
0x23: {  	s11 =	simm.s32 @p1 $0x5000;
	s12 =	rddreg [dreg:$0xd];
	[sflag:s9] =	ssyncadd.s32 @p1 $0xFFFFCE00  }
0x24: {  	[tilespmem:s11], [sflag:$0x5] =	stream.linear.gather @p1 [hbm4b:s12+s6], $0x3200, $0x38;
	[tilespmem:$0x1AB50] =	vst v63  }
0x25: {  	_ =	swait.ge @p1 [sflag:s9], $0x3200  }
0x26: {  	[sflag:s9] =	ssyncset.done @p1 $0x0  }
0x27: {  	s6 =	simm.s32 @!p1 $0x0;
	[sflag:s9] =	ssyncadd.s32 @p1 $0xFFFFCE00;
	s9 =	rddreg [dreg:$0xa]  }
0x28: {  	[tilespmem:s6], [sflag:$0x5] =	stream.linear.gather @!p1 [hbm4b:s9+s6], $0x5000, $0x38;
	[tilespmem:$0x1AB50] =	vst v63  }
0x29: {  	s9 =	simm.s32 @!p1 $0x5  }
0x2a: {  	_ =	swait.ge @!p1 [sflag:s9], $0x5000  }
0x2b: {  	[sflag:s9] =	ssyncset.done @!p1 $0x0  }
0x2c: {  	s11 =	simm.s32 @!p1 $0x5000;
	s12 =	rddreg [dreg:$0xb];
	[sflag:s9] =	ssyncadd.s32 @!p1 $0xFFFFB000  }
0x2d: {  	[tilespmem:s11], [sflag:$0x5] =	stream.linear.gather @!p1 [hbm4b:s12+s6], $0x5000, $0x38;
	[tilespmem:$0x1AB50] =	vst v63  }
0x2e: {  	_ =	swait.ge @!p1 [sflag:s9], $0x5000  }
0x2f: {  	[sflag:s9] =	ssyncset.done @!p1 $0x0  }
0x30: {  	s31 =	simm.s32 $0x0;
	s14 =	rddreg [dreg:$0x9];
	[sflag:s9] =	ssyncadd.s32 @!p1 $0xFFFFB000  }
0x31: {  	[tilespmem:s23], [sflag:$0x5] =	stream.linear.gather [hbm4b:s14+s31], $0x800, $0x38;
	[tilespmem:$0x1AB50] =	vst v63  }
0x32: {  	s15 =	stileid.u32;
	_ =	swait.ge [sflag:s24], $0x800  }
0x33: {  	s16 =	sshrl.u32 s17, $0x3;
	s6 =	sshll.u32 s15, $0x6;
	[sflag:s24] =	ssyncset.done $0x0  }
0x34: {  	s11 =	sor.u32 $0x1C05, s6;
	s17 =	rddreg [dreg:$0x8];
	[sflag:s24] =	ssyncadd.s32 $0xFFFFF800  }
0x35: {  	[spmem:s16], [sflag:s11] =	dma.local [hbm:s17], $0x4E2  }
0x36: {  	_ =	swait.ge [sflag:s24], $0x4E2  }
0x37: {  	[sflag:s24] =	ssyncset.done $0x0;
	s18 =	rddreg [dreg:$0xf]  }
0x38: {  	s19 =	rddreg [dreg:$0x15];
	[sflag:s24] =	ssyncadd.s32 $0xFFFFFB1E;
	s21 =	sshrl.u32 s18, $0x3  }
0x39: {  	[spmem:s21], [sflag:s11] =	dma.local [hbm:s19], $0x9C4  }
0x3a: {  	_ =	swait.ge [sflag:s24], $0x9C4  }
0x3b: {  	[sflag:s24] =	ssyncset.done $0x0  }
0x3c: {  	s15 =	sshrl.u32 s13, $0x3;
	[sflag:s24] =	ssyncadd.s32 $0xFFFFF63C  }
0x3d: {  	[spmem:s15], [sflag:s11] =	dma.local [hbm:s20], $0x9C4  }
0x3e: {  	_ =	swait.ge [sflag:s24], $0x9C4  }
0x3f: {  	[sflag:s24] =	ssyncset.done $0x0  }
0x40: {  	s12 =	simm.s32 @!p1 $0xA0;
	[sflag:s24] =	ssyncadd.s32 $0xFFFFF63C  }
0x41: {  	s12 =	simm.s32 @p1 $0x64;
	[bflag:$0x0] =	sbarrier.arrive $0xFFFF  }
0x42: {  	[tilespmem:s26], [sflag:$0x1] =	stream.indirect.gather [spmem:s2], $0x20, s31, s25, $0xb8;
	[tilespmem:$0x1AB50] =	vst v63  }
0x43: {  	s31 =	sshll.u32 s12, $0x9  }
0x44: {  	s22 =	simm.s32 $0x100;
	s6 =	sand.u32 $0x1F800, s31  }
0x45: {  	[tilespmem:s28], [sflag:$0x2] =	stream.indirect.gather [spmem:s2], $0x20, s25, s25, $0xb8;
	[tilespmem:$0x1AB50] =	vst v63  }
0x46: {  	s29 =	simm.s32 $0x180;
	s17 =	simm.s32 $0x7;
	s6 =	sadd.s32 $0xFFFFF800, s6  }
0x47: {  	[tilespmem:s30], [sflag:$0x3] =	stream.indirect.gather [spmem:s2], $0x20, s22, s25, $0xb8;
	[tilespmem:$0x1AB50] =	vst v63  }
0x48: {  	s18 =	simm.s32 $0x0;
	[dreg:$0x6] =	wrdreg s6;
	s6 =	simm.s32 $0x1  }
0x49: {  	[tilespmem:s0], [sflag:$0x4] =	stream.indirect.gather [spmem:s2], $0x20, s29, s25, $0xb8;
	[tilespmem:$0x1AB50] =	vst v63  }
.LBB2_2:
0x4a: {  	_ =	swait.ge [sflag:s5], $0x1000  }
0x4b: {  	s9 =	sshra.s32 s18, $0x2;
	[sflag:s5] =	ssyncset.done $0x0  }
0x4c: {  	s13 =	sadd.s32 $0x5000, s9;
	[sflag:s5] =	ssyncadd.s32 $0xFFFFF000  }
0x4d: {  	[spmem:s3] =	stream.indirect.scatter.add.f32 [tilespmem:s26], [sflag:$0x5], $0x20, s13, s25, $0xb8;
	[tilespmem:$0x1AB50] =	vst v63  }
0x4e: {  	_ =	swait.ge [sflag:s24], $0x1000  }
0x4f: {  	[sflag:s24] =	ssyncset.done $0x0  }
0x50: {  	s29 =	sadd.s32 $0xFFFFFFFD, s17;
	[sflag:s24] =	ssyncadd.s32 $0xFFFFF000  }
0x51: {  	[spmem:s1] =	stream.indirect.scatter.add.f32 [tilespmem:s23], [sflag:$0x5], $0x10, s13, s25, $0xb8;
	[tilespmem:$0x1AB50] =	vst v63  }
0x52: {  	p2 =	sge.u32 s29, s12;
	_ =	swait.ge [sflag:s24], $0x800  }
0x53: {  	s14 =	simm.s32 @!p2 $0x80;
	s13 =	sshra.s32 @!p2 s18, $0x2;
	[sflag:s24] =	ssyncset.done $0x0  }
0x54: {  	s16 =	simm.s32 @!p2 $0xA000;
	s13 =	sadd.s32 @!p2 $0x200, s13;
	[sflag:s24] =	ssyncadd.s32 $0xFFFFF800  }
0x55: {  	[tilespmem:s16], [sflag:$0x1] =	stream.indirect.gather @!p2 [spmem:s2], $0x20, s13, s14, $0xb8;
	[tilespmem:$0x1AB50] =	vst v63  }
0x56: {  	_ =	swait.ge [sflag:s4], $0x1000  }
0x57: {  	[sflag:s4] =	ssyncset.done $0x0  }
0x58: {  	s14 =	sadd.s32 $0x5080, s9;
	[sflag:s4] =	ssyncadd.s32 $0xFFFFF000  }
0x59: {  	[spmem:s3] =	stream.indirect.scatter.add.f32 [tilespmem:s28], [sflag:$0x5], $0x20, s14, s25, $0xb8;
	[tilespmem:$0x1AB50] =	vst v63  }
0x5a: {  	_ =	swait.ge [sflag:s24], $0x1000  }
0x5b: {  	[sflag:s24] =	ssyncset.done $0x0  }
0x5c: {  	s16 =	sadd.s32 $0xFFFFFFFE, s17;
	[sflag:s24] =	ssyncadd.s32 $0xFFFFF000  }
0x5d: {  	[spmem:s1] =	stream.indirect.scatter.add.f32 [tilespmem:s23], [sflag:$0x5], $0x10, s14, s25, $0xb8;
	[tilespmem:$0x1AB50] =	vst v63  }
0x5e: {  	p2 =	sge.u32 s16, s12;
	_ =	swait.ge [sflag:s24], $0x800  }
0x5f: {  	s13 =	sshra.s32 @!p2 s18, $0x2;
	s16 =	simm.s32 @!p2 $0xB000;
	[sflag:s24] =	ssyncset.done $0x0  }
0x60: {  	s13 =	sadd.s32 @!p2 $0x280, s13;
	s14 =	simm.s32 @!p2 $0x80;
	[sflag:s24] =	ssyncadd.s32 $0xFFFFF800  }
0x61: {  	[tilespmem:s16], [sflag:$0x2] =	stream.indirect.gather @!p2 [spmem:s2], $0x20, s13, s14, $0xb8;
	[tilespmem:$0x1AB50] =	vst v63  }
0x62: {  	_ =	swait.ge [sflag:s7], $0x1000  }
0x63: {  	[sflag:s7] =	ssyncset.done $0x0  }
0x64: {  	s19 =	sadd.s32 $0x5100, s9;
	[sflag:s7] =	ssyncadd.s32 $0xFFFFF000  }
0x65: {  	[spmem:s3] =	stream.indirect.scatter.add.f32 [tilespmem:s30], [sflag:$0x5], $0x20, s19, s25, $0xb8;
	[tilespmem:$0x1AB50] =	vst v63  }
0x66: {  	_ =	swait.ge [sflag:s24], $0x1000  }
0x67: {  	[sflag:s24] =	ssyncset.done $0x0  }
0x68: {  	s22 =	sadd.s32 $0xFFFFFFFF, s17;
	[sflag:s24] =	ssyncadd.s32 $0xFFFFF000  }
0x69: {  	[spmem:s1] =	stream.indirect.scatter.add.f32 [tilespmem:s23], [sflag:$0x5], $0x10, s19, s25, $0xb8;
	[tilespmem:$0x1AB50] =	vst v63  }
0x6a: {  	p2 =	sge.u32 s22, s12;
	_ =	swait.ge [sflag:s24], $0x800  }
0x6b: {  	s13 =	sshra.s32 @!p2 s18, $0x2;
	s14 =	simm.s32 @!p2 $0x80;
	[sflag:s24] =	ssyncset.done $0x0  }
0x6c: {  	s16 =	simm.s32 @!p2 $0xC000;
	s13 =	sadd.s32 @!p2 $0x300, s13;
	[sflag:s24] =	ssyncadd.s32 $0xFFFFF800  }
0x6d: {  	[tilespmem:s16], [sflag:$0x3] =	stream.indirect.gather @!p2 [spmem:s2], $0x20, s13, s14, $0xb8;
	[tilespmem:$0x1AB50] =	vst v63  }
0x6e: {  	_ =	swait.ge [sflag:s8], $0x1000  }
0x6f: {  	[sflag:s8] =	ssyncset.done $0x0  }
0x70: {  	s9 =	sadd.s32 $0x5180, s9;
	[sflag:s8] =	ssyncadd.s32 $0xFFFFF000  }
0x71: {  	[spmem:s3] =	stream.indirect.scatter.add.f32 [tilespmem:s0], [sflag:$0x5], $0x20, s9, s25, $0xb8;
	[tilespmem:$0x1AB50] =	vst v63  }
0x72: {  	_ =	swait.ge [sflag:s24], $0x1000  }
0x73: {  	[sflag:s24] =	ssyncset.done $0x0  }
0x74: {  	p2 =	sge.u32 s17, s12;
	[sflag:s24] =	ssyncadd.s32 $0xFFFFF000  }
0x75: {  	[spmem:s1] =	stream.indirect.scatter.add.f32 [tilespmem:s23], [sflag:$0x5], $0x10, s9, s25, $0xb8;
	[tilespmem:$0x1AB50] =	vst v63  }
0x76: {  	s13 =	simm.s32 @!p2 $0x80;
	s14 =	simm.s32 @!p2 $0xD000;
	_ =	swait.ge [sflag:s24], $0x800  }
0x77: {  	s9 =	sshra.s32 @!p2 s18, $0x2;
	s18 =	sadd.s32 $0x800, s18;
	[sflag:s24] =	ssyncset.done $0x0  }
0x78: {  	s9 =	sadd.s32 @!p2 $0x380, s9;
	s29 =	rddreg [dreg:$0x6];
	[sflag:s24] =	ssyncadd.s32 $0xFFFFF800  }
0x79: {  	[tilespmem:s14], [sflag:$0x4] =	stream.indirect.gather @!p2 [spmem:s2], $0x20, s9, s13, $0xb8;
	[tilespmem:$0x1AB50] =	vst v63  }
0x7a: {  	p2 =	sne.s32 s29, s18  }
.Ltmp0:
0x7b: {  	_ = 	snop;
	(pc) =	sbr.rel @p2 .LBB2_2-.Ltmp0, $2  }
0x7c: {  	_ =	sdelay $0x2  }
0x7d: {  	s31 =	smov.u32 s6;
	s6 =	sadd.s32 $0x1, s6;
	s17 =	sadd.s32 $0x4, s17  }
0x7e: {  	_ =	swait.ge [sflag:s5], $0x1000  }
0x7f: {  	s6 =	sshra.s32 s18, $0x2;
	[sflag:s5] =	ssyncset.done $0x0  }
0x80: {  	s9 =	sadd.s32 $0xFFFFFFFD, s17;
	s14 =	sadd.s32 $0x5000, s6;
	[sflag:s5] =	ssyncadd.s32 $0xFFFFF000  }
0x81: {  	[spmem:s3] =	stream.indirect.scatter.add.f32 [tilespmem:s26], [sflag:$0x5], $0x20, s14, s25, $0xb8;
	[tilespmem:$0x1AB50] =	vst v63  }
0x82: {  	p2 =	sge.u32 s9, s12;
	_ =	swait.ge [sflag:s24], $0x1000  }
0x83: {  	s9 =	sshra.s32 @!p2 s18, $0x2;
	[sflag:s24] =	ssyncset.done $0x0  }
0x84: {  	s9 =	sadd.s32 @!p2 $0x200, s9;
	[sflag:s24] =	ssyncadd.s32 $0xFFFFF000  }
0x85: {  	[spmem:s1] =	stream.indirect.scatter.add.f32 [tilespmem:s23], [sflag:$0x5], $0x10, s14, s25, $0xb8;
	[tilespmem:$0x1AB50] =	vst v63  }
0x86: {  	s13 =	simm.s32 @!p2 $0x80;
	_ =	swait.ge [sflag:s24], $0x800;
	[dreg:$0x18] =	wrdreg s9  }
0x87: {  	s16 =	simm.s32 @!p2 $0xA000;
	s19 =	simm.s32 @!p2 $0x0;
	[dreg:$0x19] =	wrdreg s13  }
0x88: {  	s19 =	simm.s32 @p2 $0x1;
	[dreg:$0x1a] =	wrdreg s16;
	[sflag:s24] =	ssyncset.done $0x0  }
0x89: {  	[smem:$0x7FD] =	sst s19;
	[sflag:s24] =	ssyncadd.s32 $0xFFFFF800  }
0x8a: {  	[tilespmem:s16], [sflag:$0x1] =	stream.indirect.gather @!p2 [spmem:s2], $0x20, s9, s13, $0xb8;
	[tilespmem:$0x1AB50] =	vst v63  }
0x8b: {  	_ =	swait.ge [sflag:s4], $0x1000  }
0x8c: {  	[sflag:s4] =	ssyncset.done $0x0  }
0x8d: {  	s19 =	sadd.s32 $0x5080, s6;
	[sflag:s4] =	ssyncadd.s32 $0xFFFFF000  }
0x8e: {  	[spmem:s3] =	stream.indirect.scatter.add.f32 [tilespmem:s28], [sflag:$0x5], $0x20, s19, s25, $0xb8;
	[tilespmem:$0x1AB50] =	vst v63  }
0x8f: {  	_ =	swait.ge [sflag:s24], $0x1000  }
0x90: {  	s22 =	sadd.s32 $0xFFFFFFFE, s17;
	[sflag:s24] =	ssyncset.done $0x0  }
0x91: {  	p3 =	sge.u32 s22, s12;
	[sflag:s24] =	ssyncadd.s32 $0xFFFFF000  }
0x92: {  	[spmem:s1] =	stream.indirect.scatter.add.f32 [tilespmem:s23], [sflag:$0x5], $0x10, s19, s25, $0xb8;
	[tilespmem:$0x1AB50] =	vst v63  }
0x93: {  	s9 =	sshra.s32 @!p3 s18, $0x2;
	_ =	swait.ge [sflag:s24], $0x800  }
0x94: {  	s13 =	simm.s32 @!p3 $0x80;
	s9 =	sadd.s32 @!p3 $0x280, s9;
	[sflag:s24] =	ssyncset.done $0x0  }
0x95: {  	s16 =	simm.s32 @!p3 $0xB000;
	[dreg:$0x1b] =	wrdreg s9;
	[sflag:s24] =	ssyncadd.s32 $0xFFFFF800  }
0x96: {  	[tilespmem:s16], [sflag:$0x2] =	stream.indirect.gather @!p3 [spmem:s2], $0x20, s9, s13, $0xb8;
	[tilespmem:$0x1AB50] =	vst v63  }
0x97: {  	_ =	swait.ge [sflag:s7], $0x1000  }
0x98: {  	[sflag:s7] =	ssyncset.done $0x0  }
0x99: {  	s29 =	sadd.s32 $0x5100, s6;
	[sflag:s7] =	ssyncadd.s32 $0xFFFFF000  }
0x9a: {  	[spmem:s3] =	stream.indirect.scatter.add.f32 [tilespmem:s30], [sflag:$0x5], $0x20, s29, s25, $0xb8;
	[tilespmem:$0x1AB50] =	vst v63  }
0x9b: {  	_ =	swait.ge [sflag:s24], $0x1000  }
0x9c: {  	[sflag:s24] =	ssyncset.done $0x0  }
0x9d: {  	s9 =	sadd.s32 $0xFFFFFFFF, s17;
	[sflag:s24] =	ssyncadd.s32 $0xFFFFF000  }
0x9e: {  	[spmem:s1] =	stream.indirect.scatter.add.f32 [tilespmem:s23], [sflag:$0x5], $0x10, s29, s25, $0xb8;
	[tilespmem:$0x1AB50] =	vst v63  }
0x9f: {  	p4 =	sge.u32 s9, s12;
	_ =	swait.ge [sflag:s24], $0x800  }
0xa0: {  	s13 =	sshra.s32 @!p4 s18, $0x2;
	s9 =	simm.s32 @!p4 $0x80;
	[sflag:s24] =	ssyncset.done $0x0  }
0xa1: {  	s22 =	sadd.s32 @!p4 $0x300, s13;
	s13 =	simm.s32 @!p4 $0xC000;
	[sflag:s24] =	ssyncadd.s32 $0xFFFFF800  }
0xa2: {  	[tilespmem:s13], [sflag:$0x3] =	stream.indirect.gather @!p4 [spmem:s2], $0x20, s22, s9, $0xb8;
	[tilespmem:$0x1AB50] =	vst v63  }
0xa3: {  	_ =	swait.ge [sflag:s8], $0x1000  }
0xa4: {  	[sflag:s8] =	ssyncset.done $0x0  }
0xa5: {  	s13 =	sadd.s32 $0x5180, s6;
	[sflag:s8] =	ssyncadd.s32 $0xFFFFF000  }
0xa6: {  	[spmem:s3] =	stream.indirect.scatter.add.f32 [tilespmem:s0], [sflag:$0x5], $0x20, s13, s25, $0xb8;
	[tilespmem:$0x1AB50] =	vst v63  }
0xa7: {  	_ =	swait.ge [sflag:s24], $0x1000  }
0xa8: {  	[sflag:s24] =	ssyncset.done $0x0  }
0xa9: {  	[sflag:s24] =	ssyncadd.s32 $0xFFFFF000  }
0xaa: {  	[spmem:s1] =	stream.indirect.scatter.add.f32 [tilespmem:s23], [sflag:$0x5], $0x10, s13, s25, $0xb8;
	[tilespmem:$0x1AB50] =	vst v63  }
0xab: {  	p5 =	sge.u32 s17, s12;
	_ =	swait.ge [sflag:s24], $0x800  }
0xac: {  	s6 =	sshra.s32 @!p5 s18, $0x2;
	s9 =	simm.s32 @!p5 $0xD000;
	[sflag:s24] =	ssyncset.done $0x0  }
0xad: {  	s17 =	sadd.s32 @!p5 $0x380, s6;
	s6 =	simm.s32 @!p5 $0x80;
	[sflag:s24] =	ssyncadd.s32 $0xFFFFF800  }
0xae: {  	[tilespmem:s9], [sflag:$0x4] =	stream.indirect.gather @!p5 [spmem:s2], $0x20, s17, s6, $0xb8;
	[tilespmem:$0x1AB50] =	vst v63  }
0xaf: {  	[bflag:$0x0] =	sbarrier.arrive $0xFFFF  }
0xb0: {  	s16 =	rddreg [dreg:$0x16]  }
0xb1: {  	[hbm:s16], [sflag:s11] =	dma.local [spmem:s15], $0x9C4  }
0xb2: {  	_ =	swait.ge [sflag:s24], $0x9C4  }
0xb3: {  	[sflag:s24] =	ssyncset.done $0x0  }
0xb4: {  	s18 =	rddreg [dreg:$0x17];
	[sflag:s24] =	ssyncadd.s32 $0xFFFFF63C  }
0xb5: {  	[spmem:s21], [sflag:s11] =	dma.local [hbm:s18], $0x9C4  }
0xb6: {  	_ =	swait.ge [sflag:s24], $0x9C4  }
0xb7: {  	[sflag:s24] =	ssyncset.done $0x0  }
0xb8: {  	[sflag:s24] =	ssyncadd.s32 $0xFFFFF63C  }
0xb9: {  	[spmem:s15], [sflag:s11] =	dma.local [hbm:s20], $0x9C4  }
0xba: {  	_ =	swait.ge [sflag:s24], $0x9C4  }
0xbb: {  	[sflag:s24] =	ssyncset.done $0x0  }
0xbc: {  	[sflag:s24] =	ssyncadd.s32 $0xFFFFF63C  }
0xbd: {  	s21 =	simm.s32 $0x0;
	[bflag:$0x0] =	sbarrier.arrive $0xFFFF  }
0xbe: {  	[tilespmem:s26], [sflag:$0x1] =	stream.indirect.gather [spmem:s2], $0x20, s21, s25, $0xb8;
	[tilespmem:$0x1AB50] =	vst v63  }
0xbf: {  	_ = 	snop  }
0xc0: {  	[tilespmem:s28], [sflag:$0x2] =	stream.indirect.gather [spmem:s2], $0x20, s25, s25, $0xb8;
	[tilespmem:$0x1AB50] =	vst v63  }
0xc1: {  	s9 =	simm.s32 $0x100  }
0xc2: {  	[tilespmem:s30], [sflag:$0x3] =	stream.indirect.gather [spmem:s2], $0x20, s9, s25, $0xb8;
	[tilespmem:$0x1AB50] =	vst v63  }
0xc3: {  	s15 =	simm.s32 $0x180  }
0xc4: {  	[tilespmem:s0], [sflag:$0x4] =	stream.indirect.gather [spmem:s2], $0x20, s15, s25, $0xb8;
	[tilespmem:$0x1AB50] =	vst v63  }
0xc5: {  	_ =	swait.ge [sflag:s5], $0x1000  }
0xc6: {  	[sflag:s5] =	ssyncset.done $0x0  }
0xc7: {  	s16 =	simm.s32 $0x5000;
	[sflag:s5] =	ssyncadd.s32 $0xFFFFF000  }
0xc8: {  	[spmem:s3] =	stream.indirect.scatter.add.f32 [tilespmem:s26], [sflag:$0x5], $0x20, s16, s25, $0xb8;
	[tilespmem:$0x1AB50] =	vst v63  }
0xc9: {  	p2 =	sle.u32 s12, $0x4;
	_ =	swait.ge [sflag:s24], $0x1000  }
0xca: {  	s6 =	simm.s32 @!p2 $0xA000;
	[sflag:s24] =	ssyncset.done $0x0  }
0xcb: {  	s18 =	simm.s32 @!p2 $0x80;
	s15 =	simm.s32 @!p2 $0x200;
	[sflag:s24] =	ssyncadd.s32 $0xFFFFF000  }
0xcc: {  	[tilespmem:s6], [sflag:$0x1] =	stream.indirect.gather @!p2 [spmem:s2], $0x20, s15, s18, $0xb8;
	[tilespmem:$0x1AB50] =	vst v63  }
0xcd: {  	_ =	swait.ge [sflag:s4], $0x1000  }
0xce: {  	[sflag:s4] =	ssyncset.done $0x0  }
0xcf: {  	s18 =	simm.s32 $0x5080;
	[sflag:s4] =	ssyncadd.s32 $0xFFFFF000  }
0xd0: {  	[spmem:s3] =	stream.indirect.scatter.add.f32 [tilespmem:s28], [sflag:$0x5], $0x20, s18, s25, $0xb8;
	[tilespmem:$0x1AB50] =	vst v63  }
0xd1: {  	p2 =	sle.u32 s12, $0x5;
	_ =	swait.ge [sflag:s24], $0x1000  }
0xd2: {  	s6 =	simm.s32 @!p2 $0xB000;
	[sflag:s24] =	ssyncset.done $0x0  }
0xd3: {  	s15 =	simm.s32 @!p2 $0x280;
	s18 =	simm.s32 @!p2 $0x80;
	[sflag:s24] =	ssyncadd.s32 $0xFFFFF000  }
0xd4: {  	[tilespmem:s6], [sflag:$0x2] =	stream.indirect.gather @!p2 [spmem:s2], $0x20, s15, s18, $0xb8;
	[tilespmem:$0x1AB50] =	vst v63  }
0xd5: {  	_ =	swait.ge [sflag:s7], $0x1000  }
0xd6: {  	[sflag:s7] =	ssyncset.done $0x0  }
0xd7: {  	s20 =	simm.s32 $0x5100;
	[sflag:s7] =	ssyncadd.s32 $0xFFFFF000  }
0xd8: {  	[spmem:s3] =	stream.indirect.scatter.add.f32 [tilespmem:s30], [sflag:$0x5], $0x20, s20, s25, $0xb8;
	[tilespmem:$0x1AB50] =	vst v63  }
0xd9: {  	p2 =	sle.u32 s12, $0x6;
	_ =	swait.ge [sflag:s24], $0x1000  }
0xda: {  	s6 =	simm.s32 @!p2 $0xC000;
	[sflag:s24] =	ssyncset.done $0x0  }
0xdb: {  	s15 =	simm.s32 @!p2 $0x300;
	s18 =	simm.s32 @!p2 $0x80;
	[sflag:s24] =	ssyncadd.s32 $0xFFFFF000  }
0xdc: {  	[tilespmem:s6], [sflag:$0x3] =	stream.indirect.gather @!p2 [spmem:s2], $0x20, s15, s18, $0xb8;
	[tilespmem:$0x1AB50] =	vst v63  }
0xdd: {  	s15 =	sadd.s32 $0xFFFFFFFF, s31;
	_ =	swait.ge [sflag:s8], $0x1000  }
0xde: {  	p6 =	sne.s32 s15, $0x0;
	[sflag:s8] =	ssyncset.done $0x0  }
.Ltmp1:
0xdf: {  	s21 =	simm.s32 $0x5180;
	[sflag:s8] =	ssyncadd.s32 $0xFFFFF000;
	(pc) =	sbr.rel @!p6 .LBB2_5-.Ltmp1, $4  }
0xe0: {  	[spmem:s3] =	stream.indirect.scatter.add.f32 [tilespmem:s0], [sflag:$0x5], $0x20, s21, s25, $0xb8;
	[tilespmem:$0x1AB50] =	vst v63  }
0xe1: {  	p2 =	sle.u32 s12, $0x7;
	s31 =	simm.s32 $0x800;
	_ =	swait.ge [sflag:s24], $0x1000  }
0xe2: {  	s6 =	simm.s32 @!p2 $0xD000;
	s18 =	simm.s32 @!p2 $0x380;
	[sflag:s24] =	ssyncset.done $0x0  }
0xe3: {  	s20 =	simm.s32 @!p2 $0x80;
	s21 =	simm.s32 $0x8;
	[sflag:s24] =	ssyncadd.s32 $0xFFFFF000  }
.LBB2_4:
0xe4: {  	[tilespmem:s6], [sflag:$0x4] =	stream.indirect.gather @!p2 [spmem:s2], $0x20, s18, s20, $0xb8;
	[tilespmem:$0x1AB50] =	vst v63  }
0xe5: {  	s15 =	sadd.s32 $0xFFFFFFFF, s15;
	s6 =	smov.u32 s31;
	_ =	swait.ge [sflag:s5], $0x1000  }
0xe6: {  	s18 =	sshra.s32 s31, $0x2;
	p6 =	sne.s32 s15, $0x0;
	[sflag:s5] =	ssyncset.done $0x0  }
0xe7: {  	s20 =	sadd.s32 $0x5000, s18;
	[sflag:s5] =	ssyncadd.s32 $0xFFFFF000  }
0xe8: {  	[spmem:s3] =	stream.indirect.scatter.add.f32 [tilespmem:s26], [sflag:$0x5], $0x20, s20, s25, $0xb8;
	[tilespmem:$0x1AB50] =	vst v63  }
0xe9: {  	p2 =	sge.u32 s21, s12;
	_ =	swait.ge [sflag:s24], $0x1000  }
0xea: {  	s16 =	simm.s32 @!p2 $0xA000;
	s20 =	sshra.s32 @!p2 s31, $0x2;
	[sflag:s24] =	ssyncset.done $0x0  }
0xeb: {  	s9 =	simm.s32 @!p2 $0x80;
	s20 =	sadd.s32 @!p2 $0x200, s20;
	[sflag:s24] =	ssyncadd.s32 $0xFFFFF000  }
0xec: {  	[tilespmem:s16], [sflag:$0x1] =	stream.indirect.gather @!p2 [spmem:s2], $0x20, s20, s9, $0xb8;
	[tilespmem:$0x1AB50] =	vst v63  }
0xed: {  	_ =	swait.ge [sflag:s4], $0x1000  }
0xee: {  	[sflag:s4] =	ssyncset.done $0x0  }
0xef: {  	s9 =	sadd.s32 $0x5080, s18;
	s16 =	sadd.s32 $0x1, s21;
	[sflag:s4] =	ssyncadd.s32 $0xFFFFF000  }
0xf0: {  	[spmem:s3] =	stream.indirect.scatter.add.f32 [tilespmem:s28], [sflag:$0x5], $0x20, s9, s25, $0xb8;
	[tilespmem:$0x1AB50] =	vst v63  }
0xf1: {  	p2 =	sge.u32 s16, s12;
	_ =	swait.ge [sflag:s24], $0x1000  }
0xf2: {  	s16 =	simm.s32 @!p2 $0xB000;
	s9 =	sshra.s32 @!p2 s31, $0x2;
	[sflag:s24] =	ssyncset.done $0x0  }
0xf3: {  	s20 =	simm.s32 @!p2 $0x80;
	s9 =	sadd.s32 @!p2 $0x280, s9;
	[sflag:s24] =	ssyncadd.s32 $0xFFFFF000  }
0xf4: {  	[tilespmem:s16], [sflag:$0x2] =	stream.indirect.gather @!p2 [spmem:s2], $0x20, s9, s20, $0xb8;
	[tilespmem:$0x1AB50] =	vst v63  }
0xf5: {  	_ =	swait.ge [sflag:s7], $0x1000  }
0xf6: {  	[sflag:s7] =	ssyncset.done $0x0  }
0xf7: {  	s9 =	sadd.s32 $0x5100, s18;
	s16 =	sadd.s32 $0x2, s21;
	[sflag:s7] =	ssyncadd.s32 $0xFFFFF000  }
0xf8: {  	[spmem:s3] =	stream.indirect.scatter.add.f32 [tilespmem:s30], [sflag:$0x5], $0x20, s9, s25, $0xb8;
	[tilespmem:$0x1AB50] =	vst v63  }
0xf9: {  	p2 =	sge.u32 s16, s12;
	_ =	swait.ge [sflag:s24], $0x1000  }
0xfa: {  	s16 =	simm.s32 @!p2 $0xC000;
	s9 =	sshra.s32 @!p2 s31, $0x2;
	[sflag:s24] =	ssyncset.done $0x0  }
0xfb: {  	s20 =	simm.s32 @!p2 $0x80;
	s9 =	sadd.s32 @!p2 $0x300, s9;
	[sflag:s24] =	ssyncadd.s32 $0xFFFFF000  }
0xfc: {  	[tilespmem:s16], [sflag:$0x3] =	stream.indirect.gather @!p2 [spmem:s2], $0x20, s9, s20, $0xb8;
	[tilespmem:$0x1AB50] =	vst v63  }
0xfd: {  	_ =	swait.ge [sflag:s8], $0x1000  }
0xfe: {  	s9 =	sadd.s32 $0x3, s21;
	s21 =	sadd.s32 $0x4, s21;
	[sflag:s8] =	ssyncset.done $0x0  }
.Ltmp2:
0xff: {  	s16 =	sadd.s32 $0x5180, s18;
	[sflag:s8] =	ssyncadd.s32 $0xFFFFF000;
	(pc) =	sbr.rel @p6 .LBB2_4-.Ltmp2, $4  }
0x100: {  	[spmem:s3] =	stream.indirect.scatter.add.f32 [tilespmem:s0], [sflag:$0x5], $0x20, s16, s25, $0xb8;
	[tilespmem:$0x1AB50] =	vst v63  }
0x101: {  	s31 =	sadd.s32 $0x800, s31;
	p2 =	sge.u32 s9, s12;
	_ =	swait.ge [sflag:s24], $0x1000  }
0x102: {  	s9 =	sshra.s32 @!p2 s6, $0x2;
	s6 =	simm.s32 @!p2 $0xD000;
	[sflag:s24] =	ssyncset.done $0x0  }
0x103: {  	s20 =	simm.s32 @!p2 $0x80;
	s18 =	sadd.s32 @!p2 $0x380, s9;
	[sflag:s24] =	ssyncadd.s32 $0xFFFFF000  }
.LBB2_5:
0x104: {  	[tilespmem:s6], [sflag:$0x4] =	stream.indirect.gather @!p2 [spmem:s2], $0x20, s18, s20, $0xb8;
	[tilespmem:$0x1AB50] =	vst v63  }
0x105: {  	_ =	swait.ge [sflag:s5], $0x1000  }
0x106: {  	[sflag:s5] =	ssyncset.done $0x0  }
0x107: {  	[sflag:s5] =	ssyncadd.s32 $0xFFFFF000  }
0x108: {  	[spmem:s3] =	stream.indirect.scatter.add.f32 [tilespmem:s26], [sflag:$0x5], $0x20, s14, s25, $0xb8;
	[tilespmem:$0x1AB50] =	vst v63  }
0x109: {  	_ =	swait.ge [sflag:s24], $0x1000  }
0x10a: {  	s21 =	sld [smem:$0x7FD]  }
0x10b: {  	s6 =	rddreg [dreg:$0x18]  }
0x10c: {  	[sflag:s24] =	ssyncset.done $0x0;
	s9 =	rddreg [dreg:$0x19]  }
0x10d: {  	s12 =	rddreg [dreg:$0x1a];
	[sflag:s24] =	ssyncadd.s32 $0xFFFFF000;
	p2 =	seq.s32 s21, $0x1  }
0x10e: {  	[tilespmem:s12], [sflag:$0x1] =	stream.indirect.gather @!p2 [spmem:s2], $0x20, s6, s9, $0xb8;
	[tilespmem:$0x1AB50] =	vst v63  }
0x10f: {  	_ =	swait.ge [sflag:s4], $0x1000  }
0x110: {  	[sflag:s4] =	ssyncset.done $0x0  }
0x111: {  	[sflag:s4] =	ssyncadd.s32 $0xFFFFF000  }
0x112: {  	[spmem:s3] =	stream.indirect.scatter.add.f32 [tilespmem:s28], [sflag:$0x5], $0x20, s19, s25, $0xb8;
	[tilespmem:$0x1AB50] =	vst v63  }
0x113: {  	_ =	swait.ge [sflag:s24], $0x1000  }
0x114: {  	s9 =	simm.s32 @!p3 $0x80;
	[sflag:s24] =	ssyncset.done $0x0  }
0x115: {  	s12 =	simm.s32 @!p3 $0xB000;
	s6 =	rddreg [dreg:$0x1b];
	[sflag:s24] =	ssyncadd.s32 $0xFFFFF000  }
0x116: {  	[tilespmem:s12], [sflag:$0x2] =	stream.indirect.gather @!p3 [spmem:s2], $0x20, s6, s9, $0xb8;
	[tilespmem:$0x1AB50] =	vst v63  }
0x117: {  	_ =	swait.ge [sflag:s7], $0x1000  }
0x118: {  	[sflag:s7] =	ssyncset.done $0x0  }
0x119: {  	[sflag:s7] =	ssyncadd.s32 $0xFFFFF000  }
0x11a: {  	[spmem:s3] =	stream.indirect.scatter.add.f32 [tilespmem:s30], [sflag:$0x5], $0x20, s29, s25, $0xb8;
	[tilespmem:$0x1AB50] =	vst v63  }
0x11b: {  	_ =	swait.ge [sflag:s24], $0x1000  }
0x11c: {  	[sflag:s24] =	ssyncset.done $0x0  }
0x11d: {  	s6 =	simm.s32 @!p4 $0x80;
	s9 =	simm.s32 @!p4 $0xC000;
	[sflag:s24] =	ssyncadd.s32 $0xFFFFF000  }
0x11e: {  	[tilespmem:s9], [sflag:$0x3] =	stream.indirect.gather @!p4 [spmem:s2], $0x20, s22, s6, $0xb8;
	[tilespmem:$0x1AB50] =	vst v63  }
0x11f: {  	_ =	swait.ge [sflag:s8], $0x1000  }
0x120: {  	[sflag:s8] =	ssyncset.done $0x0  }
0x121: {  	[sflag:s8] =	ssyncadd.s32 $0xFFFFF000  }
0x122: {  	[spmem:s3] =	stream.indirect.scatter.add.f32 [tilespmem:s0], [sflag:$0x5], $0x20, s13, s25, $0xb8;
	[tilespmem:$0x1AB50] =	vst v63  }
0x123: {  	_ =	swait.ge [sflag:s24], $0x1000  }
0x124: {  	[sflag:s24] =	ssyncset.done $0x0  }
0x125: {  	s6 =	simm.s32 @!p5 $0x80;
	s9 =	simm.s32 @!p5 $0xD000;
	[sflag:s24] =	ssyncadd.s32 $0xFFFFF000  }
0x126: {  	[tilespmem:s9], [sflag:$0x4] =	stream.indirect.gather @!p5 [spmem:s2], $0x20, s17, s6, $0xb8;
	[tilespmem:$0x1AB50] =	vst v63  }
0x127: {  	[bflag:$0x0] =	sbarrier.arrive $0xFFFF  }
0x128: {  	s13 =	rddreg [dreg:$0x10]  }
0x129: {  	s9 =	rddreg [dreg:$0x12];
	s6 =	sshrl.u32 @p0 s13, $0x3  }
0x12a: {  	[hbm:s9], [sflag:s11] =	dma.local @p0 [spmem:s6], $0x9C4  }
0x12b: {  	s6 =	simm.s32 @p0 $0x5  }
0x12c: {  	_ =	swait.ge @p0 [sflag:s6], $0x9C4  }
0x12d: {  	[sflag:s6] =	ssyncset.done @p0 $0x0;
	s17 =	rddreg [dreg:$0xe]  }
0x12e: {  	s12 =	rddreg [dreg:$0x13];
	[sflag:s6] =	ssyncadd.s32 @p0 $0xFFFFF63C;
	s9 =	sshrl.u32 @p0 s17, $0x3  }
0x12f: {  	[hbm:s12], [sflag:s11] =	dma.local @p0 [spmem:s9], $0x4E2  }
0x130: {  	_ =	swait.ge @p0 [sflag:s6], $0x4E2  }
0x131: {  	[sflag:s6] =	ssyncset.done @p0 $0x0  }
0x132: {  	s9 =	rddreg [dreg:$0x11];
	[sflag:s6] =	ssyncadd.s32 @p0 $0xFFFFFB1E;
	s6 =	sshrl.u32 @!p0 s13, $0x3  }
0x133: {  	[hbm:s9], [sflag:s11] =	dma.local @!p0 [spmem:s6], $0x9C4  }
0x134: {  	s6 =	simm.s32 @!p0 $0x5  }
0x135: {  	_ =	swait.ge @!p0 [sflag:s6], $0x9C4  }
0x136: {  	s10 =	sadd.s32 $0x1, s10;
	s31 =	rddreg [dreg:$0x14]  }
0x137: {  	p2 =	sne.s32 s10, s31  }
.Ltmp3:
0x138: {  	_ = 	snop;
	(pc) =	sbr.rel @p2 .LBB2_1-.Ltmp3, $3  }
0x139: {  	_ =	sdelay $0x1  }
0x13a: {  	[sflag:s6] =	ssyncset.done @!p0 $0x0  }
0x13b: {  	s20 =	rddreg [dreg:$0x7];
	[sflag:s6] =	ssyncadd.s32 @!p0 $0xFFFFF63C  }
0x13c: {  	_ =	sfence.sel $0x180000  }
0x13d: {  	[bflag:$0x0] =	sbarrier.arrive $0xFFFF  }
0x13e: {  	_ =	strace $0x90000047  }
0x13f: {  	s0 =	stileid.u32;
	[bflag:$0x2] =	sbarrier.arrive $0xFFFF  }
0x140: {  	p0 =	sne.s32 s0, $0x0;
	s0 =	rddreg [dreg:$0x5]  }
0x141: {  	s0 =	sadd.s32 @!p0 $0x100000, s0  }
0x142: {  	[sflag:s0] =	ssyncadd.tile.s32 @!p0 $0x1;
	_ =	shalt  }
.Lfunc_end2:
_tile_overlayer_lowered:
.L_overlay_start_2:
0x143: {  	(tag) =	ssettag $0x2  }
0x144: {  	s0 =	rddreg [dreg:$0x0];
	s2 =	stileid.u32  }
0x145: {  	s1 =	rddreg [dreg:$0x1];
	p0 =	sne.s32 s2, $0x0  }
0x146: {  	s3 =	rddreg [dreg:$0x2];
	[bflag:$0x3] =	sbarrier.arrive $0xFFFF;
	s2 =	simm.s32 @!p0 $0x1C05  }
0x147: {  	[timem:s3], [sflag:s2] =	dma.local @!p0 [hbm:s0], s1  }
0x148: {  	s0 =	simm.s32 @!p0 $0x5  }
0x149: {  	_ =	swait.ge @!p0 [sflag:s0], s1  }
0x14a: {  	s1 =	ssub.s32 @!p0 $0x0, s1;
	[sflag:s0] =	ssyncset.done @!p0 $0x0  }
0x14b: {  	[sflag:s0] =	ssyncadd.s32 @!p0 s1  }
0x14c: {  	[bflag:$0x3] =	sbarrier.arrive $0xFFFF  }
0x14d: {  	_ =	shalt  }

</sc_bundles>
